<compile_context>
chip_gen: v7x
topology: tpu7x:2x2x1
jax: 0.10.2.dev20260603
libtpu: 0.0.44.dev20260713+nightly
codegen_flags: <defaults>
</compile_context>

<pallas_src>
import functools
import jax
import jax.numpy as jnp
from jax import lax
from jax.experimental import pallas as pl
from jax.experimental.pallas import tpu as pltpu, tpu_sc as plsc

NC = 2
NS = 16
L = 16
K = 1024
KC = K // 128


def _leaky(x):
    return jnp.where(x > 0, x, 0.2 * x)


def _tc1_body(x_ref, w_ref, as_ref, ad_ref, p_ref,
              ta0_ref, ta1_ref, td0_ref, td1_ref, i0_ref, i1_ref):
    h = jnp.dot(x_ref[...], w_ref[...], preferred_element_type=jnp.float32)
    asrc = jnp.dot(h, as_ref[...], preferred_element_type=jnp.float32)
    adst = jnp.dot(h, ad_ref[...], preferred_element_type=jnp.float32)
    ex = jnp.exp(_leaky(asrc + adst))
    ex_rep = jnp.dot(ex, p_ref[...], preferred_element_type=jnp.float32)
    nb = h.shape[0]
    z12 = jnp.zeros((nb, 12), jnp.float32)
    for g, (ta_ref, td_ref, init_ref) in enumerate(
            [(ta0_ref, td0_ref, i0_ref), (ta1_ref, td1_ref, i1_ref)]):
        hg = h[:, 32 * g:32 * g + 32]
        ta_ref[...] = jnp.concatenate(
            [hg, asrc[:, 4 * g:4 * g + 4], z12], axis=1)
        td_ref[...] = jnp.concatenate([adst[:, 4 * g:4 * g + 4], z12], axis=1)
        init_ref[...] = jnp.concatenate(
            [hg * ex_rep[:, 32 * g:32 * g + 32], ex[:, 4 * g:4 * g + 4], z12],
            axis=1)


def _tc_layer1(x, W1, As1, Ad1, P1, nblk):
    n, d = x.shape
    c1 = W1.shape[1]
    h1 = As1.shape[1]
    grid = n // nblk
    return pl.pallas_call(
        _tc1_body,
        grid=(grid,),
        in_specs=[
            pl.BlockSpec((nblk, d), lambda i: (i, 0)),
            pl.BlockSpec((d, c1), lambda i: (0, 0)),
            pl.BlockSpec((c1, h1), lambda i: (0, 0)),
            pl.BlockSpec((c1, h1), lambda i: (0, 0)),
            pl.BlockSpec((h1, c1), lambda i: (0, 0)),
        ],
        out_specs=[
            pl.BlockSpec((nblk, 48), lambda i: (i, 0)),
            pl.BlockSpec((nblk, 48), lambda i: (i, 0)),
            pl.BlockSpec((nblk, 16), lambda i: (i, 0)),
            pl.BlockSpec((nblk, 16), lambda i: (i, 0)),
            pl.BlockSpec((nblk, 48), lambda i: (i, 0)),
            pl.BlockSpec((nblk, 48), lambda i: (i, 0)),
        ],
        out_shape=[
            jax.ShapeDtypeStruct((n, 48), jnp.float32),
            jax.ShapeDtypeStruct((n, 48), jnp.float32),
            jax.ShapeDtypeStruct((n, 16), jnp.float32),
            jax.ShapeDtypeStruct((n, 16), jnp.float32),
            jax.ShapeDtypeStruct((n, 48), jnp.float32),
            jax.ShapeDtypeStruct((n, 48), jnp.float32),
        ],
    )(x, W1, As1, Ad1, P1)


def _tc2_body(a0_ref, a1_ref, p_ref, b1_ref, w2_ref, s2_ref, d2_ref,
              ts_ref, td_ref, init_ref):
    a0 = a0_ref[...]
    a1 = a1_ref[...]
    num = jnp.concatenate([a0[:, :32], a1[:, :32]], axis=1)
    den = jnp.concatenate([a0[:, 32:36], a1[:, 32:36]], axis=1)
    den_rep = jnp.dot(den, p_ref[...], preferred_element_type=jnp.float32)
    h1 = num / (den_rep + 1e-16) + b1_ref[...]
    h1 = jnp.where(h1 > 0, h1, jnp.exp(h1) - 1.0)
    h2 = jnp.dot(h1, w2_ref[...], preferred_element_type=jnp.float32)
    asrc = jnp.dot(h2, s2_ref[...], preferred_element_type=jnp.float32)
    adst = jnp.dot(h2, d2_ref[...], preferred_element_type=jnp.float32)
    ex = jnp.exp(_leaky(asrc + adst))
    nb = h2.shape[0]
    z8 = jnp.zeros((nb, 8), jnp.float32)
    ts_ref[...] = jnp.concatenate([h2, asrc, z8], axis=1)
    td_ref[...] = jnp.broadcast_to(adst, (nb, 16))
    init_ref[...] = jnp.concatenate([h2 * ex, ex, z8], axis=1)


def _tc_layer2(acc0, acc1, P1T, b1, W2, s2, d2, nblk):
    n = acc0.shape[0]
    c1 = W2.shape[0]
    c2 = W2.shape[1]
    grid = n // nblk
    return pl.pallas_call(
        _tc2_body,
        grid=(grid,),
        in_specs=[
            pl.BlockSpec((nblk, 48), lambda i: (i, 0)),
            pl.BlockSpec((nblk, 48), lambda i: (i, 0)),
            pl.BlockSpec((8, 64), lambda i: (0, 0)),
            pl.BlockSpec((1, c1), lambda i: (0, 0)),
            pl.BlockSpec((c1, c2), lambda i: (0, 0)),
            pl.BlockSpec((c2, 1), lambda i: (0, 0)),
            pl.BlockSpec((c2, 1), lambda i: (0, 0)),
        ],
        out_specs=[
            pl.BlockSpec((nblk, 16), lambda i: (i, 0)),
            pl.BlockSpec((nblk, 16), lambda i: (i, 0)),
            pl.BlockSpec((nblk, 16), lambda i: (i, 0)),
        ],
        out_shape=[
            jax.ShapeDtypeStruct((n, 16), jnp.float32),
            jax.ShapeDtypeStruct((n, 16), jnp.float32),
            jax.ShapeDtypeStruct((n, 16), jnp.float32),
        ],
    )(acc0, acc1, P1T, b1, W2, s2, d2)


def _tc3_body(acc_ref, b2_ref, out_ref):
    acc = acc_ref[...]
    nb = acc.shape[0]
    num = acc[:, :7]
    den = acc[:, 7:8]
    v = num / (den + 1e-16) + b2_ref[...]
    m = jnp.max(v, axis=1, keepdims=True)
    s = jnp.sum(jnp.exp(v - m), axis=1, keepdims=True)
    res = v - m - jnp.log(s)
    out_ref[...] = jnp.concatenate([res, jnp.zeros((nb, 9), jnp.float32)],
                                   axis=1)


def _tc_final(acc2, b2, nblk):
    n = acc2.shape[0]
    grid = n // nblk
    return pl.pallas_call(
        _tc3_body,
        grid=(grid,),
        in_specs=[
            pl.BlockSpec((nblk, 16), lambda i: (i, 0)),
            pl.BlockSpec((1, 7), lambda i: (0, 0)),
        ],
        out_specs=pl.BlockSpec((nblk, 16), lambda i: (i, 0)),
        out_shape=jax.ShapeDtypeStruct((n, 16), jnp.float32),
    )(acc2, b2)


def _make_sc_pass(n, e, epad, nh, nhpad, width, layer, k):
    kc = k // 128
    rounds = epad // (NS * k)
    rpt = nhpad // NS
    mesh = plsc.VectorSubcoreMesh(core_axis_name="c", subcore_axis_name="s",
                                  num_cores=NC, num_subcores=NS)

    @functools.partial(
        pl.kernel, mesh=mesh,
        compiler_params=pltpu.CompilerParams(needs_layout_passes=False,
                                             use_tc_tiling_on_sc=False),
        out_type=jax.ShapeDtypeStruct((NC * nhpad, width), jnp.float32),
        scratch_types=[
            pltpu.VMEM((k,), jnp.int32),
            pltpu.VMEM((k,), jnp.int32),
            pltpu.VMEM((kc, 128), jnp.int32),
            pltpu.VMEM((k, width), jnp.float32),
            pltpu.VMEM((k, 16), jnp.float32),
            pltpu.SemaphoreType.DMA,
            pltpu.SemaphoreType.DMA,
            pltpu.VMEM_SHARED((nhpad, width), jnp.float32),
        ],
    )
    def sc_pass(ta_hbm, td_hbm, init_hbm, src_hbm, dst_hbm, out_hbm,
                srcv, dstv, sidx, buf, bufd, sema, semb, accum):
        c = lax.axis_index("c")
        s = lax.axis_index("s")
        base_node = c * nh
        r0 = s * rpt
        pltpu.sync_copy(init_hbm.at[pl.ds(base_node + r0, rpt)],
                        accum.at[pl.ds(r0, rpt)])
        plsc.subcore_barrier()

        iota16 = lax.iota(jnp.int32, L)
        one = jnp.full((L,), 1.0, jnp.float32)
        zero = jnp.full((L,), 0.0, jnp.float32)
        mask4 = jnp.where(iota16 < 4, one, zero)
        maska = jnp.where(iota16 < 7, one, zero)
        maskb = jnp.where(iota16 == 7, one, zero)

        def round_body(r, _):
            e_base = (r * NS + s) * k
            pltpu.sync_copy(src_hbm.at[pl.ds(e_base, k)], srcv)
            pltpu.sync_copy(dst_hbm.at[pl.ds(e_base, k)], dstv)
            cps = []
            for j in range(kc):
                sl = pl.ds(j * 128, 128)
                cps.append(pltpu.async_copy(
                    ta_hbm.at[srcv.at[sl]], buf.at[sl], sema))
                cps.append(pltpu.async_copy(
                    td_hbm.at[dstv.at[sl]], bufd.at[sl], semb))
            for cp in cps:
                cp.wait()

            def sidx_body(jj, _):
                d16 = plsc.load_gather(dstv, [jj * L + iota16])
                ids = e_base + jj * L + iota16
                own = ((d16 >= base_node) & (d16 < base_node + nh)
                       & (ids < e))
                si = jnp.where(own, d16 - base_node, nh)
                rowv = jnp.full((L,), jj // 8, jnp.int32)
                colv = (jj % 8) * L + iota16
                plsc.store_scatter(sidx, [rowv, colv], si)
                return 0
            lax.fori_loop(0, k // L, sidx_body, 0)

            if layer == 1:
                c32 = 32 + iota16
                q_rows = iota16 // 4
                q_cols = iota16 % 4

                def alpha_body(q, _):
                    rows = q * 4 + q_rows
                    va = (plsc.load_gather(buf, [rows, 32 + q_cols])
                          + plsc.load_gather(bufd, [rows, q_cols]))
                    ex = jnp.exp(_leaky(va))
                    plsc.store_scatter(bufd, [rows, q_cols], ex)
                    return 0
                lax.fori_loop(0, k // 4, alpha_body, 0)

                def row_body(rr, _):
                    rvec = jnp.full((L,), rr, jnp.int32)
                    for j in range(2):
                        colj = 2 * j + iota16 // 8
                        m = plsc.load_gather(bufd, [rvec, colj])
                        cj = j * L + iota16
                        v = plsc.load_gather(buf, [rvec, cj]) * m
                        plsc.store_scatter(buf, [rvec, cj], v)
                    den = plsc.load_gather(bufd, [rvec, q_cols]) * mask4
                    plsc.store_scatter(buf, [rvec, c32], den)
                    return 0
            else:
                c7 = jnp.full((L,), 7, jnp.int32)
                zero16 = jnp.full((L,), 0, jnp.int32)

                def alpha_body(q, _):
                    rows = q * L + iota16
                    va = (plsc.load_gather(buf, [rows, c7])
                          + plsc.load_gather(bufd, [rows, zero16]))
                    ex = jnp.exp(_leaky(va))
                    plsc.store_scatter(bufd, [rows, zero16], ex)
                    return 0
                lax.fori_loop(0, k // L, alpha_body, 0)

                def row_body(rr, _):
                    rvec = jnp.full((L,), rr, jnp.int32)
                    vs = plsc.load_gather(buf, [rvec, iota16])
                    m = plsc.load_gather(bufd, [rvec, zero16])
                    out = vs * m * maska + m * maskb
                    plsc.store_scatter(buf, [rvec, iota16], out)
                    return 0
            lax.fori_loop(0, k, row_body, 0)

            for j in range(kc):
                pltpu.sync_copy(buf.at[pl.ds(j * 128, 128)],
                                accum.at[sidx.at[j]], add=True)
            return 0
        lax.fori_loop(0, rounds, round_body, 0)
        plsc.subcore_barrier()
        pltpu.sync_copy(accum.at[pl.ds(r0, rpt)],
                        out_hbm.at[pl.ds(c * nhpad + r0, rpt)])

    return sc_pass


def kernel(x, edge_index, W1, att_src1, att_dst1, b1,
           W2, att_src2, att_dst2, b2):
    n, d = x.shape
    e = edge_index.shape[1]
    h1, f1 = att_src1.shape
    c1 = h1 * f1
    c2 = W2.shape[1]

    nh = (n + 1) // 2
    nhpad = ((nh + 1 + 127) // 128) * 128
    epad = ((e + NS * K - 1) // (NS * K)) * (NS * K)

    eye_h = jnp.eye(h1, dtype=jnp.float32)
    blk = jnp.repeat(eye_h, f1, axis=0)
    As1 = blk * att_src1.reshape(c1)[:, None]
    Ad1 = blk * att_dst1.reshape(c1)[:, None]
    P1 = blk.T
    s2 = att_src2.reshape(c2, 1)
    d2 = att_dst2.reshape(c2, 1)

    src = edge_index[0].astype(jnp.int32)
    dst = edge_index[1].astype(jnp.int32)
    src_p = jnp.pad(src, (0, epad - e))
    dst_p = jnp.pad(dst, (0, epad - e))

    ta_g0, ta_g1, td_g0, td_g1, in_g0, in_g1 = _tc_layer1(
        x, W1, As1, Ad1, P1, 400)
    pad_rows = ((0, nh + nhpad - n), (0, 0))
    sc1 = _make_sc_pass(n, e, epad, nh, nhpad, 48, 1, 512)
    acc_g0 = sc1(ta_g0, td_g0, jnp.pad(in_g0, pad_rows), src_p, dst_p)
    acc_g1 = sc1(ta_g1, td_g1, jnp.pad(in_g1, pad_rows), src_p, dst_p)

    def _stitch(a):
        return jnp.concatenate([a[:nh], a[nhpad:nhpad + n - nh]], axis=0)
    acc_g0 = _stitch(acc_g0)
    acc_g1 = _stitch(acc_g1)

    ta2, td2, init2 = _tc_layer2(acc_g0, acc_g1, P1, b1.reshape(1, c1),
                                 W2, s2, d2, 400)
    sc2 = _make_sc_pass(n, e, epad, nh, nhpad, 16, 2, 1024)
    acc2 = sc2(ta2, td2, jnp.pad(init2, pad_rows), src_p, dst_p)
    acc2 = _stitch(acc2)

    out = _tc_final(acc2, b2.reshape(1, c2), 400)
    return out[:, :c2]

# --- scband reference (transcript-rebuilt; emitter-appended) ---
"""Pipeline reference for scband-net-23587960389975 (READ-ONLY COPY).

The authoritative reference and input builder live on the scoring server;
editing this copy changes nothing except your own understanding.
"""

import jax, jax.numpy as jnp
import numpy as np

N = 50000
E = 800000
D_IN = 1433
H1, F1 = 8, 8
H2, F2 = 1, 7


def _gat_conv(x, edge_index, W, att_src, att_dst, bias, heads, out_ch, concat):
    n = x.shape[0]
    h = (x @ W).reshape(n, heads, out_ch)
    loop = jnp.arange(n, dtype=edge_index.dtype)
    src = jnp.concatenate([edge_index[0], loop])
    dst = jnp.concatenate([edge_index[1], loop])
    a_src = (h * att_src[None]).sum(-1)
    a_dst = (h * att_dst[None]).sum(-1)
    alpha = a_src[src] + a_dst[dst]
    alpha = jax.nn.leaky_relu(alpha, negative_slope=0.2)
    amax = jax.ops.segment_max(alpha, dst, num_segments=n)
    amax = jnp.where(jnp.isfinite(amax), amax, 0.0)
    ex = jnp.exp(alpha - amax[dst])
    denom = jax.ops.segment_sum(ex, dst, num_segments=n)
    coef = ex / (denom[dst] + 1e-16)
    msg = h[src] * coef[:, :, None]
    out = jax.ops.segment_sum(msg, dst, num_segments=n)
    if concat:
        out = out.reshape(n, heads * out_ch)
    else:
        out = out.mean(axis=1)
    return out + bias


def setup_inputs(seed: int = 0):
    key = jax.random.key(seed)
    ks = jax.random.split(key, 10)
    x = jax.random.normal(ks[0], (N, D_IN), dtype=jnp.float32)
    edge_index = jax.random.randint(ks[1], (2, E), 0, N)
    W1 = jax.random.normal(ks[2], (D_IN, H1 * F1), dtype=jnp.float32) / np.sqrt(D_IN)
    att_src1 = jax.random.normal(ks[3], (H1, F1), dtype=jnp.float32) * 0.1
    att_dst1 = jax.random.normal(ks[4], (H1, F1), dtype=jnp.float32) * 0.1
    b1 = jnp.zeros((H1 * F1,), dtype=jnp.float32)
    W2 = jax.random.normal(ks[5], (H1 * F1, H2 * F2), dtype=jnp.float32) / np.sqrt(H1 * F1)
    att_src2 = jax.random.normal(ks[6], (H2, F2), dtype=jnp.float32) * 0.1
    att_dst2 = jax.random.normal(ks[7], (H2, F2), dtype=jnp.float32) * 0.1
    b2 = jnp.zeros((F2,), dtype=jnp.float32)
    return {"x": x, "edge_index": edge_index, "W1": W1, "att_src1": att_src1,
            "att_dst1": att_dst1, "b1": b1, "W2": W2, "att_src2": att_src2,
            "att_dst2": att_dst2, "b2": b2}


def reference(x, edge_index, W1, att_src1, att_dst1, b1, W2, att_src2, att_dst2, b2):
    # dropout layers are no-ops in eval mode (training=False)
    h = _gat_conv(x, edge_index, W1, att_src1, att_dst1, b1, H1, F1, True)
    h = jax.nn.elu(h)
    h = _gat_conv(h, edge_index, W2, att_src2, att_dst2, b2, H2, F2, False)
    return jax.nn.log_softmax(h, axis=1)

if __name__ == "__main__":
    import jax
    _d = setup_inputs()
    print(jax.jit(kernel)(*tuple(_d.values())))

</pallas_src>

<mosaic_0001>
#map = affine_map<(d0, d1) -> (0, 0)>
#map1 = affine_map<(d0, d1) -> (0)>
module attributes {stable_mosaic.version = 14 : i64} {
  func.func @sc_pass(%arg0: i32, %arg1: i32, %arg2: memref<50000x48xf32, #tpu.memory_space<hbm>>, %arg3: memref<50000x16xf32, #tpu.memory_space<hbm>>, %arg4: memref<50088x48xf32, #tpu.memory_space<hbm>>, %arg5: memref<802816xi32, #tpu.memory_space<hbm>>, %arg6: memref<802816xi32, #tpu.memory_space<hbm>>, %arg7: memref<50176x48xf32, #tpu.memory_space<hbm>>, %arg8: memref<512xi32, #tpu.memory_space<vmem>>, %arg9: memref<512xi32, #tpu.memory_space<vmem>>, %arg10: memref<4x128xi32, #tpu.memory_space<vmem>>, %arg11: memref<512x48xf32, #tpu.memory_space<vmem>>, %arg12: memref<512x16xf32, #tpu.memory_space<vmem>>, %arg13: memref<!tpu.dma_semaphore, #tpu.memory_space<semaphore_mem>>, %arg14: memref<!tpu.dma_semaphore, #tpu.memory_space<semaphore_mem>>, %arg15: memref<25088x48xf32, #tpu.memory_space<vmem_shared>>) attributes {dimension_semantics = [#tpu.dimension_semantics<core_parallel>, #tpu.dimension_semantics<subcore_parallel>], iteration_bounds = array<i64: 2, 16>, scalar_prefetch = 0 : i64, scratch_operands = 8 : i64, tpu.core_type = #tpu.core_type<sc_vector_subcore>, window_params = [{transform_indices = #map}, {transform_indices = #map}, {transform_indices = #map}, {transform_indices = #map1}, {transform_indices = #map1}, {transform_indices = #map}]} {
    %mul3A = arith.constant 25000 : i32
    %mul3A_0 = arith.muli %arg0, %mul3A : i32
    %mul3A_1 = arith.constant 1568 : i32
    %mul3A_2 = arith.muli %arg1, %mul3A_1 : i32
    %add3A = arith.addi %mul3A_0, %mul3A_2 : i32
    "tpu.region"() ({
      %run_scoped3A = tpu.sem_alloc : memref<!tpu.dma_semaphore, #tpu.memory_space<semaphore_mem>>
      %dma_start3A = arith.constant 0 : i32
      %dma_start3A_25 = tpu.memref_slice %arg15[%mul3A_2, %dma_start3A] : memref<25088x48xf32, #tpu.memory_space<vmem_shared>> -> memref<1568x48xf32, #tpu.memory_space<vmem_shared>>
      %dma_start3A_26 = arith.constant 0 : i32
      %dma_start3A_27 = tpu.memref_slice %arg4[%add3A, %dma_start3A_26] : memref<50088x48xf32, #tpu.memory_space<hbm>> -> memref<1568x48xf32, #tpu.memory_space<hbm>>
      tpu.enqueue_dma source(%dma_start3A_27 : memref<1568x48xf32, #tpu.memory_space<hbm>>) target(%dma_start3A_25 : memref<1568x48xf32, #tpu.memory_space<vmem_shared>>) target_semaphore(%run_scoped3A : memref<!tpu.dma_semaphore, #tpu.memory_space<semaphore_mem>>)
      %dma_wait3A = arith.constant 0 : i32
      %dma_wait3A_28 = tpu.memref_slice %arg15[%mul3A_2, %dma_wait3A] : memref<25088x48xf32, #tpu.memory_space<vmem_shared>> -> memref<1568x48xf32, #tpu.memory_space<vmem_shared>>
      %dma_wait3A_29 = arith.constant 0 : i32
      %dma_wait3A_30 = tpu.memref_slice %arg4[%add3A, %dma_wait3A_29] : memref<50088x48xf32, #tpu.memory_space<hbm>> -> memref<1568x48xf32, #tpu.memory_space<hbm>>
      tpu.wait_dma2 semaphore(%run_scoped3A : memref<!tpu.dma_semaphore, #tpu.memory_space<semaphore_mem>>) src(%dma_wait3A_30 : memref<1568x48xf32, #tpu.memory_space<hbm>>) dst(%dma_wait3A_28 : memref<1568x48xf32, #tpu.memory_space<vmem_shared>>)
      tpu.yield
    }) : () -> ()
    %barrier3A = arith.constant 0 : index
    tpu.barrier barrier_id(%barrier3A)
    %iota3A = tpu.iota {dimensions = array<i32: 0>} : vector<16xi32>
    %broadcast_in_dim3A = arith.constant 1.000000e+00 : f32
    %broadcast_in_dim3A_3 = vector.broadcast %broadcast_in_dim3A : f32 to vector<16xf32>
    %broadcast_in_dim3A_4 = arith.constant 0.000000e+00 : f32
    %broadcast_in_dim3A_5 = vector.broadcast %broadcast_in_dim3A_4 : f32 to vector<16xf32>
    %lt3A = arith.constant 4 : i32
    %lt3A_6 = vector.broadcast %lt3A : i32 to vector<16xi32>
    %lt3A_7 = arith.cmpi slt, %iota3A, %lt3A_6 : vector<16xi32>
    %select_n3A = arith.select %lt3A_7, %broadcast_in_dim3A_3, %broadcast_in_dim3A_5 : vector<16xi1>, vector<16xf32>
    %lt3A_8 = arith.constant 7 : i32
    %lt3A_9 = vector.broadcast %lt3A_8 : i32 to vector<16xi32>
    %lt3A_10 = arith.cmpi slt, %iota3A, %lt3A_9 : vector<16xi32>
    %select_n3A_11 = arith.select %lt3A_10, %broadcast_in_dim3A_3, %broadcast_in_dim3A_5 : vector<16xi1>, vector<16xf32>
    %eq3A = arith.constant 7 : i32
    %eq3A_12 = vector.broadcast %eq3A : i32 to vector<16xi32>
    %eq3A_13 = arith.cmpi eq, %iota3A, %eq3A_12 : vector<16xi32>
    %select_n3A_14 = arith.select %eq3A_13, %broadcast_in_dim3A_3, %broadcast_in_dim3A_5 : vector<16xi1>, vector<16xf32>
    %scan3A = arith.constant 0 : i32
    %scan3A_15 = arith.constant 0 : i32
    %scan3A_16 = arith.constant 98 : i32
    %scan3A_17 = arith.addi %scan3A_15, %scan3A_16 : i32
    %scan3A_18 = arith.constant 1 : i32
    %scan3A_19 = scf.for %scan3A_25 = %scan3A_15 to %scan3A_17 step %scan3A_18 iter_args(%scan3A_26 = %scan3A) -> (i32)  : i32 {
      %mul3A_27 = arith.constant 16 : i32
      %mul3A_28 = arith.muli %scan3A_25, %mul3A_27 : i32
      %add3A_29 = arith.addi %mul3A_28, %arg1 : i32
      %mul3A_30 = arith.constant 512 : i32
      %mul3A_31 = arith.muli %add3A_29, %mul3A_30 : i32
      "tpu.region"() ({
        %run_scoped3A_232 = tpu.sem_alloc : memref<!tpu.dma_semaphore, #tpu.memory_space<semaphore_mem>>
        %dma_start3A_233 = tpu.memref_slice %arg5[%mul3A_31] : memref<802816xi32, #tpu.memory_space<hbm>> -> memref<512xi32, #tpu.memory_space<hbm>>
        %dma_start3A_234 = tpu.memref_slice %arg5[%mul3A_31] : memref<802816xi32, #tpu.memory_space<hbm>> -> memref<512xi32, #tpu.memory_space<hbm>>
        tpu.enqueue_dma source(%dma_start3A_234 : memref<512xi32, #tpu.memory_space<hbm>>) target(%arg8 : memref<512xi32, #tpu.memory_space<vmem>>) target_semaphore(%run_scoped3A_232 : memref<!tpu.dma_semaphore, #tpu.memory_space<semaphore_mem>>)
        %dma_wait3A_235 = tpu.memref_slice %arg5[%mul3A_31] : memref<802816xi32, #tpu.memory_space<hbm>> -> memref<512xi32, #tpu.memory_space<hbm>>
        %dma_wait3A_236 = tpu.memref_slice %arg5[%mul3A_31] : memref<802816xi32, #tpu.memory_space<hbm>> -> memref<512xi32, #tpu.memory_space<hbm>>
        tpu.wait_dma2 semaphore(%run_scoped3A_232 : memref<!tpu.dma_semaphore, #tpu.memory_space<semaphore_mem>>) src(%dma_wait3A_236 : memref<512xi32, #tpu.memory_space<hbm>>) dst(%arg8 : memref<512xi32, #tpu.memory_space<vmem>>)
        tpu.yield
      }) : () -> ()
      "tpu.region"() ({
        %run_scoped3A_232 = tpu.sem_alloc : memref<!tpu.dma_semaphore, #tpu.memory_space<semaphore_mem>>
        %dma_start3A_233 = tpu.memref_slice %arg6[%mul3A_31] : memref<802816xi32, #tpu.memory_space<hbm>> -> memref<512xi32, #tpu.memory_space<hbm>>
        %dma_start3A_234 = tpu.memref_slice %arg6[%mul3A_31] : memref<802816xi32, #tpu.memory_space<hbm>> -> memref<512xi32, #tpu.memory_space<hbm>>
        tpu.enqueue_dma source(%dma_start3A_234 : memref<512xi32, #tpu.memory_space<hbm>>) target(%arg9 : memref<512xi32, #tpu.memory_space<vmem>>) target_semaphore(%run_scoped3A_232 : memref<!tpu.dma_semaphore, #tpu.memory_space<semaphore_mem>>)
        %dma_wait3A_235 = tpu.memref_slice %arg6[%mul3A_31] : memref<802816xi32, #tpu.memory_space<hbm>> -> memref<512xi32, #tpu.memory_space<hbm>>
        %dma_wait3A_236 = tpu.memref_slice %arg6[%mul3A_31] : memref<802816xi32, #tpu.memory_space<hbm>> -> memref<512xi32, #tpu.memory_space<hbm>>
        tpu.wait_dma2 semaphore(%run_scoped3A_232 : memref<!tpu.dma_semaphore, #tpu.memory_space<semaphore_mem>>) src(%dma_wait3A_236 : memref<512xi32, #tpu.memory_space<hbm>>) dst(%arg9 : memref<512xi32, #tpu.memory_space<vmem>>)
        tpu.yield
      }) : () -> ()
      %dma_start3A = arith.constant 0 : i32
      %dma_start3A_32 = arith.constant 0 : i32
      %dma_start3A_33 = tpu.memref_slice %arg11[%dma_start3A, %dma_start3A_32] : memref<512x48xf32, #tpu.memory_space<vmem>> -> memref<128x48xf32, #tpu.memory_space<vmem>>
      %dma_start3A_34 = arith.constant 0 : i32
      %dma_start3A_35 = tpu.memref_slice %arg8[%dma_start3A_34] : memref<512xi32, #tpu.memory_space<vmem>> -> memref<128xi32, #tpu.memory_space<vmem>>
      %dma_start3A_36 = arith.constant 0 : i32
      %dma_start3A_37 = arith.constant 0 : i32
      %dma_start3A_38 = tpu.memref_slice %arg2[%dma_start3A_36, %dma_start3A_37] : memref<50000x48xf32, #tpu.memory_space<hbm>> -> memref<50000x48xf32, #tpu.memory_space<hbm>>
      tpu.enqueue_indirect_dma source(%dma_start3A_38 : memref<50000x48xf32, #tpu.memory_space<hbm>>) target(%dma_start3A_33 : memref<128x48xf32, #tpu.memory_space<vmem>>) offsets(%dma_start3A_35 : memref<128xi32, #tpu.memory_space<vmem>>) semaphore(%arg13 : memref<!tpu.dma_semaphore, #tpu.memory_space<semaphore_mem>>)
      %dma_start3A_39 = arith.constant 0 : i32
      %dma_start3A_40 = arith.constant 0 : i32
      %dma_start3A_41 = tpu.memref_slice %arg12[%dma_start3A_39, %dma_start3A_40] : memref<512x16xf32, #tpu.memory_space<vmem>> -> memref<128x16xf32, #tpu.memory_space<vmem>>
      %dma_start3A_42 = arith.constant 0 : i32
      %dma_start3A_43 = tpu.memref_slice %arg9[%dma_start3A_42] : memref<512xi32, #tpu.memory_space<vmem>> -> memref<128xi32, #tpu.memory_space<vmem>>
      %dma_start3A_44 = arith.constant 0 : i32
      %dma_start3A_45 = arith.constant 0 : i32
      %dma_start3A_46 = tpu.memref_slice %arg3[%dma_start3A_44, %dma_start3A_45] : memref<50000x16xf32, #tpu.memory_space<hbm>> -> memref<50000x16xf32, #tpu.memory_space<hbm>>
      tpu.enqueue_indirect_dma source(%dma_start3A_46 : memref<50000x16xf32, #tpu.memory_space<hbm>>) target(%dma_start3A_41 : memref<128x16xf32, #tpu.memory_space<vmem>>) offsets(%dma_start3A_43 : memref<128xi32, #tpu.memory_space<vmem>>) semaphore(%arg14 : memref<!tpu.dma_semaphore, #tpu.memory_space<semaphore_mem>>)
      %dma_start3A_47 = arith.constant 128 : i32
      %dma_start3A_48 = arith.constant 0 : i32
      %dma_start3A_49 = tpu.memref_slice %arg11[%dma_start3A_47, %dma_start3A_48] : memref<512x48xf32, #tpu.memory_space<vmem>> -> memref<128x48xf32, #tpu.memory_space<vmem>>
      %dma_start3A_50 = arith.constant 128 : i32
      %dma_start3A_51 = tpu.memref_slice %arg8[%dma_start3A_50] : memref<512xi32, #tpu.memory_space<vmem>> -> memref<128xi32, #tpu.memory_space<vmem>>
      %dma_start3A_52 = arith.constant 0 : i32
      %dma_start3A_53 = arith.constant 0 : i32
      %dma_start3A_54 = tpu.memref_slice %arg2[%dma_start3A_52, %dma_start3A_53] : memref<50000x48xf32, #tpu.memory_space<hbm>> -> memref<50000x48xf32, #tpu.memory_space<hbm>>
      tpu.enqueue_indirect_dma source(%dma_start3A_54 : memref<50000x48xf32, #tpu.memory_space<hbm>>) target(%dma_start3A_49 : memref<128x48xf32, #tpu.memory_space<vmem>>) offsets(%dma_start3A_51 : memref<128xi32, #tpu.memory_space<vmem>>) semaphore(%arg13 : memref<!tpu.dma_semaphore, #tpu.memory_space<semaphore_mem>>)
      %dma_start3A_55 = arith.constant 128 : i32
      %dma_start3A_56 = arith.constant 0 : i32
      %dma_start3A_57 = tpu.memref_slice %arg12[%dma_start3A_55, %dma_start3A_56] : memref<512x16xf32, #tpu.memory_space<vmem>> -> memref<128x16xf32, #tpu.memory_space<vmem>>
      %dma_start3A_58 = arith.constant 128 : i32
      %dma_start3A_59 = tpu.memref_slice %arg9[%dma_start3A_58] : memref<512xi32, #tpu.memory_space<vmem>> -> memref<128xi32, #tpu.memory_space<vmem>>
      %dma_start3A_60 = arith.constant 0 : i32
      %dma_start3A_61 = arith.constant 0 : i32
      %dma_start3A_62 = tpu.memref_slice %arg3[%dma_start3A_60, %dma_start3A_61] : memref<50000x16xf32, #tpu.memory_space<hbm>> -> memref<50000x16xf32, #tpu.memory_space<hbm>>
      tpu.enqueue_indirect_dma source(%dma_start3A_62 : memref<50000x16xf32, #tpu.memory_space<hbm>>) target(%dma_start3A_57 : memref<128x16xf32, #tpu.memory_space<vmem>>) offsets(%dma_start3A_59 : memref<128xi32, #tpu.memory_space<vmem>>) semaphore(%arg14 : memref<!tpu.dma_semaphore, #tpu.memory_space<semaphore_mem>>)
      %dma_start3A_63 = arith.constant 256 : i32
      %dma_start3A_64 = arith.constant 0 : i32
      %dma_start3A_65 = tpu.memref_slice %arg11[%dma_start3A_63, %dma_start3A_64] : memref<512x48xf32, #tpu.memory_space<vmem>> -> memref<128x48xf32, #tpu.memory_space<vmem>>
      %dma_start3A_66 = arith.constant 256 : i32
      %dma_start3A_67 = tpu.memref_slice %arg8[%dma_start3A_66] : memref<512xi32, #tpu.memory_space<vmem>> -> memref<128xi32, #tpu.memory_space<vmem>>
      %dma_start3A_68 = arith.constant 0 : i32
      %dma_start3A_69 = arith.constant 0 : i32
      %dma_start3A_70 = tpu.memref_slice %arg2[%dma_start3A_68, %dma_start3A_69] : memref<50000x48xf32, #tpu.memory_space<hbm>> -> memref<50000x48xf32, #tpu.memory_space<hbm>>
      tpu.enqueue_indirect_dma source(%dma_start3A_70 : memref<50000x48xf32, #tpu.memory_space<hbm>>) target(%dma_start3A_65 : memref<128x48xf32, #tpu.memory_space<vmem>>) offsets(%dma_start3A_67 : memref<128xi32, #tpu.memory_space<vmem>>) semaphore(%arg13 : memref<!tpu.dma_semaphore, #tpu.memory_space<semaphore_mem>>)
      %dma_start3A_71 = arith.constant 256 : i32
      %dma_start3A_72 = arith.constant 0 : i32
      %dma_start3A_73 = tpu.memref_slice %arg12[%dma_start3A_71, %dma_start3A_72] : memref<512x16xf32, #tpu.memory_space<vmem>> -> memref<128x16xf32, #tpu.memory_space<vmem>>
      %dma_start3A_74 = arith.constant 256 : i32
      %dma_start3A_75 = tpu.memref_slice %arg9[%dma_start3A_74] : memref<512xi32, #tpu.memory_space<vmem>> -> memref<128xi32, #tpu.memory_space<vmem>>
      %dma_start3A_76 = arith.constant 0 : i32
      %dma_start3A_77 = arith.constant 0 : i32
      %dma_start3A_78 = tpu.memref_slice %arg3[%dma_start3A_76, %dma_start3A_77] : memref<50000x16xf32, #tpu.memory_space<hbm>> -> memref<50000x16xf32, #tpu.memory_space<hbm>>
      tpu.enqueue_indirect_dma source(%dma_start3A_78 : memref<50000x16xf32, #tpu.memory_space<hbm>>) target(%dma_start3A_73 : memref<128x16xf32, #tpu.memory_space<vmem>>) offsets(%dma_start3A_75 : memref<128xi32, #tpu.memory_space<vmem>>) semaphore(%arg14 : memref<!tpu.dma_semaphore, #tpu.memory_space<semaphore_mem>>)
      %dma_start3A_79 = arith.constant 384 : i32
      %dma_start3A_80 = arith.constant 0 : i32
      %dma_start3A_81 = tpu.memref_slice %arg11[%dma_start3A_79, %dma_start3A_80] : memref<512x48xf32, #tpu.memory_space<vmem>> -> memref<128x48xf32, #tpu.memory_space<vmem>>
      %dma_start3A_82 = arith.constant 384 : i32
      %dma_start3A_83 = tpu.memref_slice %arg8[%dma_start3A_82] : memref<512xi32, #tpu.memory_space<vmem>> -> memref<128xi32, #tpu.memory_space<vmem>>
      %dma_start3A_84 = arith.constant 0 : i32
      %dma_start3A_85 = arith.constant 0 : i32
      %dma_start3A_86 = tpu.memref_slice %arg2[%dma_start3A_84, %dma_start3A_85] : memref<50000x48xf32, #tpu.memory_space<hbm>> -> memref<50000x48xf32, #tpu.memory_space<hbm>>
      tpu.enqueue_indirect_dma source(%dma_start3A_86 : memref<50000x48xf32, #tpu.memory_space<hbm>>) target(%dma_start3A_81 : memref<128x48xf32, #tpu.memory_space<vmem>>) offsets(%dma_start3A_83 : memref<128xi32, #tpu.memory_space<vmem>>) semaphore(%arg13 : memref<!tpu.dma_semaphore, #tpu.memory_space<semaphore_mem>>)
      %dma_start3A_87 = arith.constant 384 : i32
      %dma_start3A_88 = arith.constant 0 : i32
      %dma_start3A_89 = tpu.memref_slice %arg12[%dma_start3A_87, %dma_start3A_88] : memref<512x16xf32, #tpu.memory_space<vmem>> -> memref<128x16xf32, #tpu.memory_space<vmem>>
      %dma_start3A_90 = arith.constant 384 : i32
      %dma_start3A_91 = tpu.memref_slice %arg9[%dma_start3A_90] : memref<512xi32, #tpu.memory_space<vmem>> -> memref<128xi32, #tpu.memory_space<vmem>>
      %dma_start3A_92 = arith.constant 0 : i32
      %dma_start3A_93 = arith.constant 0 : i32
      %dma_start3A_94 = tpu.memref_slice %arg3[%dma_start3A_92, %dma_start3A_93] : memref<50000x16xf32, #tpu.memory_space<hbm>> -> memref<50000x16xf32, #tpu.memory_space<hbm>>
      tpu.enqueue_indirect_dma source(%dma_start3A_94 : memref<50000x16xf32, #tpu.memory_space<hbm>>) target(%dma_start3A_89 : memref<128x16xf32, #tpu.memory_space<vmem>>) offsets(%dma_start3A_91 : memref<128xi32, #tpu.memory_space<vmem>>) semaphore(%arg14 : memref<!tpu.dma_semaphore, #tpu.memory_space<semaphore_mem>>)
      %dma_wait3A = arith.constant 0 : i32
      %dma_wait3A_95 = arith.constant 0 : i32
      %dma_wait3A_96 = tpu.memref_slice %arg11[%dma_wait3A, %dma_wait3A_95] : memref<512x48xf32, #tpu.memory_space<vmem>> -> memref<128x48xf32, #tpu.memory_space<vmem>>
      %dma_wait3A_97 = arith.constant 0 : i32
      %dma_wait3A_98 = tpu.memref_slice %arg8[%dma_wait3A_97] : memref<512xi32, #tpu.memory_space<vmem>> -> memref<128xi32, #tpu.memory_space<vmem>>
      %dma_wait3A_99 = arith.constant 0 : i32
      %dma_wait3A_100 = arith.constant 0 : i32
      %dma_wait3A_101 = tpu.memref_slice %arg2[%dma_wait3A_99, %dma_wait3A_100] : memref<50000x48xf32, #tpu.memory_space<hbm>> -> memref<50000x48xf32, #tpu.memory_space<hbm>>
      tpu.wait_indirect_dma semaphore(%arg13 : memref<!tpu.dma_semaphore, #tpu.memory_space<semaphore_mem>>) src(%dma_wait3A_101 : memref<50000x48xf32, #tpu.memory_space<hbm>>) dst(%dma_wait3A_96 : memref<128x48xf32, #tpu.memory_space<vmem>>)
      %dma_wait3A_102 = arith.constant 0 : i32
      %dma_wait3A_103 = arith.constant 0 : i32
      %dma_wait3A_104 = tpu.memref_slice %arg12[%dma_wait3A_102, %dma_wait3A_103] : memref<512x16xf32, #tpu.memory_space<vmem>> -> memref<128x16xf32, #tpu.memory_space<vmem>>
      %dma_wait3A_105 = arith.constant 0 : i32
      %dma_wait3A_106 = tpu.memref_slice %arg9[%dma_wait3A_105] : memref<512xi32, #tpu.memory_space<vmem>> -> memref<128xi32, #tpu.memory_space<vmem>>
      %dma_wait3A_107 = arith.constant 0 : i32
      %dma_wait3A_108 = arith.constant 0 : i32
      %dma_wait3A_109 = tpu.memref_slice %arg3[%dma_wait3A_107, %dma_wait3A_108] : memref<50000x16xf32, #tpu.memory_space<hbm>> -> memref<50000x16xf32, #tpu.memory_space<hbm>>
      tpu.wait_indirect_dma semaphore(%arg14 : memref<!tpu.dma_semaphore, #tpu.memory_space<semaphore_mem>>) src(%dma_wait3A_109 : memref<50000x16xf32, #tpu.memory_space<hbm>>) dst(%dma_wait3A_104 : memref<128x16xf32, #tpu.memory_space<vmem>>)
      %dma_wait3A_110 = arith.constant 128 : i32
      %dma_wait3A_111 = arith.constant 0 : i32
      %dma_wait3A_112 = tpu.memref_slice %arg11[%dma_wait3A_110, %dma_wait3A_111] : memref<512x48xf32, #tpu.memory_space<vmem>> -> memref<128x48xf32, #tpu.memory_space<vmem>>
      %dma_wait3A_113 = arith.constant 128 : i32
      %dma_wait3A_114 = tpu.memref_slice %arg8[%dma_wait3A_113] : memref<512xi32, #tpu.memory_space<vmem>> -> memref<128xi32, #tpu.memory_space<vmem>>
      %dma_wait3A_115 = arith.constant 0 : i32
      %dma_wait3A_116 = arith.constant 0 : i32
      %dma_wait3A_117 = tpu.memref_slice %arg2[%dma_wait3A_115, %dma_wait3A_116] : memref<50000x48xf32, #tpu.memory_space<hbm>> -> memref<50000x48xf32, #tpu.memory_space<hbm>>
      tpu.wait_indirect_dma semaphore(%arg13 : memref<!tpu.dma_semaphore, #tpu.memory_space<semaphore_mem>>) src(%dma_wait3A_117 : memref<50000x48xf32, #tpu.memory_space<hbm>>) dst(%dma_wait3A_112 : memref<128x48xf32, #tpu.memory_space<vmem>>)
      %dma_wait3A_118 = arith.constant 128 : i32
      %dma_wait3A_119 = arith.constant 0 : i32
      %dma_wait3A_120 = tpu.memref_slice %arg12[%dma_wait3A_118, %dma_wait3A_119] : memref<512x16xf32, #tpu.memory_space<vmem>> -> memref<128x16xf32, #tpu.memory_space<vmem>>
      %dma_wait3A_121 = arith.constant 128 : i32
      %dma_wait3A_122 = tpu.memref_slice %arg9[%dma_wait3A_121] : memref<512xi32, #tpu.memory_space<vmem>> -> memref<128xi32, #tpu.memory_space<vmem>>
      %dma_wait3A_123 = arith.constant 0 : i32
      %dma_wait3A_124 = arith.constant 0 : i32
      %dma_wait3A_125 = tpu.memref_slice %arg3[%dma_wait3A_123, %dma_wait3A_124] : memref<50000x16xf32, #tpu.memory_space<hbm>> -> memref<50000x16xf32, #tpu.memory_space<hbm>>
      tpu.wait_indirect_dma semaphore(%arg14 : memref<!tpu.dma_semaphore, #tpu.memory_space<semaphore_mem>>) src(%dma_wait3A_125 : memref<50000x16xf32, #tpu.memory_space<hbm>>) dst(%dma_wait3A_120 : memref<128x16xf32, #tpu.memory_space<vmem>>)
      %dma_wait3A_126 = arith.constant 256 : i32
      %dma_wait3A_127 = arith.constant 0 : i32
      %dma_wait3A_128 = tpu.memref_slice %arg11[%dma_wait3A_126, %dma_wait3A_127] : memref<512x48xf32, #tpu.memory_space<vmem>> -> memref<128x48xf32, #tpu.memory_space<vmem>>
      %dma_wait3A_129 = arith.constant 256 : i32
      %dma_wait3A_130 = tpu.memref_slice %arg8[%dma_wait3A_129] : memref<512xi32, #tpu.memory_space<vmem>> -> memref<128xi32, #tpu.memory_space<vmem>>
      %dma_wait3A_131 = arith.constant 0 : i32
      %dma_wait3A_132 = arith.constant 0 : i32
      %dma_wait3A_133 = tpu.memref_slice %arg2[%dma_wait3A_131, %dma_wait3A_132] : memref<50000x48xf32, #tpu.memory_space<hbm>> -> memref<50000x48xf32, #tpu.memory_space<hbm>>
      tpu.wait_indirect_dma semaphore(%arg13 : memref<!tpu.dma_semaphore, #tpu.memory_space<semaphore_mem>>) src(%dma_wait3A_133 : memref<50000x48xf32, #tpu.memory_space<hbm>>) dst(%dma_wait3A_128 : memref<128x48xf32, #tpu.memory_space<vmem>>)
      %dma_wait3A_134 = arith.constant 256 : i32
      %dma_wait3A_135 = arith.constant 0 : i32
      %dma_wait3A_136 = tpu.memref_slice %arg12[%dma_wait3A_134, %dma_wait3A_135] : memref<512x16xf32, #tpu.memory_space<vmem>> -> memref<128x16xf32, #tpu.memory_space<vmem>>
      %dma_wait3A_137 = arith.constant 256 : i32
      %dma_wait3A_138 = tpu.memref_slice %arg9[%dma_wait3A_137] : memref<512xi32, #tpu.memory_space<vmem>> -> memref<128xi32, #tpu.memory_space<vmem>>
      %dma_wait3A_139 = arith.constant 0 : i32
      %dma_wait3A_140 = arith.constant 0 : i32
      %dma_wait3A_141 = tpu.memref_slice %arg3[%dma_wait3A_139, %dma_wait3A_140] : memref<50000x16xf32, #tpu.memory_space<hbm>> -> memref<50000x16xf32, #tpu.memory_space<hbm>>
      tpu.wait_indirect_dma semaphore(%arg14 : memref<!tpu.dma_semaphore, #tpu.memory_space<semaphore_mem>>) src(%dma_wait3A_141 : memref<50000x16xf32, #tpu.memory_space<hbm>>) dst(%dma_wait3A_136 : memref<128x16xf32, #tpu.memory_space<vmem>>)
      %dma_wait3A_142 = arith.constant 384 : i32
      %dma_wait3A_143 = arith.constant 0 : i32
      %dma_wait3A_144 = tpu.memref_slice %arg11[%dma_wait3A_142, %dma_wait3A_143] : memref<512x48xf32, #tpu.memory_space<vmem>> -> memref<128x48xf32, #tpu.memory_space<vmem>>
      %dma_wait3A_145 = arith.constant 384 : i32
      %dma_wait3A_146 = tpu.memref_slice %arg8[%dma_wait3A_145] : memref<512xi32, #tpu.memory_space<vmem>> -> memref<128xi32, #tpu.memory_space<vmem>>
      %dma_wait3A_147 = arith.constant 0 : i32
      %dma_wait3A_148 = arith.constant 0 : i32
      %dma_wait3A_149 = tpu.memref_slice %arg2[%dma_wait3A_147, %dma_wait3A_148] : memref<50000x48xf32, #tpu.memory_space<hbm>> -> memref<50000x48xf32, #tpu.memory_space<hbm>>
      tpu.wait_indirect_dma semaphore(%arg13 : memref<!tpu.dma_semaphore, #tpu.memory_space<semaphore_mem>>) src(%dma_wait3A_149 : memref<50000x48xf32, #tpu.memory_space<hbm>>) dst(%dma_wait3A_144 : memref<128x48xf32, #tpu.memory_space<vmem>>)
      %dma_wait3A_150 = arith.constant 384 : i32
      %dma_wait3A_151 = arith.constant 0 : i32
      %dma_wait3A_152 = tpu.memref_slice %arg12[%dma_wait3A_150, %dma_wait3A_151] : memref<512x16xf32, #tpu.memory_space<vmem>> -> memref<128x16xf32, #tpu.memory_space<vmem>>
      %dma_wait3A_153 = arith.constant 384 : i32
      %dma_wait3A_154 = tpu.memref_slice %arg9[%dma_wait3A_153] : memref<512xi32, #tpu.memory_space<vmem>> -> memref<128xi32, #tpu.memory_space<vmem>>
      %dma_wait3A_155 = arith.constant 0 : i32
      %dma_wait3A_156 = arith.constant 0 : i32
      %dma_wait3A_157 = tpu.memref_slice %arg3[%dma_wait3A_155, %dma_wait3A_156] : memref<50000x16xf32, #tpu.memory_space<hbm>> -> memref<50000x16xf32, #tpu.memory_space<hbm>>
      tpu.wait_indirect_dma semaphore(%arg14 : memref<!tpu.dma_semaphore, #tpu.memory_space<semaphore_mem>>) src(%dma_wait3A_157 : memref<50000x16xf32, #tpu.memory_space<hbm>>) dst(%dma_wait3A_152 : memref<128x16xf32, #tpu.memory_space<vmem>>)
      %scan3A_158 = arith.constant 0 : i32
      %scan3A_159 = arith.constant 0 : i32
      %scan3A_160 = arith.constant 32 : i32
      %scan3A_161 = arith.addi %scan3A_159, %scan3A_160 : i32
      %scan3A_162 = arith.constant 1 : i32
      %scan3A_163 = scf.for %scan3A_232 = %scan3A_159 to %scan3A_161 step %scan3A_162 iter_args(%scan3A_233 = %scan3A_158) -> (i32)  : i32 {
        %mul3A_234 = arith.constant 16 : i32
        %mul3A_235 = arith.muli %scan3A_232, %mul3A_234 : i32
        %add3A_236 = vector.broadcast %mul3A_235 : i32 to vector<16xi32>
        %add3A_237 = arith.addi %add3A_236, %iota3A : vector<16xi32>
        %gather3A = tpu.vector_load_idx %arg9[%add3A_237] : memref<512xi32, #tpu.memory_space<vmem>>[vector<16xi32>], vector<16xi32>,
        %mul3A_238 = arith.constant 16 : i32
        %mul3A_239 = arith.muli %scan3A_232, %mul3A_238 : i32
        %add3A_240 = arith.addi %mul3A_31, %mul3A_239 : i32
        %add3A_241 = vector.broadcast %add3A_240 : i32 to vector<16xi32>
        %add3A_242 = arith.addi %add3A_241, %iota3A : vector<16xi32>
        %ge3A = vector.broadcast %mul3A_0 : i32 to vector<16xi32>
        %ge3A_243 = arith.cmpi sge, %gather3A, %ge3A : vector<16xi32>
        %add3A_244 = arith.constant 25000 : i32
        %add3A_245 = arith.addi %mul3A_0, %add3A_244 : i32
        %lt3A_246 = vector.broadcast %add3A_245 : i32 to vector<16xi32>
        %lt3A_247 = arith.cmpi slt, %gather3A, %lt3A_246 : vector<16xi32>
        %and3A_248 = arith.andi %ge3A_243, %lt3A_247 : vector<16xi1>
        %lt3A_249 = arith.constant 800000 : i32
        %lt3A_250 = vector.broadcast %lt3A_249 : i32 to vector<16xi32>
        %lt3A_251 = arith.cmpi slt, %add3A_242, %lt3A_250 : vector<16xi32>
        %and3A_252 = arith.andi %and3A_248, %lt3A_251 : vector<16xi1>
        %sub3A_253 = vector.broadcast %mul3A_0 : i32 to vector<16xi32>
        %sub3A_254 = arith.subi %gather3A, %sub3A_253 : vector<16xi32>
        %jit3A_255 = arith.constant 25000 : i32
        %broadcast_in_dim3A_256 = vector.broadcast %jit3A_255 : i32 to vector<16xi32>
        %select_n3A_257 = arith.select %and3A_252, %sub3A_254, %broadcast_in_dim3A_256 : vector<16xi1>, vector<16xi32>
        %jit3A_258 = arith.constant 8 : i32
        %div3A_259 = arith.divsi %scan3A_232, %jit3A_258 : i32
        %sign3A_260 = arith.constant 0 : i32
        %sign3A_261 = arith.cmpi sgt, %scan3A_232, %sign3A_260 : i32
        %sign3A_262 = arith.extui %sign3A_261 : i1 to i32
        %sign3A_263 = arith.constant 0 : i32
        %sign3A_264 = arith.cmpi slt, %scan3A_232, %sign3A_263 : i32
        %sign3A_265 = arith.extui %sign3A_264 : i1 to i32
        %sign3A_266 = arith.subi %sign3A_262, %sign3A_265 : i32
        %sign3A_267 = arith.constant 0 : i32
        %sign3A_268 = arith.cmpi sgt, %jit3A_258, %sign3A_267 : i32
        %sign3A_269 = arith.extui %sign3A_268 : i1 to i32
        %sign3A_270 = arith.constant 0 : i32
        %sign3A_271 = arith.cmpi slt, %jit3A_258, %sign3A_270 : i32
        %sign3A_272 = arith.extui %sign3A_271 : i1 to i32
        %sign3A_273 = arith.subi %sign3A_269, %sign3A_272 : i32
        %ne3A_274 = arith.cmpi ne, %sign3A_266, %sign3A_273 : i32
        %rem3A_275 = arith.remsi %scan3A_232, %jit3A_258 : i32
        %ne3A_276 = arith.constant 0 : i32
        %ne3A_277 = arith.cmpi ne, %rem3A_275, %ne3A_276 : i32
        %and3A_278 = arith.andi %ne3A_274, %ne3A_277 : i1
        %sub3A_279 = arith.constant 1 : i32
        %sub3A_280 = arith.subi %div3A_259, %sub3A_279 : i32
        %select_n3A_281 = arith.select %and3A_278, %sub3A_280, %div3A_259 : i32
        %broadcast_in_dim3A_282 = vector.broadcast %select_n3A_281 : i32 to vector<16xi32>
        %jit3A_283 = arith.constant 8 : i32
        %eq3A_284 = arith.constant 0 : i32
        %eq3A_285 = arith.cmpi eq, %jit3A_283, %eq3A_284 : i32
        %jit3A_286 = arith.constant 1 : i32
        %select_n3A_287 = arith.select %eq3A_285, %jit3A_286, %jit3A_283 : i32
        %rem3A_288 = arith.remsi %scan3A_232, %select_n3A_287 : i32
        %ne3A_289 = arith.constant 0 : i32
        %ne3A_290 = arith.cmpi ne, %rem3A_288, %ne3A_289 : i32
        %lt3A_291 = arith.constant 0 : i32
        %lt3A_292 = arith.cmpi slt, %rem3A_288, %lt3A_291 : i32
        %lt3A_293 = arith.constant 0 : i32
        %lt3A_294 = arith.cmpi slt, %select_n3A_287, %lt3A_293 : i32
        %ne3A_295 = arith.xori %lt3A_292, %lt3A_294 : i1
        %and3A_296 = arith.andi %ne3A_295, %ne3A_290 : i1
        %add3A_297 = arith.addi %rem3A_288, %select_n3A_287 : i32
        %select_n3A_298 = arith.select %and3A_296, %add3A_297, %rem3A_288 : i32
        %mul3A_299 = arith.constant 16 : i32
        %mul3A_300 = arith.muli %select_n3A_298, %mul3A_299 : i32
        %add3A_301 = vector.broadcast %mul3A_300 : i32 to vector<16xi32>
        %add3A_302 = arith.addi %add3A_301, %iota3A : vector<16xi32>
        tpu.vector_store_idx %arg10[%broadcast_in_dim3A_282, %add3A_302], %select_n3A_257 : memref<4x128xi32, #tpu.memory_space<vmem>>[vector<16xi32>, vector<16xi32>], vector<16xi32>,
        %scan3A_303 = arith.constant 0 : i32
        scf.yield %scan3A_303 : i32
      }
      %scan3A_164 = arith.constant 32 : i32
      %add3A_165 = arith.constant 32 : i32
      %add3A_166 = vector.broadcast %add3A_165 : i32 to vector<16xi32>
      %add3A_167 = arith.addi %add3A_166, %iota3A : vector<16xi32>
      %jit3A = arith.constant 4 : i32
      %div3A = vector.broadcast %jit3A : i32 to vector<16xi32>
      %div3A_168 = arith.divsi %iota3A, %div3A : vector<16xi32>
      %sign3A = arith.constant 0 : i32
      %sign3A_169 = vector.broadcast %sign3A : i32 to vector<16xi32>
      %sign3A_170 = arith.cmpi sgt, %iota3A, %sign3A_169 : vector<16xi32>
      %sign3A_171 = arith.extui %sign3A_170 : vector<16xi1> to vector<16xi32>
      %sign3A_172 = arith.constant 0 : i32
      %sign3A_173 = vector.broadcast %sign3A_172 : i32 to vector<16xi32>
      %sign3A_174 = arith.cmpi slt, %iota3A, %sign3A_173 : vector<16xi32>
      %sign3A_175 = arith.extui %sign3A_174 : vector<16xi1> to vector<16xi32>
      %sign3A_176 = arith.subi %sign3A_171, %sign3A_175 : vector<16xi32>
      %sign3A_177 = arith.constant 0 : i32
      %sign3A_178 = arith.cmpi sgt, %jit3A, %sign3A_177 : i32
      %sign3A_179 = arith.extui %sign3A_178 : i1 to i32
      %sign3A_180 = arith.constant 0 : i32
      %sign3A_181 = arith.cmpi slt, %jit3A, %sign3A_180 : i32
      %sign3A_182 = arith.extui %sign3A_181 : i1 to i32
      %sign3A_183 = arith.subi %sign3A_179, %sign3A_182 : i32
      %ne3A = vector.broadcast %sign3A_183 : i32 to vector<16xi32>
      %ne3A_184 = arith.cmpi ne, %sign3A_176, %ne3A : vector<16xi32>
      %rem3A = vector.broadcast %jit3A : i32 to vector<16xi32>
      %rem3A_185 = arith.remsi %iota3A, %rem3A : vector<16xi32>
      %ne3A_186 = arith.constant 0 : i32
      %ne3A_187 = vector.broadcast %ne3A_186 : i32 to vector<16xi32>
      %ne3A_188 = arith.cmpi ne, %rem3A_185, %ne3A_187 : vector<16xi32>
      %and3A = arith.andi %ne3A_184, %ne3A_188 : vector<16xi1>
      %sub3A = arith.constant 1 : i32
      %sub3A_189 = vector.broadcast %sub3A : i32 to vector<16xi32>
      %sub3A_190 = arith.subi %div3A_168, %sub3A_189 : vector<16xi32>
      %select_n3A_191 = arith.select %and3A, %sub3A_190, %div3A_168 : vector<16xi1>, vector<16xi32>
      %jit3A_192 = arith.constant 4 : i32
      %eq3A_193 = arith.constant 0 : i32
      %eq3A_194 = arith.cmpi eq, %jit3A_192, %eq3A_193 : i32
      %jit3A_195 = arith.constant 1 : i32
      %select_n3A_196 = arith.select %eq3A_194, %jit3A_195, %jit3A_192 : i32
      %rem3A_197 = vector.broadcast %select_n3A_196 : i32 to vector<16xi32>
      %rem3A_198 = arith.remsi %iota3A, %rem3A_197 : vector<16xi32>
      %ne3A_199 = arith.constant 0 : i32
      %ne3A_200 = vector.broadcast %ne3A_199 : i32 to vector<16xi32>
      %ne3A_201 = arith.cmpi ne, %rem3A_198, %ne3A_200 : vector<16xi32>
      %lt3A_202 = arith.constant 0 : i32
      %lt3A_203 = vector.broadcast %lt3A_202 : i32 to vector<16xi32>
      %lt3A_204 = arith.cmpi slt, %rem3A_198, %lt3A_203 : vector<16xi32>
      %lt3A_205 = arith.constant 0 : i32
      %lt3A_206 = arith.cmpi slt, %select_n3A_196, %lt3A_205 : i32
      %ne3A_207 = vector.broadcast %lt3A_206 : i1 to vector<16xi1>
      %ne3A_208 = vector.broadcast %ne3A_207 : vector<16xi1> to vector<16xi1>
      %ne3A_209 = arith.xori %lt3A_204, %ne3A_208 : vector<16xi1>
      %and3A_210 = arith.andi %ne3A_209, %ne3A_201 : vector<16xi1>
      %add3A_211 = vector.broadcast %select_n3A_196 : i32 to vector<16xi32>
      %add3A_212 = arith.addi %rem3A_198, %add3A_211 : vector<16xi32>
      %select_n3A_213 = arith.select %and3A_210, %add3A_212, %rem3A_198 : vector<16xi1>, vector<16xi32>
      %scan3A_214 = arith.constant 0 : i32
      %scan3A_215 = arith.constant 0 : i32
      %scan3A_216 = arith.constant 128 : i32
      %scan3A_217 = arith.addi %scan3A_215, %scan3A_216 : i32
      %scan3A_218 = arith.constant 1 : i32
      %scan3A_219 = scf.for %scan3A_232 = %scan3A_215 to %scan3A_217 step %scan3A_218 iter_args(%scan3A_233 = %scan3A_214) -> (i32)  : i32 {
        %mul3A_234 = arith.constant 4 : i32
        %mul3A_235 = arith.muli %scan3A_232, %mul3A_234 : i32
        %add3A_236 = vector.broadcast %mul3A_235 : i32 to vector<16xi32>
        %add3A_237 = arith.addi %add3A_236, %select_n3A_191 : vector<16xi32>
        %add3A_238 = arith.constant 32 : i32
        %add3A_239 = vector.broadcast %add3A_238 : i32 to vector<16xi32>
        %add3A_240 = arith.addi %add3A_239, %select_n3A_213 : vector<16xi32>
        %gather3A = tpu.vector_load_idx %arg11[%add3A_237, %add3A_240] : memref<512x48xf32, #tpu.memory_space<vmem>>[vector<16xi32>, vector<16xi32>], vector<16xf32>,
        %gather3A_241 = tpu.vector_load_idx %arg12[%add3A_237, %select_n3A_213] : memref<512x16xf32, #tpu.memory_space<vmem>>[vector<16xi32>, vector<16xi32>], vector<16xf32>,
        %add3A_242 = arith.addf %gather3A, %gather3A_241 : vector<16xf32>
        %gt3A = arith.constant 0.000000e+00 : f32
        %gt3A_243 = vector.broadcast %gt3A : f32 to vector<16xf32>
        %gt3A_244 = arith.cmpf ogt, %add3A_242, %gt3A_243 : vector<16xf32>
        %mul3A_245 = arith.constant 2.000000e-01 : f32
        %mul3A_246 = vector.broadcast %mul3A_245 : f32 to vector<16xf32>
        %mul3A_247 = arith.mulf %mul3A_246, %add3A_242 : vector<16xf32>
        %select_n3A_248 = arith.select %gt3A_244, %add3A_242, %mul3A_247 : vector<16xi1>, vector<16xf32>
        %exp3A = math.exp %select_n3A_248 : vector<16xf32>
        tpu.vector_store_idx %arg12[%add3A_237, %select_n3A_213], %exp3A : memref<512x16xf32, #tpu.memory_space<vmem>>[vector<16xi32>, vector<16xi32>], vector<16xf32>,
        %scan3A_249 = arith.constant 0 : i32
        scf.yield %scan3A_249 : i32
      }
      %scan3A_220 = arith.constant 128 : i32
      %scan3A_221 = arith.constant 0 : i32
      %scan3A_222 = arith.constant 0 : i32
      %scan3A_223 = arith.constant 512 : i32
      %scan3A_224 = arith.addi %scan3A_222, %scan3A_223 : i32
      %scan3A_225 = arith.constant 1 : i32
      %scan3A_226 = scf.for %scan3A_232 = %scan3A_222 to %scan3A_224 step %scan3A_225 iter_args(%scan3A_233 = %scan3A_221) -> (i32)  : i32 {
        %broadcast_in_dim3A_234 = vector.broadcast %scan3A_232 : i32 to vector<16xi32>
        %jit3A_235 = arith.constant 8 : i32
        %div3A_236 = vector.broadcast %jit3A_235 : i32 to vector<16xi32>
        %div3A_237 = arith.divsi %iota3A, %div3A_236 : vector<16xi32>
        %sign3A_238 = arith.constant 0 : i32
        %sign3A_239 = vector.broadcast %sign3A_238 : i32 to vector<16xi32>
        %sign3A_240 = arith.cmpi sgt, %iota3A, %sign3A_239 : vector<16xi32>
        %sign3A_241 = arith.extui %sign3A_240 : vector<16xi1> to vector<16xi32>
        %sign3A_242 = arith.constant 0 : i32
        %sign3A_243 = vector.broadcast %sign3A_242 : i32 to vector<16xi32>
        %sign3A_244 = arith.cmpi slt, %iota3A, %sign3A_243 : vector<16xi32>
        %sign3A_245 = arith.extui %sign3A_244 : vector<16xi1> to vector<16xi32>
        %sign3A_246 = arith.subi %sign3A_241, %sign3A_245 : vector<16xi32>
        %sign3A_247 = arith.constant 0 : i32
        %sign3A_248 = arith.cmpi sgt, %jit3A_235, %sign3A_247 : i32
        %sign3A_249 = arith.extui %sign3A_248 : i1 to i32
        %sign3A_250 = arith.constant 0 : i32
        %sign3A_251 = arith.cmpi slt, %jit3A_235, %sign3A_250 : i32
        %sign3A_252 = arith.extui %sign3A_251 : i1 to i32
        %sign3A_253 = arith.subi %sign3A_249, %sign3A_252 : i32
        %ne3A_254 = vector.broadcast %sign3A_253 : i32 to vector<16xi32>
        %ne3A_255 = arith.cmpi ne, %sign3A_246, %ne3A_254 : vector<16xi32>
        %rem3A_256 = vector.broadcast %jit3A_235 : i32 to vector<16xi32>
        %rem3A_257 = arith.remsi %iota3A, %rem3A_256 : vector<16xi32>
        %ne3A_258 = arith.constant 0 : i32
        %ne3A_259 = vector.broadcast %ne3A_258 : i32 to vector<16xi32>
        %ne3A_260 = arith.cmpi ne, %rem3A_257, %ne3A_259 : vector<16xi32>
        %and3A_261 = arith.andi %ne3A_255, %ne3A_260 : vector<16xi1>
        %sub3A_262 = arith.constant 1 : i32
        %sub3A_263 = vector.broadcast %sub3A_262 : i32 to vector<16xi32>
        %sub3A_264 = arith.subi %div3A_237, %sub3A_263 : vector<16xi32>
        %select_n3A_265 = arith.select %and3A_261, %sub3A_264, %div3A_237 : vector<16xi1>, vector<16xi32>
        %add3A_266 = arith.constant 0 : i32
        %add3A_267 = vector.broadcast %add3A_266 : i32 to vector<16xi32>
        %add3A_268 = arith.addi %add3A_267, %select_n3A_265 : vector<16xi32>
        %gather3A = tpu.vector_load_idx %arg12[%broadcast_in_dim3A_234, %add3A_268] : memref<512x16xf32, #tpu.memory_space<vmem>>[vector<16xi32>, vector<16xi32>], vector<16xf32>,
        %add3A_269 = arith.constant 0 : i32
        %add3A_270 = vector.broadcast %add3A_269 : i32 to vector<16xi32>
        %add3A_271 = arith.addi %add3A_270, %iota3A : vector<16xi32>
        %gather3A_272 = tpu.vector_load_idx %arg11[%broadcast_in_dim3A_234, %add3A_271] : memref<512x48xf32, #tpu.memory_space<vmem>>[vector<16xi32>, vector<16xi32>], vector<16xf32>,
        %mul3A_273 = arith.mulf %gather3A_272, %gather3A : vector<16xf32>
        tpu.vector_store_idx %arg11[%broadcast_in_dim3A_234, %add3A_271], %mul3A_273 : memref<512x48xf32, #tpu.memory_space<vmem>>[vector<16xi32>, vector<16xi32>], vector<16xf32>,
        %jit3A_274 = arith.constant 8 : i32
        %div3A_275 = vector.broadcast %jit3A_274 : i32 to vector<16xi32>
        %div3A_276 = arith.divsi %iota3A, %div3A_275 : vector<16xi32>
        %sign3A_277 = arith.constant 0 : i32
        %sign3A_278 = vector.broadcast %sign3A_277 : i32 to vector<16xi32>
        %sign3A_279 = arith.cmpi sgt, %iota3A, %sign3A_278 : vector<16xi32>
        %sign3A_280 = arith.extui %sign3A_279 : vector<16xi1> to vector<16xi32>
        %sign3A_281 = arith.constant 0 : i32
        %sign3A_282 = vector.broadcast %sign3A_281 : i32 to vector<16xi32>
        %sign3A_283 = arith.cmpi slt, %iota3A, %sign3A_282 : vector<16xi32>
        %sign3A_284 = arith.extui %sign3A_283 : vector<16xi1> to vector<16xi32>
        %sign3A_285 = arith.subi %sign3A_280, %sign3A_284 : vector<16xi32>
        %sign3A_286 = arith.constant 0 : i32
        %sign3A_287 = arith.cmpi sgt, %jit3A_274, %sign3A_286 : i32
        %sign3A_288 = arith.extui %sign3A_287 : i1 to i32
        %sign3A_289 = arith.constant 0 : i32
        %sign3A_290 = arith.cmpi slt, %jit3A_274, %sign3A_289 : i32
        %sign3A_291 = arith.extui %sign3A_290 : i1 to i32
        %sign3A_292 = arith.subi %sign3A_288, %sign3A_291 : i32
        %ne3A_293 = vector.broadcast %sign3A_292 : i32 to vector<16xi32>
        %ne3A_294 = arith.cmpi ne, %sign3A_285, %ne3A_293 : vector<16xi32>
        %rem3A_295 = vector.broadcast %jit3A_274 : i32 to vector<16xi32>
        %rem3A_296 = arith.remsi %iota3A, %rem3A_295 : vector<16xi32>
        %ne3A_297 = arith.constant 0 : i32
        %ne3A_298 = vector.broadcast %ne3A_297 : i32 to vector<16xi32>
        %ne3A_299 = arith.cmpi ne, %rem3A_296, %ne3A_298 : vector<16xi32>
        %and3A_300 = arith.andi %ne3A_294, %ne3A_299 : vector<16xi1>
        %sub3A_301 = arith.constant 1 : i32
        %sub3A_302 = vector.broadcast %sub3A_301 : i32 to vector<16xi32>
        %sub3A_303 = arith.subi %div3A_276, %sub3A_302 : vector<16xi32>
        %select_n3A_304 = arith.select %and3A_300, %sub3A_303, %div3A_276 : vector<16xi1>, vector<16xi32>
        %add3A_305 = arith.constant 2 : i32
        %add3A_306 = vector.broadcast %add3A_305 : i32 to vector<16xi32>
        %add3A_307 = arith.addi %add3A_306, %select_n3A_304 : vector<16xi32>
        %gather3A_308 = tpu.vector_load_idx %arg12[%broadcast_in_dim3A_234, %add3A_307] : memref<512x16xf32, #tpu.memory_space<vmem>>[vector<16xi32>, vector<16xi32>], vector<16xf32>,
        %add3A_309 = arith.constant 16 : i32
        %add3A_310 = vector.broadcast %add3A_309 : i32 to vector<16xi32>
        %add3A_311 = arith.addi %add3A_310, %iota3A : vector<16xi32>
        %gather3A_312 = tpu.vector_load_idx %arg11[%broadcast_in_dim3A_234, %add3A_311] : memref<512x48xf32, #tpu.memory_space<vmem>>[vector<16xi32>, vector<16xi32>], vector<16xf32>,
        %mul3A_313 = arith.mulf %gather3A_312, %gather3A_308 : vector<16xf32>
        tpu.vector_store_idx %arg11[%broadcast_in_dim3A_234, %add3A_311], %mul3A_313 : memref<512x48xf32, #tpu.memory_space<vmem>>[vector<16xi32>, vector<16xi32>], vector<16xf32>,
        %gather3A_314 = tpu.vector_load_idx %arg12[%broadcast_in_dim3A_234, %select_n3A_213] : memref<512x16xf32, #tpu.memory_space<vmem>>[vector<16xi32>, vector<16xi32>], vector<16xf32>,
        %mul3A_315 = arith.mulf %gather3A_314, %select_n3A : vector<16xf32>
        tpu.vector_store_idx %arg11[%broadcast_in_dim3A_234, %add3A_167], %mul3A_315 : memref<512x48xf32, #tpu.memory_space<vmem>>[vector<16xi32>, vector<16xi32>], vector<16xf32>,
        %scan3A_316 = arith.constant 0 : i32
        scf.yield %scan3A_316 : i32
      }
      %scan3A_227 = arith.constant 512 : i32
      %run_scoped3A = arith.constant 0 : i32
      "tpu.region"() ({
        %run_scoped3A_232 = tpu.sem_alloc : memref<!tpu.dma_semaphore, #tpu.memory_space<semaphore_mem>>
        %dma_start3A_233 = arith.constant 0 : i32
        %dma_start3A_234 = arith.constant 0 : i32
        %dma_start3A_235 = tpu.memref_slice %arg11[%dma_start3A_233, %dma_start3A_234] : memref<512x48xf32, #tpu.memory_space<vmem>> -> memref<128x48xf32, #tpu.memory_space<vmem>>
        %dma_start3A_236 = arith.constant 0 : i32
        %dma_start3A_237 = tpu.memref_slice %arg10[%run_scoped3A, %dma_start3A_236] : memref<4x128xi32, #tpu.memory_space<vmem>> -> memref<1x128xi32, #tpu.memory_space<vmem>>
        %dma_start3A_238 = tpu.memref_squeeze %dma_start3A_237 : memref<1x128xi32, #tpu.memory_space<vmem>> -> memref<128xi32, #tpu.memory_space<vmem>>
        %dma_start3A_239 = arith.constant 0 : i32
        %dma_start3A_240 = arith.constant 0 : i32
        %dma_start3A_241 = tpu.memref_slice %arg15[%dma_start3A_239, %dma_start3A_240] : memref<25088x48xf32, #tpu.memory_space<vmem_shared>> -> memref<25088x48xf32, #tpu.memory_space<vmem_shared>>
        tpu.enqueue_indirect_dma source(%dma_start3A_235 : memref<128x48xf32, #tpu.memory_space<vmem>>) target(%dma_start3A_241 : memref<25088x48xf32, #tpu.memory_space<vmem_shared>>) offsets(%dma_start3A_238 : memref<128xi32, #tpu.memory_space<vmem>>) semaphore(%run_scoped3A_232 : memref<!tpu.dma_semaphore, #tpu.memory_space<semaphore_mem>>) {add = true}
        %dma_wait3A_242 = arith.constant 0 : i32
        %dma_wait3A_243 = arith.constant 0 : i32
        %dma_wait3A_244 = tpu.memref_slice %arg11[%dma_wait3A_242, %dma_wait3A_243] : memref<512x48xf32, #tpu.memory_space<vmem>> -> memref<128x48xf32, #tpu.memory_space<vmem>>
        %dma_wait3A_245 = arith.constant 0 : i32
        %dma_wait3A_246 = tpu.memref_slice %arg10[%run_scoped3A, %dma_wait3A_245] : memref<4x128xi32, #tpu.memory_space<vmem>> -> memref<1x128xi32, #tpu.memory_space<vmem>>
        %dma_wait3A_247 = tpu.memref_squeeze %dma_wait3A_246 : memref<1x128xi32, #tpu.memory_space<vmem>> -> memref<128xi32, #tpu.memory_space<vmem>>
        %dma_wait3A_248 = arith.constant 0 : i32
        %dma_wait3A_249 = arith.constant 0 : i32
        %dma_wait3A_250 = tpu.memref_slice %arg15[%dma_wait3A_248, %dma_wait3A_249] : memref<25088x48xf32, #tpu.memory_space<vmem_shared>> -> memref<25088x48xf32, #tpu.memory_space<vmem_shared>>
        tpu.wait_indirect_dma semaphore(%run_scoped3A_232 : memref<!tpu.dma_semaphore, #tpu.memory_space<semaphore_mem>>) src(%dma_wait3A_244 : memref<128x48xf32, #tpu.memory_space<vmem>>) dst(%dma_wait3A_250 : memref<25088x48xf32, #tpu.memory_space<vmem_shared>>)
        tpu.yield
      }) : () -> ()
      %run_scoped3A_228 = arith.constant 1 : i32
      "tpu.region"() ({
        %run_scoped3A_232 = tpu.sem_alloc : memref<!tpu.dma_semaphore, #tpu.memory_space<semaphore_mem>>
        %dma_start3A_233 = arith.constant 128 : i32
        %dma_start3A_234 = arith.constant 0 : i32
        %dma_start3A_235 = tpu.memref_slice %arg11[%dma_start3A_233, %dma_start3A_234] : memref<512x48xf32, #tpu.memory_space<vmem>> -> memref<128x48xf32, #tpu.memory_space<vmem>>
        %dma_start3A_236 = arith.constant 0 : i32
        %dma_start3A_237 = tpu.memref_slice %arg10[%run_scoped3A_228, %dma_start3A_236] : memref<4x128xi32, #tpu.memory_space<vmem>> -> memref<1x128xi32, #tpu.memory_space<vmem>>
        %dma_start3A_238 = tpu.memref_squeeze %dma_start3A_237 : memref<1x128xi32, #tpu.memory_space<vmem>> -> memref<128xi32, #tpu.memory_space<vmem>>
        %dma_start3A_239 = arith.constant 0 : i32
        %dma_start3A_240 = arith.constant 0 : i32
        %dma_start3A_241 = tpu.memref_slice %arg15[%dma_start3A_239, %dma_start3A_240] : memref<25088x48xf32, #tpu.memory_space<vmem_shared>> -> memref<25088x48xf32, #tpu.memory_space<vmem_shared>>
        tpu.enqueue_indirect_dma source(%dma_start3A_235 : memref<128x48xf32, #tpu.memory_space<vmem>>) target(%dma_start3A_241 : memref<25088x48xf32, #tpu.memory_space<vmem_shared>>) offsets(%dma_start3A_238 : memref<128xi32, #tpu.memory_space<vmem>>) semaphore(%run_scoped3A_232 : memref<!tpu.dma_semaphore, #tpu.memory_space<semaphore_mem>>) {add = true}
        %dma_wait3A_242 = arith.constant 128 : i32
        %dma_wait3A_243 = arith.constant 0 : i32
        %dma_wait3A_244 = tpu.memref_slice %arg11[%dma_wait3A_242, %dma_wait3A_243] : memref<512x48xf32, #tpu.memory_space<vmem>> -> memref<128x48xf32, #tpu.memory_space<vmem>>
        %dma_wait3A_245 = arith.constant 0 : i32
        %dma_wait3A_246 = tpu.memref_slice %arg10[%run_scoped3A_228, %dma_wait3A_245] : memref<4x128xi32, #tpu.memory_space<vmem>> -> memref<1x128xi32, #tpu.memory_space<vmem>>
        %dma_wait3A_247 = tpu.memref_squeeze %dma_wait3A_246 : memref<1x128xi32, #tpu.memory_space<vmem>> -> memref<128xi32, #tpu.memory_space<vmem>>
        %dma_wait3A_248 = arith.constant 0 : i32
        %dma_wait3A_249 = arith.constant 0 : i32
        %dma_wait3A_250 = tpu.memref_slice %arg15[%dma_wait3A_248, %dma_wait3A_249] : memref<25088x48xf32, #tpu.memory_space<vmem_shared>> -> memref<25088x48xf32, #tpu.memory_space<vmem_shared>>
        tpu.wait_indirect_dma semaphore(%run_scoped3A_232 : memref<!tpu.dma_semaphore, #tpu.memory_space<semaphore_mem>>) src(%dma_wait3A_244 : memref<128x48xf32, #tpu.memory_space<vmem>>) dst(%dma_wait3A_250 : memref<25088x48xf32, #tpu.memory_space<vmem_shared>>)
        tpu.yield
      }) : () -> ()
      %run_scoped3A_229 = arith.constant 2 : i32
      "tpu.region"() ({
        %run_scoped3A_232 = tpu.sem_alloc : memref<!tpu.dma_semaphore, #tpu.memory_space<semaphore_mem>>
        %dma_start3A_233 = arith.constant 256 : i32
        %dma_start3A_234 = arith.constant 0 : i32
        %dma_start3A_235 = tpu.memref_slice %arg11[%dma_start3A_233, %dma_start3A_234] : memref<512x48xf32, #tpu.memory_space<vmem>> -> memref<128x48xf32, #tpu.memory_space<vmem>>
        %dma_start3A_236 = arith.constant 0 : i32
        %dma_start3A_237 = tpu.memref_slice %arg10[%run_scoped3A_229, %dma_start3A_236] : memref<4x128xi32, #tpu.memory_space<vmem>> -> memref<1x128xi32, #tpu.memory_space<vmem>>
        %dma_start3A_238 = tpu.memref_squeeze %dma_start3A_237 : memref<1x128xi32, #tpu.memory_space<vmem>> -> memref<128xi32, #tpu.memory_space<vmem>>
        %dma_start3A_239 = arith.constant 0 : i32
        %dma_start3A_240 = arith.constant 0 : i32
        %dma_start3A_241 = tpu.memref_slice %arg15[%dma_start3A_239, %dma_start3A_240] : memref<25088x48xf32, #tpu.memory_space<vmem_shared>> -> memref<25088x48xf32, #tpu.memory_space<vmem_shared>>
        tpu.enqueue_indirect_dma source(%dma_start3A_235 : memref<128x48xf32, #tpu.memory_space<vmem>>) target(%dma_start3A_241 : memref<25088x48xf32, #tpu.memory_space<vmem_shared>>) offsets(%dma_start3A_238 : memref<128xi32, #tpu.memory_space<vmem>>) semaphore(%run_scoped3A_232 : memref<!tpu.dma_semaphore, #tpu.memory_space<semaphore_mem>>) {add = true}
        %dma_wait3A_242 = arith.constant 256 : i32
        %dma_wait3A_243 = arith.constant 0 : i32
        %dma_wait3A_244 = tpu.memref_slice %arg11[%dma_wait3A_242, %dma_wait3A_243] : memref<512x48xf32, #tpu.memory_space<vmem>> -> memref<128x48xf32, #tpu.memory_space<vmem>>
        %dma_wait3A_245 = arith.constant 0 : i32
        %dma_wait3A_246 = tpu.memref_slice %arg10[%run_scoped3A_229, %dma_wait3A_245] : memref<4x128xi32, #tpu.memory_space<vmem>> -> memref<1x128xi32, #tpu.memory_space<vmem>>
        %dma_wait3A_247 = tpu.memref_squeeze %dma_wait3A_246 : memref<1x128xi32, #tpu.memory_space<vmem>> -> memref<128xi32, #tpu.memory_space<vmem>>
        %dma_wait3A_248 = arith.constant 0 : i32
        %dma_wait3A_249 = arith.constant 0 : i32
        %dma_wait3A_250 = tpu.memref_slice %arg15[%dma_wait3A_248, %dma_wait3A_249] : memref<25088x48xf32, #tpu.memory_space<vmem_shared>> -> memref<25088x48xf32, #tpu.memory_space<vmem_shared>>
        tpu.wait_indirect_dma semaphore(%run_scoped3A_232 : memref<!tpu.dma_semaphore, #tpu.memory_space<semaphore_mem>>) src(%dma_wait3A_244 : memref<128x48xf32, #tpu.memory_space<vmem>>) dst(%dma_wait3A_250 : memref<25088x48xf32, #tpu.memory_space<vmem_shared>>)
        tpu.yield
      }) : () -> ()
      %run_scoped3A_230 = arith.constant 3 : i32
      "tpu.region"() ({
        %run_scoped3A_232 = tpu.sem_alloc : memref<!tpu.dma_semaphore, #tpu.memory_space<semaphore_mem>>
        %dma_start3A_233 = arith.constant 384 : i32
        %dma_start3A_234 = arith.constant 0 : i32
        %dma_start3A_235 = tpu.memref_slice %arg11[%dma_start3A_233, %dma_start3A_234] : memref<512x48xf32, #tpu.memory_space<vmem>> -> memref<128x48xf32, #tpu.memory_space<vmem>>
        %dma_start3A_236 = arith.constant 0 : i32
        %dma_start3A_237 = tpu.memref_slice %arg10[%run_scoped3A_230, %dma_start3A_236] : memref<4x128xi32, #tpu.memory_space<vmem>> -> memref<1x128xi32, #tpu.memory_space<vmem>>
        %dma_start3A_238 = tpu.memref_squeeze %dma_start3A_237 : memref<1x128xi32, #tpu.memory_space<vmem>> -> memref<128xi32, #tpu.memory_space<vmem>>
        %dma_start3A_239 = arith.constant 0 : i32
        %dma_start3A_240 = arith.constant 0 : i32
        %dma_start3A_241 = tpu.memref_slice %arg15[%dma_start3A_239, %dma_start3A_240] : memref<25088x48xf32, #tpu.memory_space<vmem_shared>> -> memref<25088x48xf32, #tpu.memory_space<vmem_shared>>
        tpu.enqueue_indirect_dma source(%dma_start3A_235 : memref<128x48xf32, #tpu.memory_space<vmem>>) target(%dma_start3A_241 : memref<25088x48xf32, #tpu.memory_space<vmem_shared>>) offsets(%dma_start3A_238 : memref<128xi32, #tpu.memory_space<vmem>>) semaphore(%run_scoped3A_232 : memref<!tpu.dma_semaphore, #tpu.memory_space<semaphore_mem>>) {add = true}
        %dma_wait3A_242 = arith.constant 384 : i32
        %dma_wait3A_243 = arith.constant 0 : i32
        %dma_wait3A_244 = tpu.memref_slice %arg11[%dma_wait3A_242, %dma_wait3A_243] : memref<512x48xf32, #tpu.memory_space<vmem>> -> memref<128x48xf32, #tpu.memory_space<vmem>>
        %dma_wait3A_245 = arith.constant 0 : i32
        %dma_wait3A_246 = tpu.memref_slice %arg10[%run_scoped3A_230, %dma_wait3A_245] : memref<4x128xi32, #tpu.memory_space<vmem>> -> memref<1x128xi32, #tpu.memory_space<vmem>>
        %dma_wait3A_247 = tpu.memref_squeeze %dma_wait3A_246 : memref<1x128xi32, #tpu.memory_space<vmem>> -> memref<128xi32, #tpu.memory_space<vmem>>
        %dma_wait3A_248 = arith.constant 0 : i32
        %dma_wait3A_249 = arith.constant 0 : i32
        %dma_wait3A_250 = tpu.memref_slice %arg15[%dma_wait3A_248, %dma_wait3A_249] : memref<25088x48xf32, #tpu.memory_space<vmem_shared>> -> memref<25088x48xf32, #tpu.memory_space<vmem_shared>>
        tpu.wait_indirect_dma semaphore(%run_scoped3A_232 : memref<!tpu.dma_semaphore, #tpu.memory_space<semaphore_mem>>) src(%dma_wait3A_244 : memref<128x48xf32, #tpu.memory_space<vmem>>) dst(%dma_wait3A_250 : memref<25088x48xf32, #tpu.memory_space<vmem_shared>>)
        tpu.yield
      }) : () -> ()
      %scan3A_231 = arith.constant 0 : i32
      scf.yield %scan3A_231 : i32
    }
    %scan3A_20 = arith.constant 98 : i32
    %barrier3A_21 = arith.constant 0 : index
    tpu.barrier barrier_id(%barrier3A_21)
    %mul3A_22 = arith.constant 25088 : i32
    %mul3A_23 = arith.muli %arg0, %mul3A_22 : i32
    %add3A_24 = arith.addi %mul3A_23, %mul3A_2 : i32
    "tpu.region"() ({
      %run_scoped3A = tpu.sem_alloc : memref<!tpu.dma_semaphore, #tpu.memory_space<semaphore_mem>>
      %dma_start3A = arith.constant 0 : i32
      %dma_start3A_25 = tpu.memref_slice %arg7[%add3A_24, %dma_start3A] : memref<50176x48xf32, #tpu.memory_space<hbm>> -> memref<1568x48xf32, #tpu.memory_space<hbm>>
      %dma_start3A_26 = arith.constant 0 : i32
      %dma_start3A_27 = tpu.memref_slice %arg15[%mul3A_2, %dma_start3A_26] : memref<25088x48xf32, #tpu.memory_space<vmem_shared>> -> memref<1568x48xf32, #tpu.memory_space<vmem_shared>>
      tpu.enqueue_dma source(%dma_start3A_27 : memref<1568x48xf32, #tpu.memory_space<vmem_shared>>) target(%dma_start3A_25 : memref<1568x48xf32, #tpu.memory_space<hbm>>) target_semaphore(%run_scoped3A : memref<!tpu.dma_semaphore, #tpu.memory_space<semaphore_mem>>)
      %dma_wait3A = arith.constant 0 : i32
      %dma_wait3A_28 = tpu.memref_slice %arg7[%add3A_24, %dma_wait3A] : memref<50176x48xf32, #tpu.memory_space<hbm>> -> memref<1568x48xf32, #tpu.memory_space<hbm>>
      %dma_wait3A_29 = arith.constant 0 : i32
      %dma_wait3A_30 = tpu.memref_slice %arg15[%mul3A_2, %dma_wait3A_29] : memref<25088x48xf32, #tpu.memory_space<vmem_shared>> -> memref<1568x48xf32, #tpu.memory_space<vmem_shared>>
      tpu.wait_dma2 semaphore(%run_scoped3A : memref<!tpu.dma_semaphore, #tpu.memory_space<semaphore_mem>>) src(%dma_wait3A_30 : memref<1568x48xf32, #tpu.memory_space<vmem_shared>>) dst(%dma_wait3A_28 : memref<1568x48xf32, #tpu.memory_space<hbm>>)
      tpu.yield
    }) : () -> ()
    return
  }
}

#map = affine_map<(d0, d1) -> (0, 0)>
#map1 = affine_map<(d0, d1) -> (0)>
module attributes {stable_mosaic.version = 14 : i64} {
  func.func @sc_pass(%arg0: i32, %arg1: i32, %arg2: memref<50000x16xf32, #tpu.memory_space<hbm>>, %arg3: memref<50000x16xf32, #tpu.memory_space<hbm>>, %arg4: memref<50088x16xf32, #tpu.memory_space<hbm>>, %arg5: memref<802816xi32, #tpu.memory_space<hbm>>, %arg6: memref<802816xi32, #tpu.memory_space<hbm>>, %arg7: memref<50176x16xf32, #tpu.memory_space<hbm>>, %arg8: memref<1024xi32, #tpu.memory_space<vmem>>, %arg9: memref<1024xi32, #tpu.memory_space<vmem>>, %arg10: memref<8x128xi32, #tpu.memory_space<vmem>>, %arg11: memref<1024x16xf32, #tpu.memory_space<vmem>>, %arg12: memref<1024x16xf32, #tpu.memory_space<vmem>>, %arg13: memref<!tpu.dma_semaphore, #tpu.memory_space<semaphore_mem>>, %arg14: memref<!tpu.dma_semaphore, #tpu.memory_space<semaphore_mem>>, %arg15: memref<25088x16xf32, #tpu.memory_space<vmem_shared>>) attributes {dimension_semantics = [#tpu.dimension_semantics<core_parallel>, #tpu.dimension_semantics<subcore_parallel>], iteration_bounds = array<i64: 2, 16>, scalar_prefetch = 0 : i64, scratch_operands = 8 : i64, tpu.core_type = #tpu.core_type<sc_vector_subcore>, window_params = [{transform_indices = #map}, {transform_indices = #map}, {transform_indices = #map}, {transform_indices = #map1}, {transform_indices = #map1}, {transform_indices = #map}]} {
    %mul3A = arith.constant 25000 : i32
    %mul3A_0 = arith.muli %arg0, %mul3A : i32
    %mul3A_1 = arith.constant 1568 : i32
    %mul3A_2 = arith.muli %arg1, %mul3A_1 : i32
    %add3A = arith.addi %mul3A_0, %mul3A_2 : i32
    "tpu.region"() ({
      %run_scoped3A = tpu.sem_alloc : memref<!tpu.dma_semaphore, #tpu.memory_space<semaphore_mem>>
      %dma_start3A = arith.constant 0 : i32
      %dma_start3A_25 = tpu.memref_slice %arg15[%mul3A_2, %dma_start3A] : memref<25088x16xf32, #tpu.memory_space<vmem_shared>> -> memref<1568x16xf32, #tpu.memory_space<vmem_shared>>
      %dma_start3A_26 = arith.constant 0 : i32
      %dma_start3A_27 = tpu.memref_slice %arg4[%add3A, %dma_start3A_26] : memref<50088x16xf32, #tpu.memory_space<hbm>> -> memref<1568x16xf32, #tpu.memory_space<hbm>>
      tpu.enqueue_dma source(%dma_start3A_27 : memref<1568x16xf32, #tpu.memory_space<hbm>>) target(%dma_start3A_25 : memref<1568x16xf32, #tpu.memory_space<vmem_shared>>) target_semaphore(%run_scoped3A : memref<!tpu.dma_semaphore, #tpu.memory_space<semaphore_mem>>)
      %dma_wait3A = arith.constant 0 : i32
      %dma_wait3A_28 = tpu.memref_slice %arg15[%mul3A_2, %dma_wait3A] : memref<25088x16xf32, #tpu.memory_space<vmem_shared>> -> memref<1568x16xf32, #tpu.memory_space<vmem_shared>>
      %dma_wait3A_29 = arith.constant 0 : i32
      %dma_wait3A_30 = tpu.memref_slice %arg4[%add3A, %dma_wait3A_29] : memref<50088x16xf32, #tpu.memory_space<hbm>> -> memref<1568x16xf32, #tpu.memory_space<hbm>>
      tpu.wait_dma2 semaphore(%run_scoped3A : memref<!tpu.dma_semaphore, #tpu.memory_space<semaphore_mem>>) src(%dma_wait3A_30 : memref<1568x16xf32, #tpu.memory_space<hbm>>) dst(%dma_wait3A_28 : memref<1568x16xf32, #tpu.memory_space<vmem_shared>>)
      tpu.yield
    }) : () -> ()
    %barrier3A = arith.constant 0 : index
    tpu.barrier barrier_id(%barrier3A)
    %iota3A = tpu.iota {dimensions = array<i32: 0>} : vector<16xi32>
    %broadcast_in_dim3A = arith.constant 1.000000e+00 : f32
    %broadcast_in_dim3A_3 = vector.broadcast %broadcast_in_dim3A : f32 to vector<16xf32>
    %broadcast_in_dim3A_4 = arith.constant 0.000000e+00 : f32
    %broadcast_in_dim3A_5 = vector.broadcast %broadcast_in_dim3A_4 : f32 to vector<16xf32>
    %lt3A = arith.constant 4 : i32
    %lt3A_6 = vector.broadcast %lt3A : i32 to vector<16xi32>
    %lt3A_7 = arith.cmpi slt, %iota3A, %lt3A_6 : vector<16xi32>
    %select_n3A = arith.select %lt3A_7, %broadcast_in_dim3A_3, %broadcast_in_dim3A_5 : vector<16xi1>, vector<16xf32>
    %lt3A_8 = arith.constant 7 : i32
    %lt3A_9 = vector.broadcast %lt3A_8 : i32 to vector<16xi32>
    %lt3A_10 = arith.cmpi slt, %iota3A, %lt3A_9 : vector<16xi32>
    %select_n3A_11 = arith.select %lt3A_10, %broadcast_in_dim3A_3, %broadcast_in_dim3A_5 : vector<16xi1>, vector<16xf32>
    %eq3A = arith.constant 7 : i32
    %eq3A_12 = vector.broadcast %eq3A : i32 to vector<16xi32>
    %eq3A_13 = arith.cmpi eq, %iota3A, %eq3A_12 : vector<16xi32>
    %select_n3A_14 = arith.select %eq3A_13, %broadcast_in_dim3A_3, %broadcast_in_dim3A_5 : vector<16xi1>, vector<16xf32>
    %scan3A = arith.constant 0 : i32
    %scan3A_15 = arith.constant 0 : i32
    %scan3A_16 = arith.constant 49 : i32
    %scan3A_17 = arith.addi %scan3A_15, %scan3A_16 : i32
    %scan3A_18 = arith.constant 1 : i32
    %scan3A_19 = scf.for %scan3A_25 = %scan3A_15 to %scan3A_17 step %scan3A_18 iter_args(%scan3A_26 = %scan3A) -> (i32)  : i32 {
      %mul3A_27 = arith.constant 16 : i32
      %mul3A_28 = arith.muli %scan3A_25, %mul3A_27 : i32
      %add3A_29 = arith.addi %mul3A_28, %arg1 : i32
      %mul3A_30 = arith.constant 1024 : i32
      %mul3A_31 = arith.muli %add3A_29, %mul3A_30 : i32
      "tpu.region"() ({
        %run_scoped3A_319 = tpu.sem_alloc : memref<!tpu.dma_semaphore, #tpu.memory_space<semaphore_mem>>
        %dma_start3A_320 = tpu.memref_slice %arg5[%mul3A_31] : memref<802816xi32, #tpu.memory_space<hbm>> -> memref<1024xi32, #tpu.memory_space<hbm>>
        %dma_start3A_321 = tpu.memref_slice %arg5[%mul3A_31] : memref<802816xi32, #tpu.memory_space<hbm>> -> memref<1024xi32, #tpu.memory_space<hbm>>
        tpu.enqueue_dma source(%dma_start3A_321 : memref<1024xi32, #tpu.memory_space<hbm>>) target(%arg8 : memref<1024xi32, #tpu.memory_space<vmem>>) target_semaphore(%run_scoped3A_319 : memref<!tpu.dma_semaphore, #tpu.memory_space<semaphore_mem>>)
        %dma_wait3A_322 = tpu.memref_slice %arg5[%mul3A_31] : memref<802816xi32, #tpu.memory_space<hbm>> -> memref<1024xi32, #tpu.memory_space<hbm>>
        %dma_wait3A_323 = tpu.memref_slice %arg5[%mul3A_31] : memref<802816xi32, #tpu.memory_space<hbm>> -> memref<1024xi32, #tpu.memory_space<hbm>>
        tpu.wait_dma2 semaphore(%run_scoped3A_319 : memref<!tpu.dma_semaphore, #tpu.memory_space<semaphore_mem>>) src(%dma_wait3A_323 : memref<1024xi32, #tpu.memory_space<hbm>>) dst(%arg8 : memref<1024xi32, #tpu.memory_space<vmem>>)
        tpu.yield
      }) : () -> ()
      "tpu.region"() ({
        %run_scoped3A_319 = tpu.sem_alloc : memref<!tpu.dma_semaphore, #tpu.memory_space<semaphore_mem>>
        %dma_start3A_320 = tpu.memref_slice %arg6[%mul3A_31] : memref<802816xi32, #tpu.memory_space<hbm>> -> memref<1024xi32, #tpu.memory_space<hbm>>
        %dma_start3A_321 = tpu.memref_slice %arg6[%mul3A_31] : memref<802816xi32, #tpu.memory_space<hbm>> -> memref<1024xi32, #tpu.memory_space<hbm>>
        tpu.enqueue_dma source(%dma_start3A_321 : memref<1024xi32, #tpu.memory_space<hbm>>) target(%arg9 : memref<1024xi32, #tpu.memory_space<vmem>>) target_semaphore(%run_scoped3A_319 : memref<!tpu.dma_semaphore, #tpu.memory_space<semaphore_mem>>)
        %dma_wait3A_322 = tpu.memref_slice %arg6[%mul3A_31] : memref<802816xi32, #tpu.memory_space<hbm>> -> memref<1024xi32, #tpu.memory_space<hbm>>
        %dma_wait3A_323 = tpu.memref_slice %arg6[%mul3A_31] : memref<802816xi32, #tpu.memory_space<hbm>> -> memref<1024xi32, #tpu.memory_space<hbm>>
        tpu.wait_dma2 semaphore(%run_scoped3A_319 : memref<!tpu.dma_semaphore, #tpu.memory_space<semaphore_mem>>) src(%dma_wait3A_323 : memref<1024xi32, #tpu.memory_space<hbm>>) dst(%arg9 : memref<1024xi32, #tpu.memory_space<vmem>>)
        tpu.yield
      }) : () -> ()
      %dma_start3A = arith.constant 0 : i32
      %dma_start3A_32 = arith.constant 0 : i32
      %dma_start3A_33 = tpu.memref_slice %arg11[%dma_start3A, %dma_start3A_32] : memref<1024x16xf32, #tpu.memory_space<vmem>> -> memref<128x16xf32, #tpu.memory_space<vmem>>
      %dma_start3A_34 = arith.constant 0 : i32
      %dma_start3A_35 = tpu.memref_slice %arg8[%dma_start3A_34] : memref<1024xi32, #tpu.memory_space<vmem>> -> memref<128xi32, #tpu.memory_space<vmem>>
      %dma_start3A_36 = arith.constant 0 : i32
      %dma_start3A_37 = arith.constant 0 : i32
      %dma_start3A_38 = tpu.memref_slice %arg2[%dma_start3A_36, %dma_start3A_37] : memref<50000x16xf32, #tpu.memory_space<hbm>> -> memref<50000x16xf32, #tpu.memory_space<hbm>>
      tpu.enqueue_indirect_dma source(%dma_start3A_38 : memref<50000x16xf32, #tpu.memory_space<hbm>>) target(%dma_start3A_33 : memref<128x16xf32, #tpu.memory_space<vmem>>) offsets(%dma_start3A_35 : memref<128xi32, #tpu.memory_space<vmem>>) semaphore(%arg13 : memref<!tpu.dma_semaphore, #tpu.memory_space<semaphore_mem>>)
      %dma_start3A_39 = arith.constant 0 : i32
      %dma_start3A_40 = arith.constant 0 : i32
      %dma_start3A_41 = tpu.memref_slice %arg12[%dma_start3A_39, %dma_start3A_40] : memref<1024x16xf32, #tpu.memory_space<vmem>> -> memref<128x16xf32, #tpu.memory_space<vmem>>
      %dma_start3A_42 = arith.constant 0 : i32
      %dma_start3A_43 = tpu.memref_slice %arg9[%dma_start3A_42] : memref<1024xi32, #tpu.memory_space<vmem>> -> memref<128xi32, #tpu.memory_space<vmem>>
      %dma_start3A_44 = arith.constant 0 : i32
      %dma_start3A_45 = arith.constant 0 : i32
      %dma_start3A_46 = tpu.memref_slice %arg3[%dma_start3A_44, %dma_start3A_45] : memref<50000x16xf32, #tpu.memory_space<hbm>> -> memref<50000x16xf32, #tpu.memory_space<hbm>>
      tpu.enqueue_indirect_dma source(%dma_start3A_46 : memref<50000x16xf32, #tpu.memory_space<hbm>>) target(%dma_start3A_41 : memref<128x16xf32, #tpu.memory_space<vmem>>) offsets(%dma_start3A_43 : memref<128xi32, #tpu.memory_space<vmem>>) semaphore(%arg14 : memref<!tpu.dma_semaphore, #tpu.memory_space<semaphore_mem>>)
      %dma_start3A_47 = arith.constant 128 : i32
      %dma_start3A_48 = arith.constant 0 : i32
      %dma_start3A_49 = tpu.memref_slice %arg11[%dma_start3A_47, %dma_start3A_48] : memref<1024x16xf32, #tpu.memory_space<vmem>> -> memref<128x16xf32, #tpu.memory_space<vmem>>
      %dma_start3A_50 = arith.constant 128 : i32
      %dma_start3A_51 = tpu.memref_slice %arg8[%dma_start3A_50] : memref<1024xi32, #tpu.memory_space<vmem>> -> memref<128xi32, #tpu.memory_space<vmem>>
      %dma_start3A_52 = arith.constant 0 : i32
      %dma_start3A_53 = arith.constant 0 : i32
      %dma_start3A_54 = tpu.memref_slice %arg2[%dma_start3A_52, %dma_start3A_53] : memref<50000x16xf32, #tpu.memory_space<hbm>> -> memref<50000x16xf32, #tpu.memory_space<hbm>>
      tpu.enqueue_indirect_dma source(%dma_start3A_54 : memref<50000x16xf32, #tpu.memory_space<hbm>>) target(%dma_start3A_49 : memref<128x16xf32, #tpu.memory_space<vmem>>) offsets(%dma_start3A_51 : memref<128xi32, #tpu.memory_space<vmem>>) semaphore(%arg13 : memref<!tpu.dma_semaphore, #tpu.memory_space<semaphore_mem>>)
      %dma_start3A_55 = arith.constant 128 : i32
      %dma_start3A_56 = arith.constant 0 : i32
      %dma_start3A_57 = tpu.memref_slice %arg12[%dma_start3A_55, %dma_start3A_56] : memref<1024x16xf32, #tpu.memory_space<vmem>> -> memref<128x16xf32, #tpu.memory_space<vmem>>
      %dma_start3A_58 = arith.constant 128 : i32
      %dma_start3A_59 = tpu.memref_slice %arg9[%dma_start3A_58] : memref<1024xi32, #tpu.memory_space<vmem>> -> memref<128xi32, #tpu.memory_space<vmem>>
      %dma_start3A_60 = arith.constant 0 : i32
      %dma_start3A_61 = arith.constant 0 : i32
      %dma_start3A_62 = tpu.memref_slice %arg3[%dma_start3A_60, %dma_start3A_61] : memref<50000x16xf32, #tpu.memory_space<hbm>> -> memref<50000x16xf32, #tpu.memory_space<hbm>>
      tpu.enqueue_indirect_dma source(%dma_start3A_62 : memref<50000x16xf32, #tpu.memory_space<hbm>>) target(%dma_start3A_57 : memref<128x16xf32, #tpu.memory_space<vmem>>) offsets(%dma_start3A_59 : memref<128xi32, #tpu.memory_space<vmem>>) semaphore(%arg14 : memref<!tpu.dma_semaphore, #tpu.memory_space<semaphore_mem>>)
      %dma_start3A_63 = arith.constant 256 : i32
      %dma_start3A_64 = arith.constant 0 : i32
      %dma_start3A_65 = tpu.memref_slice %arg11[%dma_start3A_63, %dma_start3A_64] : memref<1024x16xf32, #tpu.memory_space<vmem>> -> memref<128x16xf32, #tpu.memory_space<vmem>>
      %dma_start3A_66 = arith.constant 256 : i32
      %dma_start3A_67 = tpu.memref_slice %arg8[%dma_start3A_66] : memref<1024xi32, #tpu.memory_space<vmem>> -> memref<128xi32, #tpu.memory_space<vmem>>
      %dma_start3A_68 = arith.constant 0 : i32
      %dma_start3A_69 = arith.constant 0 : i32
      %dma_start3A_70 = tpu.memref_slice %arg2[%dma_start3A_68, %dma_start3A_69] : memref<50000x16xf32, #tpu.memory_space<hbm>> -> memref<50000x16xf32, #tpu.memory_space<hbm>>
      tpu.enqueue_indirect_dma source(%dma_start3A_70 : memref<50000x16xf32, #tpu.memory_space<hbm>>) target(%dma_start3A_65 : memref<128x16xf32, #tpu.memory_space<vmem>>) offsets(%dma_start3A_67 : memref<128xi32, #tpu.memory_space<vmem>>) semaphore(%arg13 : memref<!tpu.dma_semaphore, #tpu.memory_space<semaphore_mem>>)
      %dma_start3A_71 = arith.constant 256 : i32
      %dma_start3A_72 = arith.constant 0 : i32
      %dma_start3A_73 = tpu.memref_slice %arg12[%dma_start3A_71, %dma_start3A_72] : memref<1024x16xf32, #tpu.memory_space<vmem>> -> memref<128x16xf32, #tpu.memory_space<vmem>>
      %dma_start3A_74 = arith.constant 256 : i32
      %dma_start3A_75 = tpu.memref_slice %arg9[%dma_start3A_74] : memref<1024xi32, #tpu.memory_space<vmem>> -> memref<128xi32, #tpu.memory_space<vmem>>
      %dma_start3A_76 = arith.constant 0 : i32
      %dma_start3A_77 = arith.constant 0 : i32
      %dma_start3A_78 = tpu.memref_slice %arg3[%dma_start3A_76, %dma_start3A_77] : memref<50000x16xf32, #tpu.memory_space<hbm>> -> memref<50000x16xf32, #tpu.memory_space<hbm>>
      tpu.enqueue_indirect_dma source(%dma_start3A_78 : memref<50000x16xf32, #tpu.memory_space<hbm>>) target(%dma_start3A_73 : memref<128x16xf32, #tpu.memory_space<vmem>>) offsets(%dma_start3A_75 : memref<128xi32, #tpu.memory_space<vmem>>) semaphore(%arg14 : memref<!tpu.dma_semaphore, #tpu.memory_space<semaphore_mem>>)
      %dma_start3A_79 = arith.constant 384 : i32
      %dma_start3A_80 = arith.constant 0 : i32
      %dma_start3A_81 = tpu.memref_slice %arg11[%dma_start3A_79, %dma_start3A_80] : memref<1024x16xf32, #tpu.memory_space<vmem>> -> memref<128x16xf32, #tpu.memory_space<vmem>>
      %dma_start3A_82 = arith.constant 384 : i32
      %dma_start3A_83 = tpu.memref_slice %arg8[%dma_start3A_82] : memref<1024xi32, #tpu.memory_space<vmem>> -> memref<128xi32, #tpu.memory_space<vmem>>
      %dma_start3A_84 = arith.constant 0 : i32
      %dma_start3A_85 = arith.constant 0 : i32
      %dma_start3A_86 = tpu.memref_slice %arg2[%dma_start3A_84, %dma_start3A_85] : memref<50000x16xf32, #tpu.memory_space<hbm>> -> memref<50000x16xf32, #tpu.memory_space<hbm>>
      tpu.enqueue_indirect_dma source(%dma_start3A_86 : memref<50000x16xf32, #tpu.memory_space<hbm>>) target(%dma_start3A_81 : memref<128x16xf32, #tpu.memory_space<vmem>>) offsets(%dma_start3A_83 : memref<128xi32, #tpu.memory_space<vmem>>) semaphore(%arg13 : memref<!tpu.dma_semaphore, #tpu.memory_space<semaphore_mem>>)
      %dma_start3A_87 = arith.constant 384 : i32
      %dma_start3A_88 = arith.constant 0 : i32
      %dma_start3A_89 = tpu.memref_slice %arg12[%dma_start3A_87, %dma_start3A_88] : memref<1024x16xf32, #tpu.memory_space<vmem>> -> memref<128x16xf32, #tpu.memory_space<vmem>>
      %dma_start3A_90 = arith.constant 384 : i32
      %dma_start3A_91 = tpu.memref_slice %arg9[%dma_start3A_90] : memref<1024xi32, #tpu.memory_space<vmem>> -> memref<128xi32, #tpu.memory_space<vmem>>
      %dma_start3A_92 = arith.constant 0 : i32
      %dma_start3A_93 = arith.constant 0 : i32
      %dma_start3A_94 = tpu.memref_slice %arg3[%dma_start3A_92, %dma_start3A_93] : memref<50000x16xf32, #tpu.memory_space<hbm>> -> memref<50000x16xf32, #tpu.memory_space<hbm>>
      tpu.enqueue_indirect_dma source(%dma_start3A_94 : memref<50000x16xf32, #tpu.memory_space<hbm>>) target(%dma_start3A_89 : memref<128x16xf32, #tpu.memory_space<vmem>>) offsets(%dma_start3A_91 : memref<128xi32, #tpu.memory_space<vmem>>) semaphore(%arg14 : memref<!tpu.dma_semaphore, #tpu.memory_space<semaphore_mem>>)
      %dma_start3A_95 = arith.constant 512 : i32
      %dma_start3A_96 = arith.constant 0 : i32
      %dma_start3A_97 = tpu.memref_slice %arg11[%dma_start3A_95, %dma_start3A_96] : memref<1024x16xf32, #tpu.memory_space<vmem>> -> memref<128x16xf32, #tpu.memory_space<vmem>>
      %dma_start3A_98 = arith.constant 512 : i32
      %dma_start3A_99 = tpu.memref_slice %arg8[%dma_start3A_98] : memref<1024xi32, #tpu.memory_space<vmem>> -> memref<128xi32, #tpu.memory_space<vmem>>
      %dma_start3A_100 = arith.constant 0 : i32
      %dma_start3A_101 = arith.constant 0 : i32
      %dma_start3A_102 = tpu.memref_slice %arg2[%dma_start3A_100, %dma_start3A_101] : memref<50000x16xf32, #tpu.memory_space<hbm>> -> memref<50000x16xf32, #tpu.memory_space<hbm>>
      tpu.enqueue_indirect_dma source(%dma_start3A_102 : memref<50000x16xf32, #tpu.memory_space<hbm>>) target(%dma_start3A_97 : memref<128x16xf32, #tpu.memory_space<vmem>>) offsets(%dma_start3A_99 : memref<128xi32, #tpu.memory_space<vmem>>) semaphore(%arg13 : memref<!tpu.dma_semaphore, #tpu.memory_space<semaphore_mem>>)
      %dma_start3A_103 = arith.constant 512 : i32
      %dma_start3A_104 = arith.constant 0 : i32
      %dma_start3A_105 = tpu.memref_slice %arg12[%dma_start3A_103, %dma_start3A_104] : memref<1024x16xf32, #tpu.memory_space<vmem>> -> memref<128x16xf32, #tpu.memory_space<vmem>>
      %dma_start3A_106 = arith.constant 512 : i32
      %dma_start3A_107 = tpu.memref_slice %arg9[%dma_start3A_106] : memref<1024xi32, #tpu.memory_space<vmem>> -> memref<128xi32, #tpu.memory_space<vmem>>
      %dma_start3A_108 = arith.constant 0 : i32
      %dma_start3A_109 = arith.constant 0 : i32
      %dma_start3A_110 = tpu.memref_slice %arg3[%dma_start3A_108, %dma_start3A_109] : memref<50000x16xf32, #tpu.memory_space<hbm>> -> memref<50000x16xf32, #tpu.memory_space<hbm>>
      tpu.enqueue_indirect_dma source(%dma_start3A_110 : memref<50000x16xf32, #tpu.memory_space<hbm>>) target(%dma_start3A_105 : memref<128x16xf32, #tpu.memory_space<vmem>>) offsets(%dma_start3A_107 : memref<128xi32, #tpu.memory_space<vmem>>) semaphore(%arg14 : memref<!tpu.dma_semaphore, #tpu.memory_space<semaphore_mem>>)
      %dma_start3A_111 = arith.constant 640 : i32
      %dma_start3A_112 = arith.constant 0 : i32
      %dma_start3A_113 = tpu.memref_slice %arg11[%dma_start3A_111, %dma_start3A_112] : memref<1024x16xf32, #tpu.memory_space<vmem>> -> memref<128x16xf32, #tpu.memory_space<vmem>>
      %dma_start3A_114 = arith.constant 640 : i32
      %dma_start3A_115 = tpu.memref_slice %arg8[%dma_start3A_114] : memref<1024xi32, #tpu.memory_space<vmem>> -> memref<128xi32, #tpu.memory_space<vmem>>
      %dma_start3A_116 = arith.constant 0 : i32
      %dma_start3A_117 = arith.constant 0 : i32
      %dma_start3A_118 = tpu.memref_slice %arg2[%dma_start3A_116, %dma_start3A_117] : memref<50000x16xf32, #tpu.memory_space<hbm>> -> memref<50000x16xf32, #tpu.memory_space<hbm>>
      tpu.enqueue_indirect_dma source(%dma_start3A_118 : memref<50000x16xf32, #tpu.memory_space<hbm>>) target(%dma_start3A_113 : memref<128x16xf32, #tpu.memory_space<vmem>>) offsets(%dma_start3A_115 : memref<128xi32, #tpu.memory_space<vmem>>) semaphore(%arg13 : memref<!tpu.dma_semaphore, #tpu.memory_space<semaphore_mem>>)
      %dma_start3A_119 = arith.constant 640 : i32
      %dma_start3A_120 = arith.constant 0 : i32
      %dma_start3A_121 = tpu.memref_slice %arg12[%dma_start3A_119, %dma_start3A_120] : memref<1024x16xf32, #tpu.memory_space<vmem>> -> memref<128x16xf32, #tpu.memory_space<vmem>>
      %dma_start3A_122 = arith.constant 640 : i32
      %dma_start3A_123 = tpu.memref_slice %arg9[%dma_start3A_122] : memref<1024xi32, #tpu.memory_space<vmem>> -> memref<128xi32, #tpu.memory_space<vmem>>
      %dma_start3A_124 = arith.constant 0 : i32
      %dma_start3A_125 = arith.constant 0 : i32
      %dma_start3A_126 = tpu.memref_slice %arg3[%dma_start3A_124, %dma_start3A_125] : memref<50000x16xf32, #tpu.memory_space<hbm>> -> memref<50000x16xf32, #tpu.memory_space<hbm>>
      tpu.enqueue_indirect_dma source(%dma_start3A_126 : memref<50000x16xf32, #tpu.memory_space<hbm>>) target(%dma_start3A_121 : memref<128x16xf32, #tpu.memory_space<vmem>>) offsets(%dma_start3A_123 : memref<128xi32, #tpu.memory_space<vmem>>) semaphore(%arg14 : memref<!tpu.dma_semaphore, #tpu.memory_space<semaphore_mem>>)
      %dma_start3A_127 = arith.constant 768 : i32
      %dma_start3A_128 = arith.constant 0 : i32
      %dma_start3A_129 = tpu.memref_slice %arg11[%dma_start3A_127, %dma_start3A_128] : memref<1024x16xf32, #tpu.memory_space<vmem>> -> memref<128x16xf32, #tpu.memory_space<vmem>>
      %dma_start3A_130 = arith.constant 768 : i32
      %dma_start3A_131 = tpu.memref_slice %arg8[%dma_start3A_130] : memref<1024xi32, #tpu.memory_space<vmem>> -> memref<128xi32, #tpu.memory_space<vmem>>
      %dma_start3A_132 = arith.constant 0 : i32
      %dma_start3A_133 = arith.constant 0 : i32
      %dma_start3A_134 = tpu.memref_slice %arg2[%dma_start3A_132, %dma_start3A_133] : memref<50000x16xf32, #tpu.memory_space<hbm>> -> memref<50000x16xf32, #tpu.memory_space<hbm>>
      tpu.enqueue_indirect_dma source(%dma_start3A_134 : memref<50000x16xf32, #tpu.memory_space<hbm>>) target(%dma_start3A_129 : memref<128x16xf32, #tpu.memory_space<vmem>>) offsets(%dma_start3A_131 : memref<128xi32, #tpu.memory_space<vmem>>) semaphore(%arg13 : memref<!tpu.dma_semaphore, #tpu.memory_space<semaphore_mem>>)
      %dma_start3A_135 = arith.constant 768 : i32
      %dma_start3A_136 = arith.constant 0 : i32
      %dma_start3A_137 = tpu.memref_slice %arg12[%dma_start3A_135, %dma_start3A_136] : memref<1024x16xf32, #tpu.memory_space<vmem>> -> memref<128x16xf32, #tpu.memory_space<vmem>>
      %dma_start3A_138 = arith.constant 768 : i32
      %dma_start3A_139 = tpu.memref_slice %arg9[%dma_start3A_138] : memref<1024xi32, #tpu.memory_space<vmem>> -> memref<128xi32, #tpu.memory_space<vmem>>
      %dma_start3A_140 = arith.constant 0 : i32
      %dma_start3A_141 = arith.constant 0 : i32
      %dma_start3A_142 = tpu.memref_slice %arg3[%dma_start3A_140, %dma_start3A_141] : memref<50000x16xf32, #tpu.memory_space<hbm>> -> memref<50000x16xf32, #tpu.memory_space<hbm>>
      tpu.enqueue_indirect_dma source(%dma_start3A_142 : memref<50000x16xf32, #tpu.memory_space<hbm>>) target(%dma_start3A_137 : memref<128x16xf32, #tpu.memory_space<vmem>>) offsets(%dma_start3A_139 : memref<128xi32, #tpu.memory_space<vmem>>) semaphore(%arg14 : memref<!tpu.dma_semaphore, #tpu.memory_space<semaphore_mem>>)
      %dma_start3A_143 = arith.constant 896 : i32
      %dma_start3A_144 = arith.constant 0 : i32
      %dma_start3A_145 = tpu.memref_slice %arg11[%dma_start3A_143, %dma_start3A_144] : memref<1024x16xf32, #tpu.memory_space<vmem>> -> memref<128x16xf32, #tpu.memory_space<vmem>>
      %dma_start3A_146 = arith.constant 896 : i32
      %dma_start3A_147 = tpu.memref_slice %arg8[%dma_start3A_146] : memref<1024xi32, #tpu.memory_space<vmem>> -> memref<128xi32, #tpu.memory_space<vmem>>
      %dma_start3A_148 = arith.constant 0 : i32
      %dma_start3A_149 = arith.constant 0 : i32
      %dma_start3A_150 = tpu.memref_slice %arg2[%dma_start3A_148, %dma_start3A_149] : memref<50000x16xf32, #tpu.memory_space<hbm>> -> memref<50000x16xf32, #tpu.memory_space<hbm>>
      tpu.enqueue_indirect_dma source(%dma_start3A_150 : memref<50000x16xf32, #tpu.memory_space<hbm>>) target(%dma_start3A_145 : memref<128x16xf32, #tpu.memory_space<vmem>>) offsets(%dma_start3A_147 : memref<128xi32, #tpu.memory_space<vmem>>) semaphore(%arg13 : memref<!tpu.dma_semaphore, #tpu.memory_space<semaphore_mem>>)
      %dma_start3A_151 = arith.constant 896 : i32
      %dma_start3A_152 = arith.constant 0 : i32
      %dma_start3A_153 = tpu.memref_slice %arg12[%dma_start3A_151, %dma_start3A_152] : memref<1024x16xf32, #tpu.memory_space<vmem>> -> memref<128x16xf32, #tpu.memory_space<vmem>>
      %dma_start3A_154 = arith.constant 896 : i32
      %dma_start3A_155 = tpu.memref_slice %arg9[%dma_start3A_154] : memref<1024xi32, #tpu.memory_space<vmem>> -> memref<128xi32, #tpu.memory_space<vmem>>
      %dma_start3A_156 = arith.constant 0 : i32
      %dma_start3A_157 = arith.constant 0 : i32
      %dma_start3A_158 = tpu.memref_slice %arg3[%dma_start3A_156, %dma_start3A_157] : memref<50000x16xf32, #tpu.memory_space<hbm>> -> memref<50000x16xf32, #tpu.memory_space<hbm>>
      tpu.enqueue_indirect_dma source(%dma_start3A_158 : memref<50000x16xf32, #tpu.memory_space<hbm>>) target(%dma_start3A_153 : memref<128x16xf32, #tpu.memory_space<vmem>>) offsets(%dma_start3A_155 : memref<128xi32, #tpu.memory_space<vmem>>) semaphore(%arg14 : memref<!tpu.dma_semaphore, #tpu.memory_space<semaphore_mem>>)
      %dma_wait3A = arith.constant 0 : i32
      %dma_wait3A_159 = arith.constant 0 : i32
      %dma_wait3A_160 = tpu.memref_slice %arg11[%dma_wait3A, %dma_wait3A_159] : memref<1024x16xf32, #tpu.memory_space<vmem>> -> memref<128x16xf32, #tpu.memory_space<vmem>>
      %dma_wait3A_161 = arith.constant 0 : i32
      %dma_wait3A_162 = tpu.memref_slice %arg8[%dma_wait3A_161] : memref<1024xi32, #tpu.memory_space<vmem>> -> memref<128xi32, #tpu.memory_space<vmem>>
      %dma_wait3A_163 = arith.constant 0 : i32
      %dma_wait3A_164 = arith.constant 0 : i32
      %dma_wait3A_165 = tpu.memref_slice %arg2[%dma_wait3A_163, %dma_wait3A_164] : memref<50000x16xf32, #tpu.memory_space<hbm>> -> memref<50000x16xf32, #tpu.memory_space<hbm>>
      tpu.wait_indirect_dma semaphore(%arg13 : memref<!tpu.dma_semaphore, #tpu.memory_space<semaphore_mem>>) src(%dma_wait3A_165 : memref<50000x16xf32, #tpu.memory_space<hbm>>) dst(%dma_wait3A_160 : memref<128x16xf32, #tpu.memory_space<vmem>>)
      %dma_wait3A_166 = arith.constant 0 : i32
      %dma_wait3A_167 = arith.constant 0 : i32
      %dma_wait3A_168 = tpu.memref_slice %arg12[%dma_wait3A_166, %dma_wait3A_167] : memref<1024x16xf32, #tpu.memory_space<vmem>> -> memref<128x16xf32, #tpu.memory_space<vmem>>
      %dma_wait3A_169 = arith.constant 0 : i32
      %dma_wait3A_170 = tpu.memref_slice %arg9[%dma_wait3A_169] : memref<1024xi32, #tpu.memory_space<vmem>> -> memref<128xi32, #tpu.memory_space<vmem>>
      %dma_wait3A_171 = arith.constant 0 : i32
      %dma_wait3A_172 = arith.constant 0 : i32
      %dma_wait3A_173 = tpu.memref_slice %arg3[%dma_wait3A_171, %dma_wait3A_172] : memref<50000x16xf32, #tpu.memory_space<hbm>> -> memref<50000x16xf32, #tpu.memory_space<hbm>>
      tpu.wait_indirect_dma semaphore(%arg14 : memref<!tpu.dma_semaphore, #tpu.memory_space<semaphore_mem>>) src(%dma_wait3A_173 : memref<50000x16xf32, #tpu.memory_space<hbm>>) dst(%dma_wait3A_168 : memref<128x16xf32, #tpu.memory_space<vmem>>)
      %dma_wait3A_174 = arith.constant 128 : i32
      %dma_wait3A_175 = arith.constant 0 : i32
      %dma_wait3A_176 = tpu.memref_slice %arg11[%dma_wait3A_174, %dma_wait3A_175] : memref<1024x16xf32, #tpu.memory_space<vmem>> -> memref<128x16xf32, #tpu.memory_space<vmem>>
      %dma_wait3A_177 = arith.constant 128 : i32
      %dma_wait3A_178 = tpu.memref_slice %arg8[%dma_wait3A_177] : memref<1024xi32, #tpu.memory_space<vmem>> -> memref<128xi32, #tpu.memory_space<vmem>>
      %dma_wait3A_179 = arith.constant 0 : i32
      %dma_wait3A_180 = arith.constant 0 : i32
      %dma_wait3A_181 = tpu.memref_slice %arg2[%dma_wait3A_179, %dma_wait3A_180] : memref<50000x16xf32, #tpu.memory_space<hbm>> -> memref<50000x16xf32, #tpu.memory_space<hbm>>
      tpu.wait_indirect_dma semaphore(%arg13 : memref<!tpu.dma_semaphore, #tpu.memory_space<semaphore_mem>>) src(%dma_wait3A_181 : memref<50000x16xf32, #tpu.memory_space<hbm>>) dst(%dma_wait3A_176 : memref<128x16xf32, #tpu.memory_space<vmem>>)
      %dma_wait3A_182 = arith.constant 128 : i32
      %dma_wait3A_183 = arith.constant 0 : i32
      %dma_wait3A_184 = tpu.memref_slice %arg12[%dma_wait3A_182, %dma_wait3A_183] : memref<1024x16xf32, #tpu.memory_space<vmem>> -> memref<128x16xf32, #tpu.memory_space<vmem>>
      %dma_wait3A_185 = arith.constant 128 : i32
      %dma_wait3A_186 = tpu.memref_slice %arg9[%dma_wait3A_185] : memref<1024xi32, #tpu.memory_space<vmem>> -> memref<128xi32, #tpu.memory_space<vmem>>
      %dma_wait3A_187 = arith.constant 0 : i32
      %dma_wait3A_188 = arith.constant 0 : i32
      %dma_wait3A_189 = tpu.memref_slice %arg3[%dma_wait3A_187, %dma_wait3A_188] : memref<50000x16xf32, #tpu.memory_space<hbm>> -> memref<50000x16xf32, #tpu.memory_space<hbm>>
      tpu.wait_indirect_dma semaphore(%arg14 : memref<!tpu.dma_semaphore, #tpu.memory_space<semaphore_mem>>) src(%dma_wait3A_189 : memref<50000x16xf32, #tpu.memory_space<hbm>>) dst(%dma_wait3A_184 : memref<128x16xf32, #tpu.memory_space<vmem>>)
      %dma_wait3A_190 = arith.constant 256 : i32
      %dma_wait3A_191 = arith.constant 0 : i32
      %dma_wait3A_192 = tpu.memref_slice %arg11[%dma_wait3A_190, %dma_wait3A_191] : memref<1024x16xf32, #tpu.memory_space<vmem>> -> memref<128x16xf32, #tpu.memory_space<vmem>>
      %dma_wait3A_193 = arith.constant 256 : i32
      %dma_wait3A_194 = tpu.memref_slice %arg8[%dma_wait3A_193] : memref<1024xi32, #tpu.memory_space<vmem>> -> memref<128xi32, #tpu.memory_space<vmem>>
      %dma_wait3A_195 = arith.constant 0 : i32
      %dma_wait3A_196 = arith.constant 0 : i32
      %dma_wait3A_197 = tpu.memref_slice %arg2[%dma_wait3A_195, %dma_wait3A_196] : memref<50000x16xf32, #tpu.memory_space<hbm>> -> memref<50000x16xf32, #tpu.memory_space<hbm>>
      tpu.wait_indirect_dma semaphore(%arg13 : memref<!tpu.dma_semaphore, #tpu.memory_space<semaphore_mem>>) src(%dma_wait3A_197 : memref<50000x16xf32, #tpu.memory_space<hbm>>) dst(%dma_wait3A_192 : memref<128x16xf32, #tpu.memory_space<vmem>>)
      %dma_wait3A_198 = arith.constant 256 : i32
      %dma_wait3A_199 = arith.constant 0 : i32
      %dma_wait3A_200 = tpu.memref_slice %arg12[%dma_wait3A_198, %dma_wait3A_199] : memref<1024x16xf32, #tpu.memory_space<vmem>> -> memref<128x16xf32, #tpu.memory_space<vmem>>
      %dma_wait3A_201 = arith.constant 256 : i32
      %dma_wait3A_202 = tpu.memref_slice %arg9[%dma_wait3A_201] : memref<1024xi32, #tpu.memory_space<vmem>> -> memref<128xi32, #tpu.memory_space<vmem>>
      %dma_wait3A_203 = arith.constant 0 : i32
      %dma_wait3A_204 = arith.constant 0 : i32
      %dma_wait3A_205 = tpu.memref_slice %arg3[%dma_wait3A_203, %dma_wait3A_204] : memref<50000x16xf32, #tpu.memory_space<hbm>> -> memref<50000x16xf32, #tpu.memory_space<hbm>>
      tpu.wait_indirect_dma semaphore(%arg14 : memref<!tpu.dma_semaphore, #tpu.memory_space<semaphore_mem>>) src(%dma_wait3A_205 : memref<50000x16xf32, #tpu.memory_space<hbm>>) dst(%dma_wait3A_200 : memref<128x16xf32, #tpu.memory_space<vmem>>)
      %dma_wait3A_206 = arith.constant 384 : i32
      %dma_wait3A_207 = arith.constant 0 : i32
      %dma_wait3A_208 = tpu.memref_slice %arg11[%dma_wait3A_206, %dma_wait3A_207] : memref<1024x16xf32, #tpu.memory_space<vmem>> -> memref<128x16xf32, #tpu.memory_space<vmem>>
      %dma_wait3A_209 = arith.constant 384 : i32
      %dma_wait3A_210 = tpu.memref_slice %arg8[%dma_wait3A_209] : memref<1024xi32, #tpu.memory_space<vmem>> -> memref<128xi32, #tpu.memory_space<vmem>>
      %dma_wait3A_211 = arith.constant 0 : i32
      %dma_wait3A_212 = arith.constant 0 : i32
      %dma_wait3A_213 = tpu.memref_slice %arg2[%dma_wait3A_211, %dma_wait3A_212] : memref<50000x16xf32, #tpu.memory_space<hbm>> -> memref<50000x16xf32, #tpu.memory_space<hbm>>
      tpu.wait_indirect_dma semaphore(%arg13 : memref<!tpu.dma_semaphore, #tpu.memory_space<semaphore_mem>>) src(%dma_wait3A_213 : memref<50000x16xf32, #tpu.memory_space<hbm>>) dst(%dma_wait3A_208 : memref<128x16xf32, #tpu.memory_space<vmem>>)
      %dma_wait3A_214 = arith.constant 384 : i32
      %dma_wait3A_215 = arith.constant 0 : i32
      %dma_wait3A_216 = tpu.memref_slice %arg12[%dma_wait3A_214, %dma_wait3A_215] : memref<1024x16xf32, #tpu.memory_space<vmem>> -> memref<128x16xf32, #tpu.memory_space<vmem>>
      %dma_wait3A_217 = arith.constant 384 : i32
      %dma_wait3A_218 = tpu.memref_slice %arg9[%dma_wait3A_217] : memref<1024xi32, #tpu.memory_space<vmem>> -> memref<128xi32, #tpu.memory_space<vmem>>
      %dma_wait3A_219 = arith.constant 0 : i32
      %dma_wait3A_220 = arith.constant 0 : i32
      %dma_wait3A_221 = tpu.memref_slice %arg3[%dma_wait3A_219, %dma_wait3A_220] : memref<50000x16xf32, #tpu.memory_space<hbm>> -> memref<50000x16xf32, #tpu.memory_space<hbm>>
      tpu.wait_indirect_dma semaphore(%arg14 : memref<!tpu.dma_semaphore, #tpu.memory_space<semaphore_mem>>) src(%dma_wait3A_221 : memref<50000x16xf32, #tpu.memory_space<hbm>>) dst(%dma_wait3A_216 : memref<128x16xf32, #tpu.memory_space<vmem>>)
      %dma_wait3A_222 = arith.constant 512 : i32
      %dma_wait3A_223 = arith.constant 0 : i32
      %dma_wait3A_224 = tpu.memref_slice %arg11[%dma_wait3A_222, %dma_wait3A_223] : memref<1024x16xf32, #tpu.memory_space<vmem>> -> memref<128x16xf32, #tpu.memory_space<vmem>>
      %dma_wait3A_225 = arith.constant 512 : i32
      %dma_wait3A_226 = tpu.memref_slice %arg8[%dma_wait3A_225] : memref<1024xi32, #tpu.memory_space<vmem>> -> memref<128xi32, #tpu.memory_space<vmem>>
      %dma_wait3A_227 = arith.constant 0 : i32
      %dma_wait3A_228 = arith.constant 0 : i32
      %dma_wait3A_229 = tpu.memref_slice %arg2[%dma_wait3A_227, %dma_wait3A_228] : memref<50000x16xf32, #tpu.memory_space<hbm>> -> memref<50000x16xf32, #tpu.memory_space<hbm>>
      tpu.wait_indirect_dma semaphore(%arg13 : memref<!tpu.dma_semaphore, #tpu.memory_space<semaphore_mem>>) src(%dma_wait3A_229 : memref<50000x16xf32, #tpu.memory_space<hbm>>) dst(%dma_wait3A_224 : memref<128x16xf32, #tpu.memory_space<vmem>>)
      %dma_wait3A_230 = arith.constant 512 : i32
      %dma_wait3A_231 = arith.constant 0 : i32
      %dma_wait3A_232 = tpu.memref_slice %arg12[%dma_wait3A_230, %dma_wait3A_231] : memref<1024x16xf32, #tpu.memory_space<vmem>> -> memref<128x16xf32, #tpu.memory_space<vmem>>
      %dma_wait3A_233 = arith.constant 512 : i32
      %dma_wait3A_234 = tpu.memref_slice %arg9[%dma_wait3A_233] : memref<1024xi32, #tpu.memory_space<vmem>> -> memref<128xi32, #tpu.memory_space<vmem>>
      %dma_wait3A_235 = arith.constant 0 : i32
      %dma_wait3A_236 = arith.constant 0 : i32
      %dma_wait3A_237 = tpu.memref_slice %arg3[%dma_wait3A_235, %dma_wait3A_236] : memref<50000x16xf32, #tpu.memory_space<hbm>> -> memref<50000x16xf32, #tpu.memory_space<hbm>>
      tpu.wait_indirect_dma semaphore(%arg14 : memref<!tpu.dma_semaphore, #tpu.memory_space<semaphore_mem>>) src(%dma_wait3A_237 : memref<50000x16xf32, #tpu.memory_space<hbm>>) dst(%dma_wait3A_232 : memref<128x16xf32, #tpu.memory_space<vmem>>)
      %dma_wait3A_238 = arith.constant 640 : i32
      %dma_wait3A_239 = arith.constant 0 : i32
      %dma_wait3A_240 = tpu.memref_slice %arg11[%dma_wait3A_238, %dma_wait3A_239] : memref<1024x16xf32, #tpu.memory_space<vmem>> -> memref<128x16xf32, #tpu.memory_space<vmem>>
      %dma_wait3A_241 = arith.constant 640 : i32
      %dma_wait3A_242 = tpu.memref_slice %arg8[%dma_wait3A_241] : memref<1024xi32, #tpu.memory_space<vmem>> -> memref<128xi32, #tpu.memory_space<vmem>>
      %dma_wait3A_243 = arith.constant 0 : i32
      %dma_wait3A_244 = arith.constant 0 : i32
      %dma_wait3A_245 = tpu.memref_slice %arg2[%dma_wait3A_243, %dma_wait3A_244] : memref<50000x16xf32, #tpu.memory_space<hbm>> -> memref<50000x16xf32, #tpu.memory_space<hbm>>
      tpu.wait_indirect_dma semaphore(%arg13 : memref<!tpu.dma_semaphore, #tpu.memory_space<semaphore_mem>>) src(%dma_wait3A_245 : memref<50000x16xf32, #tpu.memory_space<hbm>>) dst(%dma_wait3A_240 : memref<128x16xf32, #tpu.memory_space<vmem>>)
      %dma_wait3A_246 = arith.constant 640 : i32
      %dma_wait3A_247 = arith.constant 0 : i32
      %dma_wait3A_248 = tpu.memref_slice %arg12[%dma_wait3A_246, %dma_wait3A_247] : memref<1024x16xf32, #tpu.memory_space<vmem>> -> memref<128x16xf32, #tpu.memory_space<vmem>>
      %dma_wait3A_249 = arith.constant 640 : i32
      %dma_wait3A_250 = tpu.memref_slice %arg9[%dma_wait3A_249] : memref<1024xi32, #tpu.memory_space<vmem>> -> memref<128xi32, #tpu.memory_space<vmem>>
      %dma_wait3A_251 = arith.constant 0 : i32
      %dma_wait3A_252 = arith.constant 0 : i32
      %dma_wait3A_253 = tpu.memref_slice %arg3[%dma_wait3A_251, %dma_wait3A_252] : memref<50000x16xf32, #tpu.memory_space<hbm>> -> memref<50000x16xf32, #tpu.memory_space<hbm>>
      tpu.wait_indirect_dma semaphore(%arg14 : memref<!tpu.dma_semaphore, #tpu.memory_space<semaphore_mem>>) src(%dma_wait3A_253 : memref<50000x16xf32, #tpu.memory_space<hbm>>) dst(%dma_wait3A_248 : memref<128x16xf32, #tpu.memory_space<vmem>>)
      %dma_wait3A_254 = arith.constant 768 : i32
      %dma_wait3A_255 = arith.constant 0 : i32
      %dma_wait3A_256 = tpu.memref_slice %arg11[%dma_wait3A_254, %dma_wait3A_255] : memref<1024x16xf32, #tpu.memory_space<vmem>> -> memref<128x16xf32, #tpu.memory_space<vmem>>
      %dma_wait3A_257 = arith.constant 768 : i32
      %dma_wait3A_258 = tpu.memref_slice %arg8[%dma_wait3A_257] : memref<1024xi32, #tpu.memory_space<vmem>> -> memref<128xi32, #tpu.memory_space<vmem>>
      %dma_wait3A_259 = arith.constant 0 : i32
      %dma_wait3A_260 = arith.constant 0 : i32
      %dma_wait3A_261 = tpu.memref_slice %arg2[%dma_wait3A_259, %dma_wait3A_260] : memref<50000x16xf32, #tpu.memory_space<hbm>> -> memref<50000x16xf32, #tpu.memory_space<hbm>>
      tpu.wait_indirect_dma semaphore(%arg13 : memref<!tpu.dma_semaphore, #tpu.memory_space<semaphore_mem>>) src(%dma_wait3A_261 : memref<50000x16xf32, #tpu.memory_space<hbm>>) dst(%dma_wait3A_256 : memref<128x16xf32, #tpu.memory_space<vmem>>)
      %dma_wait3A_262 = arith.constant 768 : i32
      %dma_wait3A_263 = arith.constant 0 : i32
      %dma_wait3A_264 = tpu.memref_slice %arg12[%dma_wait3A_262, %dma_wait3A_263] : memref<1024x16xf32, #tpu.memory_space<vmem>> -> memref<128x16xf32, #tpu.memory_space<vmem>>
      %dma_wait3A_265 = arith.constant 768 : i32
      %dma_wait3A_266 = tpu.memref_slice %arg9[%dma_wait3A_265] : memref<1024xi32, #tpu.memory_space<vmem>> -> memref<128xi32, #tpu.memory_space<vmem>>
      %dma_wait3A_267 = arith.constant 0 : i32
      %dma_wait3A_268 = arith.constant 0 : i32
      %dma_wait3A_269 = tpu.memref_slice %arg3[%dma_wait3A_267, %dma_wait3A_268] : memref<50000x16xf32, #tpu.memory_space<hbm>> -> memref<50000x16xf32, #tpu.memory_space<hbm>>
      tpu.wait_indirect_dma semaphore(%arg14 : memref<!tpu.dma_semaphore, #tpu.memory_space<semaphore_mem>>) src(%dma_wait3A_269 : memref<50000x16xf32, #tpu.memory_space<hbm>>) dst(%dma_wait3A_264 : memref<128x16xf32, #tpu.memory_space<vmem>>)
      %dma_wait3A_270 = arith.constant 896 : i32
      %dma_wait3A_271 = arith.constant 0 : i32
      %dma_wait3A_272 = tpu.memref_slice %arg11[%dma_wait3A_270, %dma_wait3A_271] : memref<1024x16xf32, #tpu.memory_space<vmem>> -> memref<128x16xf32, #tpu.memory_space<vmem>>
      %dma_wait3A_273 = arith.constant 896 : i32
      %dma_wait3A_274 = tpu.memref_slice %arg8[%dma_wait3A_273] : memref<1024xi32, #tpu.memory_space<vmem>> -> memref<128xi32, #tpu.memory_space<vmem>>
      %dma_wait3A_275 = arith.constant 0 : i32
      %dma_wait3A_276 = arith.constant 0 : i32
      %dma_wait3A_277 = tpu.memref_slice %arg2[%dma_wait3A_275, %dma_wait3A_276] : memref<50000x16xf32, #tpu.memory_space<hbm>> -> memref<50000x16xf32, #tpu.memory_space<hbm>>
      tpu.wait_indirect_dma semaphore(%arg13 : memref<!tpu.dma_semaphore, #tpu.memory_space<semaphore_mem>>) src(%dma_wait3A_277 : memref<50000x16xf32, #tpu.memory_space<hbm>>) dst(%dma_wait3A_272 : memref<128x16xf32, #tpu.memory_space<vmem>>)
      %dma_wait3A_278 = arith.constant 896 : i32
      %dma_wait3A_279 = arith.constant 0 : i32
      %dma_wait3A_280 = tpu.memref_slice %arg12[%dma_wait3A_278, %dma_wait3A_279] : memref<1024x16xf32, #tpu.memory_space<vmem>> -> memref<128x16xf32, #tpu.memory_space<vmem>>
      %dma_wait3A_281 = arith.constant 896 : i32
      %dma_wait3A_282 = tpu.memref_slice %arg9[%dma_wait3A_281] : memref<1024xi32, #tpu.memory_space<vmem>> -> memref<128xi32, #tpu.memory_space<vmem>>
      %dma_wait3A_283 = arith.constant 0 : i32
      %dma_wait3A_284 = arith.constant 0 : i32
      %dma_wait3A_285 = tpu.memref_slice %arg3[%dma_wait3A_283, %dma_wait3A_284] : memref<50000x16xf32, #tpu.memory_space<hbm>> -> memref<50000x16xf32, #tpu.memory_space<hbm>>
      tpu.wait_indirect_dma semaphore(%arg14 : memref<!tpu.dma_semaphore, #tpu.memory_space<semaphore_mem>>) src(%dma_wait3A_285 : memref<50000x16xf32, #tpu.memory_space<hbm>>) dst(%dma_wait3A_280 : memref<128x16xf32, #tpu.memory_space<vmem>>)
      %scan3A_286 = arith.constant 0 : i32
      %scan3A_287 = arith.constant 0 : i32
      %scan3A_288 = arith.constant 64 : i32
      %scan3A_289 = arith.addi %scan3A_287, %scan3A_288 : i32
      %scan3A_290 = arith.constant 1 : i32
      %scan3A_291 = scf.for %scan3A_319 = %scan3A_287 to %scan3A_289 step %scan3A_290 iter_args(%scan3A_320 = %scan3A_286) -> (i32)  : i32 {
        %mul3A_321 = arith.constant 16 : i32
        %mul3A_322 = arith.muli %scan3A_319, %mul3A_321 : i32
        %add3A_323 = vector.broadcast %mul3A_322 : i32 to vector<16xi32>
        %add3A_324 = arith.addi %add3A_323, %iota3A : vector<16xi32>
        %gather3A = tpu.vector_load_idx %arg9[%add3A_324] : memref<1024xi32, #tpu.memory_space<vmem>>[vector<16xi32>], vector<16xi32>,
        %mul3A_325 = arith.constant 16 : i32
        %mul3A_326 = arith.muli %scan3A_319, %mul3A_325 : i32
        %add3A_327 = arith.addi %mul3A_31, %mul3A_326 : i32
        %add3A_328 = vector.broadcast %add3A_327 : i32 to vector<16xi32>
        %add3A_329 = arith.addi %add3A_328, %iota3A : vector<16xi32>
        %ge3A = vector.broadcast %mul3A_0 : i32 to vector<16xi32>
        %ge3A_330 = arith.cmpi sge, %gather3A, %ge3A : vector<16xi32>
        %add3A_331 = arith.constant 25000 : i32
        %add3A_332 = arith.addi %mul3A_0, %add3A_331 : i32
        %lt3A_333 = vector.broadcast %add3A_332 : i32 to vector<16xi32>
        %lt3A_334 = arith.cmpi slt, %gather3A, %lt3A_333 : vector<16xi32>
        %and3A = arith.andi %ge3A_330, %lt3A_334 : vector<16xi1>
        %lt3A_335 = arith.constant 800000 : i32
        %lt3A_336 = vector.broadcast %lt3A_335 : i32 to vector<16xi32>
        %lt3A_337 = arith.cmpi slt, %add3A_329, %lt3A_336 : vector<16xi32>
        %and3A_338 = arith.andi %and3A, %lt3A_337 : vector<16xi1>
        %sub3A = vector.broadcast %mul3A_0 : i32 to vector<16xi32>
        %sub3A_339 = arith.subi %gather3A, %sub3A : vector<16xi32>
        %jit3A = arith.constant 25000 : i32
        %broadcast_in_dim3A_340 = vector.broadcast %jit3A : i32 to vector<16xi32>
        %select_n3A_341 = arith.select %and3A_338, %sub3A_339, %broadcast_in_dim3A_340 : vector<16xi1>, vector<16xi32>
        %jit3A_342 = arith.constant 8 : i32
        %div3A = arith.divsi %scan3A_319, %jit3A_342 : i32
        %sign3A = arith.constant 0 : i32
        %sign3A_343 = arith.cmpi sgt, %scan3A_319, %sign3A : i32
        %sign3A_344 = arith.extui %sign3A_343 : i1 to i32
        %sign3A_345 = arith.constant 0 : i32
        %sign3A_346 = arith.cmpi slt, %scan3A_319, %sign3A_345 : i32
        %sign3A_347 = arith.extui %sign3A_346 : i1 to i32
        %sign3A_348 = arith.subi %sign3A_344, %sign3A_347 : i32
        %sign3A_349 = arith.constant 0 : i32
        %sign3A_350 = arith.cmpi sgt, %jit3A_342, %sign3A_349 : i32
        %sign3A_351 = arith.extui %sign3A_350 : i1 to i32
        %sign3A_352 = arith.constant 0 : i32
        %sign3A_353 = arith.cmpi slt, %jit3A_342, %sign3A_352 : i32
        %sign3A_354 = arith.extui %sign3A_353 : i1 to i32
        %sign3A_355 = arith.subi %sign3A_351, %sign3A_354 : i32
        %ne3A = arith.cmpi ne, %sign3A_348, %sign3A_355 : i32
        %rem3A = arith.remsi %scan3A_319, %jit3A_342 : i32
        %ne3A_356 = arith.constant 0 : i32
        %ne3A_357 = arith.cmpi ne, %rem3A, %ne3A_356 : i32
        %and3A_358 = arith.andi %ne3A, %ne3A_357 : i1
        %sub3A_359 = arith.constant 1 : i32
        %sub3A_360 = arith.subi %div3A, %sub3A_359 : i32
        %select_n3A_361 = arith.select %and3A_358, %sub3A_360, %div3A : i32
        %broadcast_in_dim3A_362 = vector.broadcast %select_n3A_361 : i32 to vector<16xi32>
        %jit3A_363 = arith.constant 8 : i32
        %eq3A_364 = arith.constant 0 : i32
        %eq3A_365 = arith.cmpi eq, %jit3A_363, %eq3A_364 : i32
        %jit3A_366 = arith.constant 1 : i32
        %select_n3A_367 = arith.select %eq3A_365, %jit3A_366, %jit3A_363 : i32
        %rem3A_368 = arith.remsi %scan3A_319, %select_n3A_367 : i32
        %ne3A_369 = arith.constant 0 : i32
        %ne3A_370 = arith.cmpi ne, %rem3A_368, %ne3A_369 : i32
        %lt3A_371 = arith.constant 0 : i32
        %lt3A_372 = arith.cmpi slt, %rem3A_368, %lt3A_371 : i32
        %lt3A_373 = arith.constant 0 : i32
        %lt3A_374 = arith.cmpi slt, %select_n3A_367, %lt3A_373 : i32
        %ne3A_375 = arith.xori %lt3A_372, %lt3A_374 : i1
        %and3A_376 = arith.andi %ne3A_375, %ne3A_370 : i1
        %add3A_377 = arith.addi %rem3A_368, %select_n3A_367 : i32
        %select_n3A_378 = arith.select %and3A_376, %add3A_377, %rem3A_368 : i32
        %mul3A_379 = arith.constant 16 : i32
        %mul3A_380 = arith.muli %select_n3A_378, %mul3A_379 : i32
        %add3A_381 = vector.broadcast %mul3A_380 : i32 to vector<16xi32>
        %add3A_382 = arith.addi %add3A_381, %iota3A : vector<16xi32>
        tpu.vector_store_idx %arg10[%broadcast_in_dim3A_362, %add3A_382], %select_n3A_341 : memref<8x128xi32, #tpu.memory_space<vmem>>[vector<16xi32>, vector<16xi32>], vector<16xi32>,
        %scan3A_383 = arith.constant 0 : i32
        scf.yield %scan3A_383 : i32
      }
      %scan3A_292 = arith.constant 64 : i32
      %broadcast_in_dim3A_293 = arith.constant 7 : i32
      %broadcast_in_dim3A_294 = vector.broadcast %broadcast_in_dim3A_293 : i32 to vector<16xi32>
      %broadcast_in_dim3A_295 = arith.constant 0 : i32
      %broadcast_in_dim3A_296 = vector.broadcast %broadcast_in_dim3A_295 : i32 to vector<16xi32>
      %scan3A_297 = arith.constant 0 : i32
      %scan3A_298 = arith.constant 0 : i32
      %scan3A_299 = arith.constant 64 : i32
      %scan3A_300 = arith.addi %scan3A_298, %scan3A_299 : i32
      %scan3A_301 = arith.constant 1 : i32
      %scan3A_302 = scf.for %scan3A_319 = %scan3A_298 to %scan3A_300 step %scan3A_301 iter_args(%scan3A_320 = %scan3A_297) -> (i32)  : i32 {
        %mul3A_321 = arith.constant 16 : i32
        %mul3A_322 = arith.muli %scan3A_319, %mul3A_321 : i32
        %add3A_323 = vector.broadcast %mul3A_322 : i32 to vector<16xi32>
        %add3A_324 = arith.addi %add3A_323, %iota3A : vector<16xi32>
        %gather3A = tpu.vector_load_idx %arg11[%add3A_324, %broadcast_in_dim3A_294] : memref<1024x16xf32, #tpu.memory_space<vmem>>[vector<16xi32>, vector<16xi32>], vector<16xf32>,
        %gather3A_325 = tpu.vector_load_idx %arg12[%add3A_324, %broadcast_in_dim3A_296] : memref<1024x16xf32, #tpu.memory_space<vmem>>[vector<16xi32>, vector<16xi32>], vector<16xf32>,
        %add3A_326 = arith.addf %gather3A, %gather3A_325 : vector<16xf32>
        %gt3A = arith.constant 0.000000e+00 : f32
        %gt3A_327 = vector.broadcast %gt3A : f32 to vector<16xf32>
        %gt3A_328 = arith.cmpf ogt, %add3A_326, %gt3A_327 : vector<16xf32>
        %mul3A_329 = arith.constant 2.000000e-01 : f32
        %mul3A_330 = vector.broadcast %mul3A_329 : f32 to vector<16xf32>
        %mul3A_331 = arith.mulf %mul3A_330, %add3A_326 : vector<16xf32>
        %select_n3A_332 = arith.select %gt3A_328, %add3A_326, %mul3A_331 : vector<16xi1>, vector<16xf32>
        %exp3A = math.exp %select_n3A_332 : vector<16xf32>
        tpu.vector_store_idx %arg12[%add3A_324, %broadcast_in_dim3A_296], %exp3A : memref<1024x16xf32, #tpu.memory_space<vmem>>[vector<16xi32>, vector<16xi32>], vector<16xf32>,
        %scan3A_333 = arith.constant 0 : i32
        scf.yield %scan3A_333 : i32
      }
      %scan3A_303 = arith.constant 64 : i32
      %scan3A_304 = arith.constant 0 : i32
      %scan3A_305 = arith.constant 0 : i32
      %scan3A_306 = arith.constant 1024 : i32
      %scan3A_307 = arith.addi %scan3A_305, %scan3A_306 : i32
      %scan3A_308 = arith.constant 1 : i32
      %scan3A_309 = scf.for %scan3A_319 = %scan3A_305 to %scan3A_307 step %scan3A_308 iter_args(%scan3A_320 = %scan3A_304) -> (i32)  : i32 {
        %broadcast_in_dim3A_321 = vector.broadcast %scan3A_319 : i32 to vector<16xi32>
        %gather3A = tpu.vector_load_idx %arg11[%broadcast_in_dim3A_321, %iota3A] : memref<1024x16xf32, #tpu.memory_space<vmem>>[vector<16xi32>, vector<16xi32>], vector<16xf32>,
        %gather3A_322 = tpu.vector_load_idx %arg12[%broadcast_in_dim3A_321, %broadcast_in_dim3A_296] : memref<1024x16xf32, #tpu.memory_space<vmem>>[vector<16xi32>, vector<16xi32>], vector<16xf32>,
        %mul3A_323 = arith.mulf %gather3A, %gather3A_322 : vector<16xf32>
        %mul3A_324 = arith.mulf %mul3A_323, %select_n3A_11 : vector<16xf32>
        %mul3A_325 = arith.mulf %gather3A_322, %select_n3A_14 : vector<16xf32>
        %add3A_326 = arith.addf %mul3A_324, %mul3A_325 : vector<16xf32>
        tpu.vector_store_idx %arg11[%broadcast_in_dim3A_321, %iota3A], %add3A_326 : memref<1024x16xf32, #tpu.memory_space<vmem>>[vector<16xi32>, vector<16xi32>], vector<16xf32>,
        %scan3A_327 = arith.constant 0 : i32
        scf.yield %scan3A_327 : i32
      }
      %scan3A_310 = arith.constant 1024 : i32
      %run_scoped3A = arith.constant 0 : i32
      "tpu.region"() ({
        %run_scoped3A_319 = tpu.sem_alloc : memref<!tpu.dma_semaphore, #tpu.memory_space<semaphore_mem>>
        %dma_start3A_320 = arith.constant 0 : i32
        %dma_start3A_321 = arith.constant 0 : i32
        %dma_start3A_322 = tpu.memref_slice %arg11[%dma_start3A_320, %dma_start3A_321] : memref<1024x16xf32, #tpu.memory_space<vmem>> -> memref<128x16xf32, #tpu.memory_space<vmem>>
        %dma_start3A_323 = arith.constant 0 : i32
        %dma_start3A_324 = tpu.memref_slice %arg10[%run_scoped3A, %dma_start3A_323] : memref<8x128xi32, #tpu.memory_space<vmem>> -> memref<1x128xi32, #tpu.memory_space<vmem>>
        %dma_start3A_325 = tpu.memref_squeeze %dma_start3A_324 : memref<1x128xi32, #tpu.memory_space<vmem>> -> memref<128xi32, #tpu.memory_space<vmem>>
        %dma_start3A_326 = arith.constant 0 : i32
        %dma_start3A_327 = arith.constant 0 : i32
        %dma_start3A_328 = tpu.memref_slice %arg15[%dma_start3A_326, %dma_start3A_327] : memref<25088x16xf32, #tpu.memory_space<vmem_shared>> -> memref<25088x16xf32, #tpu.memory_space<vmem_shared>>
        tpu.enqueue_indirect_dma source(%dma_start3A_322 : memref<128x16xf32, #tpu.memory_space<vmem>>) target(%dma_start3A_328 : memref<25088x16xf32, #tpu.memory_space<vmem_shared>>) offsets(%dma_start3A_325 : memref<128xi32, #tpu.memory_space<vmem>>) semaphore(%run_scoped3A_319 : memref<!tpu.dma_semaphore, #tpu.memory_space<semaphore_mem>>) {add = true}
        %dma_wait3A_329 = arith.constant 0 : i32
        %dma_wait3A_330 = arith.constant 0 : i32
        %dma_wait3A_331 = tpu.memref_slice %arg11[%dma_wait3A_329, %dma_wait3A_330] : memref<1024x16xf32, #tpu.memory_space<vmem>> -> memref<128x16xf32, #tpu.memory_space<vmem>>
        %dma_wait3A_332 = arith.constant 0 : i32
        %dma_wait3A_333 = tpu.memref_slice %arg10[%run_scoped3A, %dma_wait3A_332] : memref<8x128xi32, #tpu.memory_space<vmem>> -> memref<1x128xi32, #tpu.memory_space<vmem>>
        %dma_wait3A_334 = tpu.memref_squeeze %dma_wait3A_333 : memref<1x128xi32, #tpu.memory_space<vmem>> -> memref<128xi32, #tpu.memory_space<vmem>>
        %dma_wait3A_335 = arith.constant 0 : i32
        %dma_wait3A_336 = arith.constant 0 : i32
        %dma_wait3A_337 = tpu.memref_slice %arg15[%dma_wait3A_335, %dma_wait3A_336] : memref<25088x16xf32, #tpu.memory_space<vmem_shared>> -> memref<25088x16xf32, #tpu.memory_space<vmem_shared>>
        tpu.wait_indirect_dma semaphore(%run_scoped3A_319 : memref<!tpu.dma_semaphore, #tpu.memory_space<semaphore_mem>>) src(%dma_wait3A_331 : memref<128x16xf32, #tpu.memory_space<vmem>>) dst(%dma_wait3A_337 : memref<25088x16xf32, #tpu.memory_space<vmem_shared>>)
        tpu.yield
      }) : () -> ()
      %run_scoped3A_311 = arith.constant 1 : i32
      "tpu.region"() ({
        %run_scoped3A_319 = tpu.sem_alloc : memref<!tpu.dma_semaphore, #tpu.memory_space<semaphore_mem>>
        %dma_start3A_320 = arith.constant 128 : i32
        %dma_start3A_321 = arith.constant 0 : i32
        %dma_start3A_322 = tpu.memref_slice %arg11[%dma_start3A_320, %dma_start3A_321] : memref<1024x16xf32, #tpu.memory_space<vmem>> -> memref<128x16xf32, #tpu.memory_space<vmem>>
        %dma_start3A_323 = arith.constant 0 : i32
        %dma_start3A_324 = tpu.memref_slice %arg10[%run_scoped3A_311, %dma_start3A_323] : memref<8x128xi32, #tpu.memory_space<vmem>> -> memref<1x128xi32, #tpu.memory_space<vmem>>
        %dma_start3A_325 = tpu.memref_squeeze %dma_start3A_324 : memref<1x128xi32, #tpu.memory_space<vmem>> -> memref<128xi32, #tpu.memory_space<vmem>>
        %dma_start3A_326 = arith.constant 0 : i32
        %dma_start3A_327 = arith.constant 0 : i32
        %dma_start3A_328 = tpu.memref_slice %arg15[%dma_start3A_326, %dma_start3A_327] : memref<25088x16xf32, #tpu.memory_space<vmem_shared>> -> memref<25088x16xf32, #tpu.memory_space<vmem_shared>>
        tpu.enqueue_indirect_dma source(%dma_start3A_322 : memref<128x16xf32, #tpu.memory_space<vmem>>) target(%dma_start3A_328 : memref<25088x16xf32, #tpu.memory_space<vmem_shared>>) offsets(%dma_start3A_325 : memref<128xi32, #tpu.memory_space<vmem>>) semaphore(%run_scoped3A_319 : memref<!tpu.dma_semaphore, #tpu.memory_space<semaphore_mem>>) {add = true}
        %dma_wait3A_329 = arith.constant 128 : i32
        %dma_wait3A_330 = arith.constant 0 : i32
        %dma_wait3A_331 = tpu.memref_slice %arg11[%dma_wait3A_329, %dma_wait3A_330] : memref<1024x16xf32, #tpu.memory_space<vmem>> -> memref<128x16xf32, #tpu.memory_space<vmem>>
        %dma_wait3A_332 = arith.constant 0 : i32
        %dma_wait3A_333 = tpu.memref_slice %arg10[%run_scoped3A_311, %dma_wait3A_332] : memref<8x128xi32, #tpu.memory_space<vmem>> -> memref<1x128xi32, #tpu.memory_space<vmem>>
        %dma_wait3A_334 = tpu.memref_squeeze %dma_wait3A_333 : memref<1x128xi32, #tpu.memory_space<vmem>> -> memref<128xi32, #tpu.memory_space<vmem>>
        %dma_wait3A_335 = arith.constant 0 : i32
        %dma_wait3A_336 = arith.constant 0 : i32
        %dma_wait3A_337 = tpu.memref_slice %arg15[%dma_wait3A_335, %dma_wait3A_336] : memref<25088x16xf32, #tpu.memory_space<vmem_shared>> -> memref<25088x16xf32, #tpu.memory_space<vmem_shared>>
        tpu.wait_indirect_dma semaphore(%run_scoped3A_319 : memref<!tpu.dma_semaphore, #tpu.memory_space<semaphore_mem>>) src(%dma_wait3A_331 : memref<128x16xf32, #tpu.memory_space<vmem>>) dst(%dma_wait3A_337 : memref<25088x16xf32, #tpu.memory_space<vmem_shared>>)
        tpu.yield
      }) : () -> ()
      %run_scoped3A_312 = arith.constant 2 : i32
      "tpu.region"() ({
        %run_scoped3A_319 = tpu.sem_alloc : memref<!tpu.dma_semaphore, #tpu.memory_space<semaphore_mem>>
        %dma_start3A_320 = arith.constant 256 : i32
        %dma_start3A_321 = arith.constant 0 : i32
        %dma_start3A_322 = tpu.memref_slice %arg11[%dma_start3A_320, %dma_start3A_321] : memref<1024x16xf32, #tpu.memory_space<vmem>> -> memref<128x16xf32, #tpu.memory_space<vmem>>
        %dma_start3A_323 = arith.constant 0 : i32
        %dma_start3A_324 = tpu.memref_slice %arg10[%run_scoped3A_312, %dma_start3A_323] : memref<8x128xi32, #tpu.memory_space<vmem>> -> memref<1x128xi32, #tpu.memory_space<vmem>>
        %dma_start3A_325 = tpu.memref_squeeze %dma_start3A_324 : memref<1x128xi32, #tpu.memory_space<vmem>> -> memref<128xi32, #tpu.memory_space<vmem>>
        %dma_start3A_326 = arith.constant 0 : i32
        %dma_start3A_327 = arith.constant 0 : i32
        %dma_start3A_328 = tpu.memref_slice %arg15[%dma_start3A_326, %dma_start3A_327] : memref<25088x16xf32, #tpu.memory_space<vmem_shared>> -> memref<25088x16xf32, #tpu.memory_space<vmem_shared>>
        tpu.enqueue_indirect_dma source(%dma_start3A_322 : memref<128x16xf32, #tpu.memory_space<vmem>>) target(%dma_start3A_328 : memref<25088x16xf32, #tpu.memory_space<vmem_shared>>) offsets(%dma_start3A_325 : memref<128xi32, #tpu.memory_space<vmem>>) semaphore(%run_scoped3A_319 : memref<!tpu.dma_semaphore, #tpu.memory_space<semaphore_mem>>) {add = true}
        %dma_wait3A_329 = arith.constant 256 : i32
        %dma_wait3A_330 = arith.constant 0 : i32
        %dma_wait3A_331 = tpu.memref_slice %arg11[%dma_wait3A_329, %dma_wait3A_330] : memref<1024x16xf32, #tpu.memory_space<vmem>> -> memref<128x16xf32, #tpu.memory_space<vmem>>
        %dma_wait3A_332 = arith.constant 0 : i32
        %dma_wait3A_333 = tpu.memref_slice %arg10[%run_scoped3A_312, %dma_wait3A_332] : memref<8x128xi32, #tpu.memory_space<vmem>> -> memref<1x128xi32, #tpu.memory_space<vmem>>
        %dma_wait3A_334 = tpu.memref_squeeze %dma_wait3A_333 : memref<1x128xi32, #tpu.memory_space<vmem>> -> memref<128xi32, #tpu.memory_space<vmem>>
        %dma_wait3A_335 = arith.constant 0 : i32
        %dma_wait3A_336 = arith.constant 0 : i32
        %dma_wait3A_337 = tpu.memref_slice %arg15[%dma_wait3A_335, %dma_wait3A_336] : memref<25088x16xf32, #tpu.memory_space<vmem_shared>> -> memref<25088x16xf32, #tpu.memory_space<vmem_shared>>
        tpu.wait_indirect_dma semaphore(%run_scoped3A_319 : memref<!tpu.dma_semaphore, #tpu.memory_space<semaphore_mem>>) src(%dma_wait3A_331 : memref<128x16xf32, #tpu.memory_space<vmem>>) dst(%dma_wait3A_337 : memref<25088x16xf32, #tpu.memory_space<vmem_shared>>)
        tpu.yield
      }) : () -> ()
      %run_scoped3A_313 = arith.constant 3 : i32
      "tpu.region"() ({
        %run_scoped3A_319 = tpu.sem_alloc : memref<!tpu.dma_semaphore, #tpu.memory_space<semaphore_mem>>
        %dma_start3A_320 = arith.constant 384 : i32
        %dma_start3A_321 = arith.constant 0 : i32
        %dma_start3A_322 = tpu.memref_slice %arg11[%dma_start3A_320, %dma_start3A_321] : memref<1024x16xf32, #tpu.memory_space<vmem>> -> memref<128x16xf32, #tpu.memory_space<vmem>>
        %dma_start3A_323 = arith.constant 0 : i32
        %dma_start3A_324 = tpu.memref_slice %arg10[%run_scoped3A_313, %dma_start3A_323] : memref<8x128xi32, #tpu.memory_space<vmem>> -> memref<1x128xi32, #tpu.memory_space<vmem>>
        %dma_start3A_325 = tpu.memref_squeeze %dma_start3A_324 : memref<1x128xi32, #tpu.memory_space<vmem>> -> memref<128xi32, #tpu.memory_space<vmem>>
        %dma_start3A_326 = arith.constant 0 : i32
        %dma_start3A_327 = arith.constant 0 : i32
        %dma_start3A_328 = tpu.memref_slice %arg15[%dma_start3A_326, %dma_start3A_327] : memref<25088x16xf32, #tpu.memory_space<vmem_shared>> -> memref<25088x16xf32, #tpu.memory_space<vmem_shared>>
        tpu.enqueue_indirect_dma source(%dma_start3A_322 : memref<128x16xf32, #tpu.memory_space<vmem>>) target(%dma_start3A_328 : memref<25088x16xf32, #tpu.memory_space<vmem_shared>>) offsets(%dma_start3A_325 : memref<128xi32, #tpu.memory_space<vmem>>) semaphore(%run_scoped3A_319 : memref<!tpu.dma_semaphore, #tpu.memory_space<semaphore_mem>>) {add = true}
        %dma_wait3A_329 = arith.constant 384 : i32
        %dma_wait3A_330 = arith.constant 0 : i32
        %dma_wait3A_331 = tpu.memref_slice %arg11[%dma_wait3A_329, %dma_wait3A_330] : memref<1024x16xf32, #tpu.memory_space<vmem>> -> memref<128x16xf32, #tpu.memory_space<vmem>>
        %dma_wait3A_332 = arith.constant 0 : i32
        %dma_wait3A_333 = tpu.memref_slice %arg10[%run_scoped3A_313, %dma_wait3A_332] : memref<8x128xi32, #tpu.memory_space<vmem>> -> memref<1x128xi32, #tpu.memory_space<vmem>>
        %dma_wait3A_334 = tpu.memref_squeeze %dma_wait3A_333 : memref<1x128xi32, #tpu.memory_space<vmem>> -> memref<128xi32, #tpu.memory_space<vmem>>
        %dma_wait3A_335 = arith.constant 0 : i32
        %dma_wait3A_336 = arith.constant 0 : i32
        %dma_wait3A_337 = tpu.memref_slice %arg15[%dma_wait3A_335, %dma_wait3A_336] : memref<25088x16xf32, #tpu.memory_space<vmem_shared>> -> memref<25088x16xf32, #tpu.memory_space<vmem_shared>>
        tpu.wait_indirect_dma semaphore(%run_scoped3A_319 : memref<!tpu.dma_semaphore, #tpu.memory_space<semaphore_mem>>) src(%dma_wait3A_331 : memref<128x16xf32, #tpu.memory_space<vmem>>) dst(%dma_wait3A_337 : memref<25088x16xf32, #tpu.memory_space<vmem_shared>>)
        tpu.yield
      }) : () -> ()
      %run_scoped3A_314 = arith.constant 4 : i32
      "tpu.region"() ({
        %run_scoped3A_319 = tpu.sem_alloc : memref<!tpu.dma_semaphore, #tpu.memory_space<semaphore_mem>>
        %dma_start3A_320 = arith.constant 512 : i32
        %dma_start3A_321 = arith.constant 0 : i32
        %dma_start3A_322 = tpu.memref_slice %arg11[%dma_start3A_320, %dma_start3A_321] : memref<1024x16xf32, #tpu.memory_space<vmem>> -> memref<128x16xf32, #tpu.memory_space<vmem>>
        %dma_start3A_323 = arith.constant 0 : i32
        %dma_start3A_324 = tpu.memref_slice %arg10[%run_scoped3A_314, %dma_start3A_323] : memref<8x128xi32, #tpu.memory_space<vmem>> -> memref<1x128xi32, #tpu.memory_space<vmem>>
        %dma_start3A_325 = tpu.memref_squeeze %dma_start3A_324 : memref<1x128xi32, #tpu.memory_space<vmem>> -> memref<128xi32, #tpu.memory_space<vmem>>
        %dma_start3A_326 = arith.constant 0 : i32
        %dma_start3A_327 = arith.constant 0 : i32
        %dma_start3A_328 = tpu.memref_slice %arg15[%dma_start3A_326, %dma_start3A_327] : memref<25088x16xf32, #tpu.memory_space<vmem_shared>> -> memref<25088x16xf32, #tpu.memory_space<vmem_shared>>
        tpu.enqueue_indirect_dma source(%dma_start3A_322 : memref<128x16xf32, #tpu.memory_space<vmem>>) target(%dma_start3A_328 : memref<25088x16xf32, #tpu.memory_space<vmem_shared>>) offsets(%dma_start3A_325 : memref<128xi32, #tpu.memory_space<vmem>>) semaphore(%run_scoped3A_319 : memref<!tpu.dma_semaphore, #tpu.memory_space<semaphore_mem>>) {add = true}
        %dma_wait3A_329 = arith.constant 512 : i32
        %dma_wait3A_330 = arith.constant 0 : i32
        %dma_wait3A_331 = tpu.memref_slice %arg11[%dma_wait3A_329, %dma_wait3A_330] : memref<1024x16xf32, #tpu.memory_space<vmem>> -> memref<128x16xf32, #tpu.memory_space<vmem>>
        %dma_wait3A_332 = arith.constant 0 : i32
        %dma_wait3A_333 = tpu.memref_slice %arg10[%run_scoped3A_314, %dma_wait3A_332] : memref<8x128xi32, #tpu.memory_space<vmem>> -> memref<1x128xi32, #tpu.memory_space<vmem>>
        %dma_wait3A_334 = tpu.memref_squeeze %dma_wait3A_333 : memref<1x128xi32, #tpu.memory_space<vmem>> -> memref<128xi32, #tpu.memory_space<vmem>>
        %dma_wait3A_335 = arith.constant 0 : i32
        %dma_wait3A_336 = arith.constant 0 : i32
        %dma_wait3A_337 = tpu.memref_slice %arg15[%dma_wait3A_335, %dma_wait3A_336] : memref<25088x16xf32, #tpu.memory_space<vmem_shared>> -> memref<25088x16xf32, #tpu.memory_space<vmem_shared>>
        tpu.wait_indirect_dma semaphore(%run_scoped3A_319 : memref<!tpu.dma_semaphore, #tpu.memory_space<semaphore_mem>>) src(%dma_wait3A_331 : memref<128x16xf32, #tpu.memory_space<vmem>>) dst(%dma_wait3A_337 : memref<25088x16xf32, #tpu.memory_space<vmem_shared>>)
        tpu.yield
      }) : () -> ()
      %run_scoped3A_315 = arith.constant 5 : i32
      "tpu.region"() ({
        %run_scoped3A_319 = tpu.sem_alloc : memref<!tpu.dma_semaphore, #tpu.memory_space<semaphore_mem>>
        %dma_start3A_320 = arith.constant 640 : i32
        %dma_start3A_321 = arith.constant 0 : i32
        %dma_start3A_322 = tpu.memref_slice %arg11[%dma_start3A_320, %dma_start3A_321] : memref<1024x16xf32, #tpu.memory_space<vmem>> -> memref<128x16xf32, #tpu.memory_space<vmem>>
        %dma_start3A_323 = arith.constant 0 : i32
        %dma_start3A_324 = tpu.memref_slice %arg10[%run_scoped3A_315, %dma_start3A_323] : memref<8x128xi32, #tpu.memory_space<vmem>> -> memref<1x128xi32, #tpu.memory_space<vmem>>
        %dma_start3A_325 = tpu.memref_squeeze %dma_start3A_324 : memref<1x128xi32, #tpu.memory_space<vmem>> -> memref<128xi32, #tpu.memory_space<vmem>>
        %dma_start3A_326 = arith.constant 0 : i32
        %dma_start3A_327 = arith.constant 0 : i32
        %dma_start3A_328 = tpu.memref_slice %arg15[%dma_start3A_326, %dma_start3A_327] : memref<25088x16xf32, #tpu.memory_space<vmem_shared>> -> memref<25088x16xf32, #tpu.memory_space<vmem_shared>>
        tpu.enqueue_indirect_dma source(%dma_start3A_322 : memref<128x16xf32, #tpu.memory_space<vmem>>) target(%dma_start3A_328 : memref<25088x16xf32, #tpu.memory_space<vmem_shared>>) offsets(%dma_start3A_325 : memref<128xi32, #tpu.memory_space<vmem>>) semaphore(%run_scoped3A_319 : memref<!tpu.dma_semaphore, #tpu.memory_space<semaphore_mem>>) {add = true}
        %dma_wait3A_329 = arith.constant 640 : i32
        %dma_wait3A_330 = arith.constant 0 : i32
        %dma_wait3A_331 = tpu.memref_slice %arg11[%dma_wait3A_329, %dma_wait3A_330] : memref<1024x16xf32, #tpu.memory_space<vmem>> -> memref<128x16xf32, #tpu.memory_space<vmem>>
        %dma_wait3A_332 = arith.constant 0 : i32
        %dma_wait3A_333 = tpu.memref_slice %arg10[%run_scoped3A_315, %dma_wait3A_332] : memref<8x128xi32, #tpu.memory_space<vmem>> -> memref<1x128xi32, #tpu.memory_space<vmem>>
        %dma_wait3A_334 = tpu.memref_squeeze %dma_wait3A_333 : memref<1x128xi32, #tpu.memory_space<vmem>> -> memref<128xi32, #tpu.memory_space<vmem>>
        %dma_wait3A_335 = arith.constant 0 : i32
        %dma_wait3A_336 = arith.constant 0 : i32
        %dma_wait3A_337 = tpu.memref_slice %arg15[%dma_wait3A_335, %dma_wait3A_336] : memref<25088x16xf32, #tpu.memory_space<vmem_shared>> -> memref<25088x16xf32, #tpu.memory_space<vmem_shared>>
        tpu.wait_indirect_dma semaphore(%run_scoped3A_319 : memref<!tpu.dma_semaphore, #tpu.memory_space<semaphore_mem>>) src(%dma_wait3A_331 : memref<128x16xf32, #tpu.memory_space<vmem>>) dst(%dma_wait3A_337 : memref<25088x16xf32, #tpu.memory_space<vmem_shared>>)
        tpu.yield
      }) : () -> ()
      %run_scoped3A_316 = arith.constant 6 : i32
      "tpu.region"() ({
        %run_scoped3A_319 = tpu.sem_alloc : memref<!tpu.dma_semaphore, #tpu.memory_space<semaphore_mem>>
        %dma_start3A_320 = arith.constant 768 : i32
        %dma_start3A_321 = arith.constant 0 : i32
        %dma_start3A_322 = tpu.memref_slice %arg11[%dma_start3A_320, %dma_start3A_321] : memref<1024x16xf32, #tpu.memory_space<vmem>> -> memref<128x16xf32, #tpu.memory_space<vmem>>
        %dma_start3A_323 = arith.constant 0 : i32
        %dma_start3A_324 = tpu.memref_slice %arg10[%run_scoped3A_316, %dma_start3A_323] : memref<8x128xi32, #tpu.memory_space<vmem>> -> memref<1x128xi32, #tpu.memory_space<vmem>>
        %dma_start3A_325 = tpu.memref_squeeze %dma_start3A_324 : memref<1x128xi32, #tpu.memory_space<vmem>> -> memref<128xi32, #tpu.memory_space<vmem>>
        %dma_start3A_326 = arith.constant 0 : i32
        %dma_start3A_327 = arith.constant 0 : i32
        %dma_start3A_328 = tpu.memref_slice %arg15[%dma_start3A_326, %dma_start3A_327] : memref<25088x16xf32, #tpu.memory_space<vmem_shared>> -> memref<25088x16xf32, #tpu.memory_space<vmem_shared>>
        tpu.enqueue_indirect_dma source(%dma_start3A_322 : memref<128x16xf32, #tpu.memory_space<vmem>>) target(%dma_start3A_328 : memref<25088x16xf32, #tpu.memory_space<vmem_shared>>) offsets(%dma_start3A_325 : memref<128xi32, #tpu.memory_space<vmem>>) semaphore(%run_scoped3A_319 : memref<!tpu.dma_semaphore, #tpu.memory_space<semaphore_mem>>) {add = true}
        %dma_wait3A_329 = arith.constant 768 : i32
        %dma_wait3A_330 = arith.constant 0 : i32
        %dma_wait3A_331 = tpu.memref_slice %arg11[%dma_wait3A_329, %dma_wait3A_330] : memref<1024x16xf32, #tpu.memory_space<vmem>> -> memref<128x16xf32, #tpu.memory_space<vmem>>
        %dma_wait3A_332 = arith.constant 0 : i32
        %dma_wait3A_333 = tpu.memref_slice %arg10[%run_scoped3A_316, %dma_wait3A_332] : memref<8x128xi32, #tpu.memory_space<vmem>> -> memref<1x128xi32, #tpu.memory_space<vmem>>
        %dma_wait3A_334 = tpu.memref_squeeze %dma_wait3A_333 : memref<1x128xi32, #tpu.memory_space<vmem>> -> memref<128xi32, #tpu.memory_space<vmem>>
        %dma_wait3A_335 = arith.constant 0 : i32
        %dma_wait3A_336 = arith.constant 0 : i32
        %dma_wait3A_337 = tpu.memref_slice %arg15[%dma_wait3A_335, %dma_wait3A_336] : memref<25088x16xf32, #tpu.memory_space<vmem_shared>> -> memref<25088x16xf32, #tpu.memory_space<vmem_shared>>
        tpu.wait_indirect_dma semaphore(%run_scoped3A_319 : memref<!tpu.dma_semaphore, #tpu.memory_space<semaphore_mem>>) src(%dma_wait3A_331 : memref<128x16xf32, #tpu.memory_space<vmem>>) dst(%dma_wait3A_337 : memref<25088x16xf32, #tpu.memory_space<vmem_shared>>)
        tpu.yield
      }) : () -> ()
      %run_scoped3A_317 = arith.constant 7 : i32
      "tpu.region"() ({
        %run_scoped3A_319 = tpu.sem_alloc : memref<!tpu.dma_semaphore, #tpu.memory_space<semaphore_mem>>
        %dma_start3A_320 = arith.constant 896 : i32
        %dma_start3A_321 = arith.constant 0 : i32
        %dma_start3A_322 = tpu.memref_slice %arg11[%dma_start3A_320, %dma_start3A_321] : memref<1024x16xf32, #tpu.memory_space<vmem>> -> memref<128x16xf32, #tpu.memory_space<vmem>>
        %dma_start3A_323 = arith.constant 0 : i32
        %dma_start3A_324 = tpu.memref_slice %arg10[%run_scoped3A_317, %dma_start3A_323] : memref<8x128xi32, #tpu.memory_space<vmem>> -> memref<1x128xi32, #tpu.memory_space<vmem>>
        %dma_start3A_325 = tpu.memref_squeeze %dma_start3A_324 : memref<1x128xi32, #tpu.memory_space<vmem>> -> memref<128xi32, #tpu.memory_space<vmem>>
        %dma_start3A_326 = arith.constant 0 : i32
        %dma_start3A_327 = arith.constant 0 : i32
        %dma_start3A_328 = tpu.memref_slice %arg15[%dma_start3A_326, %dma_start3A_327] : memref<25088x16xf32, #tpu.memory_space<vmem_shared>> -> memref<25088x16xf32, #tpu.memory_space<vmem_shared>>
        tpu.enqueue_indirect_dma source(%dma_start3A_322 : memref<128x16xf32, #tpu.memory_space<vmem>>) target(%dma_start3A_328 : memref<25088x16xf32, #tpu.memory_space<vmem_shared>>) offsets(%dma_start3A_325 : memref<128xi32, #tpu.memory_space<vmem>>) semaphore(%run_scoped3A_319 : memref<!tpu.dma_semaphore, #tpu.memory_space<semaphore_mem>>) {add = true}
        %dma_wait3A_329 = arith.constant 896 : i32
        %dma_wait3A_330 = arith.constant 0 : i32
        %dma_wait3A_331 = tpu.memref_slice %arg11[%dma_wait3A_329, %dma_wait3A_330] : memref<1024x16xf32, #tpu.memory_space<vmem>> -> memref<128x16xf32, #tpu.memory_space<vmem>>
        %dma_wait3A_332 = arith.constant 0 : i32
        %dma_wait3A_333 = tpu.memref_slice %arg10[%run_scoped3A_317, %dma_wait3A_332] : memref<8x128xi32, #tpu.memory_space<vmem>> -> memref<1x128xi32, #tpu.memory_space<vmem>>
        %dma_wait3A_334 = tpu.memref_squeeze %dma_wait3A_333 : memref<1x128xi32, #tpu.memory_space<vmem>> -> memref<128xi32, #tpu.memory_space<vmem>>
        %dma_wait3A_335 = arith.constant 0 : i32
        %dma_wait3A_336 = arith.constant 0 : i32
        %dma_wait3A_337 = tpu.memref_slice %arg15[%dma_wait3A_335, %dma_wait3A_336] : memref<25088x16xf32, #tpu.memory_space<vmem_shared>> -> memref<25088x16xf32, #tpu.memory_space<vmem_shared>>
        tpu.wait_indirect_dma semaphore(%run_scoped3A_319 : memref<!tpu.dma_semaphore, #tpu.memory_space<semaphore_mem>>) src(%dma_wait3A_331 : memref<128x16xf32, #tpu.memory_space<vmem>>) dst(%dma_wait3A_337 : memref<25088x16xf32, #tpu.memory_space<vmem_shared>>)
        tpu.yield
      }) : () -> ()
      %scan3A_318 = arith.constant 0 : i32
      scf.yield %scan3A_318 : i32
    }
    %scan3A_20 = arith.constant 49 : i32
    %barrier3A_21 = arith.constant 0 : index
    tpu.barrier barrier_id(%barrier3A_21)
    %mul3A_22 = arith.constant 25088 : i32
    %mul3A_23 = arith.muli %arg0, %mul3A_22 : i32
    %add3A_24 = arith.addi %mul3A_23, %mul3A_2 : i32
    "tpu.region"() ({
      %run_scoped3A = tpu.sem_alloc : memref<!tpu.dma_semaphore, #tpu.memory_space<semaphore_mem>>
      %dma_start3A = arith.constant 0 : i32
      %dma_start3A_25 = tpu.memref_slice %arg7[%add3A_24, %dma_start3A] : memref<50176x16xf32, #tpu.memory_space<hbm>> -> memref<1568x16xf32, #tpu.memory_space<hbm>>
      %dma_start3A_26 = arith.constant 0 : i32
      %dma_start3A_27 = tpu.memref_slice %arg15[%mul3A_2, %dma_start3A_26] : memref<25088x16xf32, #tpu.memory_space<vmem_shared>> -> memref<1568x16xf32, #tpu.memory_space<vmem_shared>>
      tpu.enqueue_dma source(%dma_start3A_27 : memref<1568x16xf32, #tpu.memory_space<vmem_shared>>) target(%dma_start3A_25 : memref<1568x16xf32, #tpu.memory_space<hbm>>) target_semaphore(%run_scoped3A : memref<!tpu.dma_semaphore, #tpu.memory_space<semaphore_mem>>)
      %dma_wait3A = arith.constant 0 : i32
      %dma_wait3A_28 = tpu.memref_slice %arg7[%add3A_24, %dma_wait3A] : memref<50176x16xf32, #tpu.memory_space<hbm>> -> memref<1568x16xf32, #tpu.memory_space<hbm>>
      %dma_wait3A_29 = arith.constant 0 : i32
      %dma_wait3A_30 = tpu.memref_slice %arg15[%mul3A_2, %dma_wait3A_29] : memref<25088x16xf32, #tpu.memory_space<vmem_shared>> -> memref<1568x16xf32, #tpu.memory_space<vmem_shared>>
      tpu.wait_dma2 semaphore(%run_scoped3A : memref<!tpu.dma_semaphore, #tpu.memory_space<semaphore_mem>>) src(%dma_wait3A_30 : memref<1568x16xf32, #tpu.memory_space<vmem_shared>>) dst(%dma_wait3A_28 : memref<1568x16xf32, #tpu.memory_space<hbm>>)
      tpu.yield
    }) : () -> ()
    return
  }
}

#map = affine_map<(d0, d1) -> (0, 0)>
#map1 = affine_map<(d0, d1) -> (0)>
module attributes {stable_mosaic.version = 14 : i64} {
  func.func @sc_pass(%arg0: i32, %arg1: i32, %arg2: memref<50000x48xf32, #tpu.memory_space<hbm>>, %arg3: memref<50000x16xf32, #tpu.memory_space<hbm>>, %arg4: memref<50088x48xf32, #tpu.memory_space<hbm>>, %arg5: memref<802816xi32, #tpu.memory_space<hbm>>, %arg6: memref<802816xi32, #tpu.memory_space<hbm>>, %arg7: memref<50176x48xf32, #tpu.memory_space<hbm>>, %arg8: memref<512xi32, #tpu.memory_space<vmem>>, %arg9: memref<512xi32, #tpu.memory_space<vmem>>, %arg10: memref<4x128xi32, #tpu.memory_space<vmem>>, %arg11: memref<512x48xf32, #tpu.memory_space<vmem>>, %arg12: memref<512x16xf32, #tpu.memory_space<vmem>>, %arg13: memref<!tpu.dma_semaphore, #tpu.memory_space<semaphore_mem>>, %arg14: memref<!tpu.dma_semaphore, #tpu.memory_space<semaphore_mem>>, %arg15: memref<25088x48xf32, #tpu.memory_space<vmem_shared>>) attributes {dimension_semantics = [#tpu.dimension_semantics<core_parallel>, #tpu.dimension_semantics<subcore_parallel>], iteration_bounds = array<i64: 2, 16>, scalar_prefetch = 0 : i64, scratch_operands = 8 : i64, tpu.core_type = #tpu.core_type<sc_vector_subcore>, window_params = [{transform_indices = #map}, {transform_indices = #map}, {transform_indices = #map}, {transform_indices = #map1}, {transform_indices = #map1}, {transform_indices = #map}]} {
    %mul3A = arith.constant 25000 : i32
    %mul3A_0 = arith.muli %arg0, %mul3A : i32
    %mul3A_1 = arith.constant 1568 : i32
    %mul3A_2 = arith.muli %arg1, %mul3A_1 : i32
    %add3A = arith.addi %mul3A_0, %mul3A_2 : i32
    "tpu.region"() ({
      %run_scoped3A = tpu.sem_alloc : memref<!tpu.dma_semaphore, #tpu.memory_space<semaphore_mem>>
      %dma_start3A = arith.constant 0 : i32
      %dma_start3A_25 = tpu.memref_slice %arg15[%mul3A_2, %dma_start3A] : memref<25088x48xf32, #tpu.memory_space<vmem_shared>> -> memref<1568x48xf32, #tpu.memory_space<vmem_shared>>
      %dma_start3A_26 = arith.constant 0 : i32
      %dma_start3A_27 = tpu.memref_slice %arg4[%add3A, %dma_start3A_26] : memref<50088x48xf32, #tpu.memory_space<hbm>> -> memref<1568x48xf32, #tpu.memory_space<hbm>>
      tpu.enqueue_dma source(%dma_start3A_27 : memref<1568x48xf32, #tpu.memory_space<hbm>>) target(%dma_start3A_25 : memref<1568x48xf32, #tpu.memory_space<vmem_shared>>) target_semaphore(%run_scoped3A : memref<!tpu.dma_semaphore, #tpu.memory_space<semaphore_mem>>)
      %dma_wait3A = arith.constant 0 : i32
      %dma_wait3A_28 = tpu.memref_slice %arg15[%mul3A_2, %dma_wait3A] : memref<25088x48xf32, #tpu.memory_space<vmem_shared>> -> memref<1568x48xf32, #tpu.memory_space<vmem_shared>>
      %dma_wait3A_29 = arith.constant 0 : i32
      %dma_wait3A_30 = tpu.memref_slice %arg4[%add3A, %dma_wait3A_29] : memref<50088x48xf32, #tpu.memory_space<hbm>> -> memref<1568x48xf32, #tpu.memory_space<hbm>>
      tpu.wait_dma2 semaphore(%run_scoped3A : memref<!tpu.dma_semaphore, #tpu.memory_space<semaphore_mem>>) src(%dma_wait3A_30 : memref<1568x48xf32, #tpu.memory_space<hbm>>) dst(%dma_wait3A_28 : memref<1568x48xf32, #tpu.memory_space<vmem_shared>>)
      tpu.yield
    }) : () -> ()
    %barrier3A = arith.constant 0 : index
    tpu.barrier barrier_id(%barrier3A)
    %iota3A = tpu.iota {dimensions = array<i32: 0>} : vector<16xi32>
    %broadcast_in_dim3A = arith.constant 1.000000e+00 : f32
    %broadcast_in_dim3A_3 = vector.broadcast %broadcast_in_dim3A : f32 to vector<16xf32>
    %broadcast_in_dim3A_4 = arith.constant 0.000000e+00 : f32
    %broadcast_in_dim3A_5 = vector.broadcast %broadcast_in_dim3A_4 : f32 to vector<16xf32>
    %lt3A = arith.constant 4 : i32
    %lt3A_6 = vector.broadcast %lt3A : i32 to vector<16xi32>
    %lt3A_7 = arith.cmpi slt, %iota3A, %lt3A_6 : vector<16xi32>
    %select_n3A = arith.select %lt3A_7, %broadcast_in_dim3A_3, %broadcast_in_dim3A_5 : vector<16xi1>, vector<16xf32>
    %lt3A_8 = arith.constant 7 : i32
    %lt3A_9 = vector.broadcast %lt3A_8 : i32 to vector<16xi32>
    %lt3A_10 = arith.cmpi slt, %iota3A, %lt3A_9 : vector<16xi32>
    %select_n3A_11 = arith.select %lt3A_10, %broadcast_in_dim3A_3, %broadcast_in_dim3A_5 : vector<16xi1>, vector<16xf32>
    %eq3A = arith.constant 7 : i32
    %eq3A_12 = vector.broadcast %eq3A : i32 to vector<16xi32>
    %eq3A_13 = arith.cmpi eq, %iota3A, %eq3A_12 : vector<16xi32>
    %select_n3A_14 = arith.select %eq3A_13, %broadcast_in_dim3A_3, %broadcast_in_dim3A_5 : vector<16xi1>, vector<16xf32>
    %scan3A = arith.constant 0 : i32
    %scan3A_15 = arith.constant 0 : i32
    %scan3A_16 = arith.constant 98 : i32
    %scan3A_17 = arith.addi %scan3A_15, %scan3A_16 : i32
    %scan3A_18 = arith.constant 1 : i32
    %scan3A_19 = scf.for %scan3A_25 = %scan3A_15 to %scan3A_17 step %scan3A_18 iter_args(%scan3A_26 = %scan3A) -> (i32)  : i32 {
      %mul3A_27 = arith.constant 16 : i32
      %mul3A_28 = arith.muli %scan3A_25, %mul3A_27 : i32
      %add3A_29 = arith.addi %mul3A_28, %arg1 : i32
      %mul3A_30 = arith.constant 512 : i32
      %mul3A_31 = arith.muli %add3A_29, %mul3A_30 : i32
      "tpu.region"() ({
        %run_scoped3A_232 = tpu.sem_alloc : memref<!tpu.dma_semaphore, #tpu.memory_space<semaphore_mem>>
        %dma_start3A_233 = tpu.memref_slice %arg5[%mul3A_31] : memref<802816xi32, #tpu.memory_space<hbm>> -> memref<512xi32, #tpu.memory_space<hbm>>
        %dma_start3A_234 = tpu.memref_slice %arg5[%mul3A_31] : memref<802816xi32, #tpu.memory_space<hbm>> -> memref<512xi32, #tpu.memory_space<hbm>>
        tpu.enqueue_dma source(%dma_start3A_234 : memref<512xi32, #tpu.memory_space<hbm>>) target(%arg8 : memref<512xi32, #tpu.memory_space<vmem>>) target_semaphore(%run_scoped3A_232 : memref<!tpu.dma_semaphore, #tpu.memory_space<semaphore_mem>>)
        %dma_wait3A_235 = tpu.memref_slice %arg5[%mul3A_31] : memref<802816xi32, #tpu.memory_space<hbm>> -> memref<512xi32, #tpu.memory_space<hbm>>
        %dma_wait3A_236 = tpu.memref_slice %arg5[%mul3A_31] : memref<802816xi32, #tpu.memory_space<hbm>> -> memref<512xi32, #tpu.memory_space<hbm>>
        tpu.wait_dma2 semaphore(%run_scoped3A_232 : memref<!tpu.dma_semaphore, #tpu.memory_space<semaphore_mem>>) src(%dma_wait3A_236 : memref<512xi32, #tpu.memory_space<hbm>>) dst(%arg8 : memref<512xi32, #tpu.memory_space<vmem>>)
        tpu.yield
      }) : () -> ()
      "tpu.region"() ({
        %run_scoped3A_232 = tpu.sem_alloc : memref<!tpu.dma_semaphore, #tpu.memory_space<semaphore_mem>>
        %dma_start3A_233 = tpu.memref_slice %arg6[%mul3A_31] : memref<802816xi32, #tpu.memory_space<hbm>> -> memref<512xi32, #tpu.memory_space<hbm>>
        %dma_start3A_234 = tpu.memref_slice %arg6[%mul3A_31] : memref<802816xi32, #tpu.memory_space<hbm>> -> memref<512xi32, #tpu.memory_space<hbm>>
        tpu.enqueue_dma source(%dma_start3A_234 : memref<512xi32, #tpu.memory_space<hbm>>) target(%arg9 : memref<512xi32, #tpu.memory_space<vmem>>) target_semaphore(%run_scoped3A_232 : memref<!tpu.dma_semaphore, #tpu.memory_space<semaphore_mem>>)
        %dma_wait3A_235 = tpu.memref_slice %arg6[%mul3A_31] : memref<802816xi32, #tpu.memory_space<hbm>> -> memref<512xi32, #tpu.memory_space<hbm>>
        %dma_wait3A_236 = tpu.memref_slice %arg6[%mul3A_31] : memref<802816xi32, #tpu.memory_space<hbm>> -> memref<512xi32, #tpu.memory_space<hbm>>
        tpu.wait_dma2 semaphore(%run_scoped3A_232 : memref<!tpu.dma_semaphore, #tpu.memory_space<semaphore_mem>>) src(%dma_wait3A_236 : memref<512xi32, #tpu.memory_space<hbm>>) dst(%arg9 : memref<512xi32, #tpu.memory_space<vmem>>)
        tpu.yield
      }) : () -> ()
      %dma_start3A = arith.constant 0 : i32
      %dma_start3A_32 = arith.constant 0 : i32
      %dma_start3A_33 = tpu.memref_slice %arg11[%dma_start3A, %dma_start3A_32] : memref<512x48xf32, #tpu.memory_space<vmem>> -> memref<128x48xf32, #tpu.memory_space<vmem>>
      %dma_start3A_34 = arith.constant 0 : i32
      %dma_start3A_35 = tpu.memref_slice %arg8[%dma_start3A_34] : memref<512xi32, #tpu.memory_space<vmem>> -> memref<128xi32, #tpu.memory_space<vmem>>
      %dma_start3A_36 = arith.constant 0 : i32
      %dma_start3A_37 = arith.constant 0 : i32
      %dma_start3A_38 = tpu.memref_slice %arg2[%dma_start3A_36, %dma_start3A_37] : memref<50000x48xf32, #tpu.memory_space<hbm>> -> memref<50000x48xf32, #tpu.memory_space<hbm>>
      tpu.enqueue_indirect_dma source(%dma_start3A_38 : memref<50000x48xf32, #tpu.memory_space<hbm>>) target(%dma_start3A_33 : memref<128x48xf32, #tpu.memory_space<vmem>>) offsets(%dma_start3A_35 : memref<128xi32, #tpu.memory_space<vmem>>) semaphore(%arg13 : memref<!tpu.dma_semaphore, #tpu.memory_space<semaphore_mem>>)
      %dma_start3A_39 = arith.constant 0 : i32
      %dma_start3A_40 = arith.constant 0 : i32
      %dma_start3A_41 = tpu.memref_slice %arg12[%dma_start3A_39, %dma_start3A_40] : memref<512x16xf32, #tpu.memory_space<vmem>> -> memref<128x16xf32, #tpu.memory_space<vmem>>
      %dma_start3A_42 = arith.constant 0 : i32
      %dma_start3A_43 = tpu.memref_slice %arg9[%dma_start3A_42] : memref<512xi32, #tpu.memory_space<vmem>> -> memref<128xi32, #tpu.memory_space<vmem>>
      %dma_start3A_44 = arith.constant 0 : i32
      %dma_start3A_45 = arith.constant 0 : i32
      %dma_start3A_46 = tpu.memref_slice %arg3[%dma_start3A_44, %dma_start3A_45] : memref<50000x16xf32, #tpu.memory_space<hbm>> -> memref<50000x16xf32, #tpu.memory_space<hbm>>
      tpu.enqueue_indirect_dma source(%dma_start3A_46 : memref<50000x16xf32, #tpu.memory_space<hbm>>) target(%dma_start3A_41 : memref<128x16xf32, #tpu.memory_space<vmem>>) offsets(%dma_start3A_43 : memref<128xi32, #tpu.memory_space<vmem>>) semaphore(%arg14 : memref<!tpu.dma_semaphore, #tpu.memory_space<semaphore_mem>>)
      %dma_start3A_47 = arith.constant 128 : i32
      %dma_start3A_48 = arith.constant 0 : i32
      %dma_start3A_49 = tpu.memref_slice %arg11[%dma_start3A_47, %dma_start3A_48] : memref<512x48xf32, #tpu.memory_space<vmem>> -> memref<128x48xf32, #tpu.memory_space<vmem>>
      %dma_start3A_50 = arith.constant 128 : i32
      %dma_start3A_51 = tpu.memref_slice %arg8[%dma_start3A_50] : memref<512xi32, #tpu.memory_space<vmem>> -> memref<128xi32, #tpu.memory_space<vmem>>
      %dma_start3A_52 = arith.constant 0 : i32
      %dma_start3A_53 = arith.constant 0 : i32
      %dma_start3A_54 = tpu.memref_slice %arg2[%dma_start3A_52, %dma_start3A_53] : memref<50000x48xf32, #tpu.memory_space<hbm>> -> memref<50000x48xf32, #tpu.memory_space<hbm>>
      tpu.enqueue_indirect_dma source(%dma_start3A_54 : memref<50000x48xf32, #tpu.memory_space<hbm>>) target(%dma_start3A_49 : memref<128x48xf32, #tpu.memory_space<vmem>>) offsets(%dma_start3A_51 : memref<128xi32, #tpu.memory_space<vmem>>) semaphore(%arg13 : memref<!tpu.dma_semaphore, #tpu.memory_space<semaphore_mem>>)
      %dma_start3A_55 = arith.constant 128 : i32
      %dma_start3A_56 = arith.constant 0 : i32
      %dma_start3A_57 = tpu.memref_slice %arg12[%dma_start3A_55, %dma_start3A_56] : memref<512x16xf32, #tpu.memory_space<vmem>> -> memref<128x16xf32, #tpu.memory_space<vmem>>
      %dma_start3A_58 = arith.constant 128 : i32
      %dma_start3A_59 = tpu.memref_slice %arg9[%dma_start3A_58] : memref<512xi32, #tpu.memory_space<vmem>> -> memref<128xi32, #tpu.memory_space<vmem>>
      %dma_start3A_60 = arith.constant 0 : i32
      %dma_start3A_61 = arith.constant 0 : i32
      %dma_start3A_62 = tpu.memref_slice %arg3[%dma_start3A_60, %dma_start3A_61] : memref<50000x16xf32, #tpu.memory_space<hbm>> -> memref<50000x16xf32, #tpu.memory_space<hbm>>
      tpu.enqueue_indirect_dma source(%dma_start3A_62 : memref<50000x16xf32, #tpu.memory_space<hbm>>) target(%dma_start3A_57 : memref<128x16xf32, #tpu.memory_space<vmem>>) offsets(%dma_start3A_59 : memref<128xi32, #tpu.memory_space<vmem>>) semaphore(%arg14 : memref<!tpu.dma_semaphore, #tpu.memory_space<semaphore_mem>>)
      %dma_start3A_63 = arith.constant 256 : i32
      %dma_start3A_64 = arith.constant 0 : i32
      %dma_start3A_65 = tpu.memref_slice %arg11[%dma_start3A_63, %dma_start3A_64] : memref<512x48xf32, #tpu.memory_space<vmem>> -> memref<128x48xf32, #tpu.memory_space<vmem>>
      %dma_start3A_66 = arith.constant 256 : i32
      %dma_start3A_67 = tpu.memref_slice %arg8[%dma_start3A_66] : memref<512xi32, #tpu.memory_space<vmem>> -> memref<128xi32, #tpu.memory_space<vmem>>
      %dma_start3A_68 = arith.constant 0 : i32
      %dma_start3A_69 = arith.constant 0 : i32
      %dma_start3A_70 = tpu.memref_slice %arg2[%dma_start3A_68, %dma_start3A_69] : memref<50000x48xf32, #tpu.memory_space<hbm>> -> memref<50000x48xf32, #tpu.memory_space<hbm>>
      tpu.enqueue_indirect_dma source(%dma_start3A_70 : memref<50000x48xf32, #tpu.memory_space<hbm>>) target(%dma_start3A_65 : memref<128x48xf32, #tpu.memory_space<vmem>>) offsets(%dma_start3A_67 : memref<128xi32, #tpu.memory_space<vmem>>) semaphore(%arg13 : memref<!tpu.dma_semaphore, #tpu.memory_space<semaphore_mem>>)
      %dma_start3A_71 = arith.constant 256 : i32
      %dma_start3A_72 = arith.constant 0 : i32
      %dma_start3A_73 = tpu.memref_slice %arg12[%dma_start3A_71, %dma_start3A_72] : memref<512x16xf32, #tpu.memory_space<vmem>> -> memref<128x16xf32, #tpu.memory_space<vmem>>
      %dma_start3A_74 = arith.constant 256 : i32
      %dma_start3A_75 = tpu.memref_slice %arg9[%dma_start3A_74] : memref<512xi32, #tpu.memory_space<vmem>> -> memref<128xi32, #tpu.memory_space<vmem>>
      %dma_start3A_76 = arith.constant 0 : i32
      %dma_start3A_77 = arith.constant 0 : i32
      %dma_start3A_78 = tpu.memref_slice %arg3[%dma_start3A_76, %dma_start3A_77] : memref<50000x16xf32, #tpu.memory_space<hbm>> -> memref<50000x16xf32, #tpu.memory_space<hbm>>
      tpu.enqueue_indirect_dma source(%dma_start3A_78 : memref<50000x16xf32, #tpu.memory_space<hbm>>) target(%dma_start3A_73 : memref<128x16xf32, #tpu.memory_space<vmem>>) offsets(%dma_start3A_75 : memref<128xi32, #tpu.memory_space<vmem>>) semaphore(%arg14 : memref<!tpu.dma_semaphore, #tpu.memory_space<semaphore_mem>>)
      %dma_start3A_79 = arith.constant 384 : i32
      %dma_start3A_80 = arith.constant 0 : i32
      %dma_start3A_81 = tpu.memref_slice %arg11[%dma_start3A_79, %dma_start3A_80] : memref<512x48xf32, #tpu.memory_space<vmem>> -> memref<128x48xf32, #tpu.memory_space<vmem>>
      %dma_start3A_82 = arith.constant 384 : i32
      %dma_start3A_83 = tpu.memref_slice %arg8[%dma_start3A_82] : memref<512xi32, #tpu.memory_space<vmem>> -> memref<128xi32, #tpu.memory_space<vmem>>
      %dma_start3A_84 = arith.constant 0 : i32
      %dma_start3A_85 = arith.constant 0 : i32
      %dma_start3A_86 = tpu.memref_slice %arg2[%dma_start3A_84, %dma_start3A_85] : memref<50000x48xf32, #tpu.memory_space<hbm>> -> memref<50000x48xf32, #tpu.memory_space<hbm>>
      tpu.enqueue_indirect_dma source(%dma_start3A_86 : memref<50000x48xf32, #tpu.memory_space<hbm>>) target(%dma_start3A_81 : memref<128x48xf32, #tpu.memory_space<vmem>>) offsets(%dma_start3A_83 : memref<128xi32, #tpu.memory_space<vmem>>) semaphore(%arg13 : memref<!tpu.dma_semaphore, #tpu.memory_space<semaphore_mem>>)
      %dma_start3A_87 = arith.constant 384 : i32
      %dma_start3A_88 = arith.constant 0 : i32
      %dma_start3A_89 = tpu.memref_slice %arg12[%dma_start3A_87, %dma_start3A_88] : memref<512x16xf32, #tpu.memory_space<vmem>> -> memref<128x16xf32, #tpu.memory_space<vmem>>
      %dma_start3A_90 = arith.constant 384 : i32
      %dma_start3A_91 = tpu.memref_slice %arg9[%dma_start3A_90] : memref<512xi32, #tpu.memory_space<vmem>> -> memref<128xi32, #tpu.memory_space<vmem>>
      %dma_start3A_92 = arith.constant 0 : i32
      %dma_start3A_93 = arith.constant 0 : i32
      %dma_start3A_94 = tpu.memref_slice %arg3[%dma_start3A_92, %dma_start3A_93] : memref<50000x16xf32, #tpu.memory_space<hbm>> -> memref<50000x16xf32, #tpu.memory_space<hbm>>
      tpu.enqueue_indirect_dma source(%dma_start3A_94 : memref<50000x16xf32, #tpu.memory_space<hbm>>) target(%dma_start3A_89 : memref<128x16xf32, #tpu.memory_space<vmem>>) offsets(%dma_start3A_91 : memref<128xi32, #tpu.memory_space<vmem>>) semaphore(%arg14 : memref<!tpu.dma_semaphore, #tpu.memory_space<semaphore_mem>>)
      %dma_wait3A = arith.constant 0 : i32
      %dma_wait3A_95 = arith.constant 0 : i32
      %dma_wait3A_96 = tpu.memref_slice %arg11[%dma_wait3A, %dma_wait3A_95] : memref<512x48xf32, #tpu.memory_space<vmem>> -> memref<128x48xf32, #tpu.memory_space<vmem>>
      %dma_wait3A_97 = arith.constant 0 : i32
      %dma_wait3A_98 = tpu.memref_slice %arg8[%dma_wait3A_97] : memref<512xi32, #tpu.memory_space<vmem>> -> memref<128xi32, #tpu.memory_space<vmem>>
      %dma_wait3A_99 = arith.constant 0 : i32
      %dma_wait3A_100 = arith.constant 0 : i32
      %dma_wait3A_101 = tpu.memref_slice %arg2[%dma_wait3A_99, %dma_wait3A_100] : memref<50000x48xf32, #tpu.memory_space<hbm>> -> memref<50000x48xf32, #tpu.memory_space<hbm>>
      tpu.wait_indirect_dma semaphore(%arg13 : memref<!tpu.dma_semaphore, #tpu.memory_space<semaphore_mem>>) src(%dma_wait3A_101 : memref<50000x48xf32, #tpu.memory_space<hbm>>) dst(%dma_wait3A_96 : memref<128x48xf32, #tpu.memory_space<vmem>>)
      %dma_wait3A_102 = arith.constant 0 : i32
      %dma_wait3A_103 = arith.constant 0 : i32
      %dma_wait3A_104 = tpu.memref_slice %arg12[%dma_wait3A_102, %dma_wait3A_103] : memref<512x16xf32, #tpu.memory_space<vmem>> -> memref<128x16xf32, #tpu.memory_space<vmem>>
      %dma_wait3A_105 = arith.constant 0 : i32
      %dma_wait3A_106 = tpu.memref_slice %arg9[%dma_wait3A_105] : memref<512xi32, #tpu.memory_space<vmem>> -> memref<128xi32, #tpu.memory_space<vmem>>
      %dma_wait3A_107 = arith.constant 0 : i32
      %dma_wait3A_108 = arith.constant 0 : i32
      %dma_wait3A_109 = tpu.memref_slice %arg3[%dma_wait3A_107, %dma_wait3A_108] : memref<50000x16xf32, #tpu.memory_space<hbm>> -> memref<50000x16xf32, #tpu.memory_space<hbm>>
      tpu.wait_indirect_dma semaphore(%arg14 : memref<!tpu.dma_semaphore, #tpu.memory_space<semaphore_mem>>) src(%dma_wait3A_109 : memref<50000x16xf32, #tpu.memory_space<hbm>>) dst(%dma_wait3A_104 : memref<128x16xf32, #tpu.memory_space<vmem>>)
      %dma_wait3A_110 = arith.constant 128 : i32
      %dma_wait3A_111 = arith.constant 0 : i32
      %dma_wait3A_112 = tpu.memref_slice %arg11[%dma_wait3A_110, %dma_wait3A_111] : memref<512x48xf32, #tpu.memory_space<vmem>> -> memref<128x48xf32, #tpu.memory_space<vmem>>
      %dma_wait3A_113 = arith.constant 128 : i32
      %dma_wait3A_114 = tpu.memref_slice %arg8[%dma_wait3A_113] : memref<512xi32, #tpu.memory_space<vmem>> -> memref<128xi32, #tpu.memory_space<vmem>>
      %dma_wait3A_115 = arith.constant 0 : i32
      %dma_wait3A_116 = arith.constant 0 : i32
      %dma_wait3A_117 = tpu.memref_slice %arg2[%dma_wait3A_115, %dma_wait3A_116] : memref<50000x48xf32, #tpu.memory_space<hbm>> -> memref<50000x48xf32, #tpu.memory_space<hbm>>
      tpu.wait_indirect_dma semaphore(%arg13 : memref<!tpu.dma_semaphore, #tpu.memory_space<semaphore_mem>>) src(%dma_wait3A_117 : memref<50000x48xf32, #tpu.memory_space<hbm>>) dst(%dma_wait3A_112 : memref<128x48xf32, #tpu.memory_space<vmem>>)
      %dma_wait3A_118 = arith.constant 128 : i32
      %dma_wait3A_119 = arith.constant 0 : i32
      %dma_wait3A_120 = tpu.memref_slice %arg12[%dma_wait3A_118, %dma_wait3A_119] : memref<512x16xf32, #tpu.memory_space<vmem>> -> memref<128x16xf32, #tpu.memory_space<vmem>>
      %dma_wait3A_121 = arith.constant 128 : i32
      %dma_wait3A_122 = tpu.memref_slice %arg9[%dma_wait3A_121] : memref<512xi32, #tpu.memory_space<vmem>> -> memref<128xi32, #tpu.memory_space<vmem>>
      %dma_wait3A_123 = arith.constant 0 : i32
      %dma_wait3A_124 = arith.constant 0 : i32
      %dma_wait3A_125 = tpu.memref_slice %arg3[%dma_wait3A_123, %dma_wait3A_124] : memref<50000x16xf32, #tpu.memory_space<hbm>> -> memref<50000x16xf32, #tpu.memory_space<hbm>>
      tpu.wait_indirect_dma semaphore(%arg14 : memref<!tpu.dma_semaphore, #tpu.memory_space<semaphore_mem>>) src(%dma_wait3A_125 : memref<50000x16xf32, #tpu.memory_space<hbm>>) dst(%dma_wait3A_120 : memref<128x16xf32, #tpu.memory_space<vmem>>)
      %dma_wait3A_126 = arith.constant 256 : i32
      %dma_wait3A_127 = arith.constant 0 : i32
      %dma_wait3A_128 = tpu.memref_slice %arg11[%dma_wait3A_126, %dma_wait3A_127] : memref<512x48xf32, #tpu.memory_space<vmem>> -> memref<128x48xf32, #tpu.memory_space<vmem>>
      %dma_wait3A_129 = arith.constant 256 : i32
      %dma_wait3A_130 = tpu.memref_slice %arg8[%dma_wait3A_129] : memref<512xi32, #tpu.memory_space<vmem>> -> memref<128xi32, #tpu.memory_space<vmem>>
      %dma_wait3A_131 = arith.constant 0 : i32
      %dma_wait3A_132 = arith.constant 0 : i32
      %dma_wait3A_133 = tpu.memref_slice %arg2[%dma_wait3A_131, %dma_wait3A_132] : memref<50000x48xf32, #tpu.memory_space<hbm>> -> memref<50000x48xf32, #tpu.memory_space<hbm>>
      tpu.wait_indirect_dma semaphore(%arg13 : memref<!tpu.dma_semaphore, #tpu.memory_space<semaphore_mem>>) src(%dma_wait3A_133 : memref<50000x48xf32, #tpu.memory_space<hbm>>) dst(%dma_wait3A_128 : memref<128x48xf32, #tpu.memory_space<vmem>>)
      %dma_wait3A_134 = arith.constant 256 : i32
      %dma_wait3A_135 = arith.constant 0 : i32
      %dma_wait3A_136 = tpu.memref_slice %arg12[%dma_wait3A_134, %dma_wait3A_135] : memref<512x16xf32, #tpu.memory_space<vmem>> -> memref<128x16xf32, #tpu.memory_space<vmem>>
      %dma_wait3A_137 = arith.constant 256 : i32
      %dma_wait3A_138 = tpu.memref_slice %arg9[%dma_wait3A_137] : memref<512xi32, #tpu.memory_space<vmem>> -> memref<128xi32, #tpu.memory_space<vmem>>
      %dma_wait3A_139 = arith.constant 0 : i32
      %dma_wait3A_140 = arith.constant 0 : i32
      %dma_wait3A_141 = tpu.memref_slice %arg3[%dma_wait3A_139, %dma_wait3A_140] : memref<50000x16xf32, #tpu.memory_space<hbm>> -> memref<50000x16xf32, #tpu.memory_space<hbm>>
      tpu.wait_indirect_dma semaphore(%arg14 : memref<!tpu.dma_semaphore, #tpu.memory_space<semaphore_mem>>) src(%dma_wait3A_141 : memref<50000x16xf32, #tpu.memory_space<hbm>>) dst(%dma_wait3A_136 : memref<128x16xf32, #tpu.memory_space<vmem>>)
      %dma_wait3A_142 = arith.constant 384 : i32
      %dma_wait3A_143 = arith.constant 0 : i32
      %dma_wait3A_144 = tpu.memref_slice %arg11[%dma_wait3A_142, %dma_wait3A_143] : memref<512x48xf32, #tpu.memory_space<vmem>> -> memref<128x48xf32, #tpu.memory_space<vmem>>
      %dma_wait3A_145 = arith.constant 384 : i32
      %dma_wait3A_146 = tpu.memref_slice %arg8[%dma_wait3A_145] : memref<512xi32, #tpu.memory_space<vmem>> -> memref<128xi32, #tpu.memory_space<vmem>>
      %dma_wait3A_147 = arith.constant 0 : i32
      %dma_wait3A_148 = arith.constant 0 : i32
      %dma_wait3A_149 = tpu.memref_slice %arg2[%dma_wait3A_147, %dma_wait3A_148] : memref<50000x48xf32, #tpu.memory_space<hbm>> -> memref<50000x48xf32, #tpu.memory_space<hbm>>
      tpu.wait_indirect_dma semaphore(%arg13 : memref<!tpu.dma_semaphore, #tpu.memory_space<semaphore_mem>>) src(%dma_wait3A_149 : memref<50000x48xf32, #tpu.memory_space<hbm>>) dst(%dma_wait3A_144 : memref<128x48xf32, #tpu.memory_space<vmem>>)
      %dma_wait3A_150 = arith.constant 384 : i32
      %dma_wait3A_151 = arith.constant 0 : i32
      %dma_wait3A_152 = tpu.memref_slice %arg12[%dma_wait3A_150, %dma_wait3A_151] : memref<512x16xf32, #tpu.memory_space<vmem>> -> memref<128x16xf32, #tpu.memory_space<vmem>>
      %dma_wait3A_153 = arith.constant 384 : i32
      %dma_wait3A_154 = tpu.memref_slice %arg9[%dma_wait3A_153] : memref<512xi32, #tpu.memory_space<vmem>> -> memref<128xi32, #tpu.memory_space<vmem>>
      %dma_wait3A_155 = arith.constant 0 : i32
      %dma_wait3A_156 = arith.constant 0 : i32
      %dma_wait3A_157 = tpu.memref_slice %arg3[%dma_wait3A_155, %dma_wait3A_156] : memref<50000x16xf32, #tpu.memory_space<hbm>> -> memref<50000x16xf32, #tpu.memory_space<hbm>>
      tpu.wait_indirect_dma semaphore(%arg14 : memref<!tpu.dma_semaphore, #tpu.memory_space<semaphore_mem>>) src(%dma_wait3A_157 : memref<50000x16xf32, #tpu.memory_space<hbm>>) dst(%dma_wait3A_152 : memref<128x16xf32, #tpu.memory_space<vmem>>)
      %scan3A_158 = arith.constant 0 : i32
      %scan3A_159 = arith.constant 0 : i32
      %scan3A_160 = arith.constant 32 : i32
      %scan3A_161 = arith.addi %scan3A_159, %scan3A_160 : i32
      %scan3A_162 = arith.constant 1 : i32
      %scan3A_163 = scf.for %scan3A_232 = %scan3A_159 to %scan3A_161 step %scan3A_162 iter_args(%scan3A_233 = %scan3A_158) -> (i32)  : i32 {
        %mul3A_234 = arith.constant 16 : i32
        %mul3A_235 = arith.muli %scan3A_232, %mul3A_234 : i32
        %add3A_236 = vector.broadcast %mul3A_235 : i32 to vector<16xi32>
        %add3A_237 = arith.addi %add3A_236, %iota3A : vector<16xi32>
        %gather3A = tpu.vector_load_idx %arg9[%add3A_237] : memref<512xi32, #tpu.memory_space<vmem>>[vector<16xi32>], vector<16xi32>,
        %mul3A_238 = arith.constant 16 : i32
        %mul3A_239 = arith.muli %scan3A_232, %mul3A_238 : i32
        %add3A_240 = arith.addi %mul3A_31, %mul3A_239 : i32
        %add3A_241 = vector.broadcast %add3A_240 : i32 to vector<16xi32>
        %add3A_242 = arith.addi %add3A_241, %iota3A : vector<16xi32>
        %ge3A = vector.broadcast %mul3A_0 : i32 to vector<16xi32>
        %ge3A_243 = arith.cmpi sge, %gather3A, %ge3A : vector<16xi32>
        %add3A_244 = arith.constant 25000 : i32
        %add3A_245 = arith.addi %mul3A_0, %add3A_244 : i32
        %lt3A_246 = vector.broadcast %add3A_245 : i32 to vector<16xi32>
        %lt3A_247 = arith.cmpi slt, %gather3A, %lt3A_246 : vector<16xi32>
        %and3A_248 = arith.andi %ge3A_243, %lt3A_247 : vector<16xi1>
        %lt3A_249 = arith.constant 800000 : i32
        %lt3A_250 = vector.broadcast %lt3A_249 : i32 to vector<16xi32>
        %lt3A_251 = arith.cmpi slt, %add3A_242, %lt3A_250 : vector<16xi32>
        %and3A_252 = arith.andi %and3A_248, %lt3A_251 : vector<16xi1>
        %sub3A_253 = vector.broadcast %mul3A_0 : i32 to vector<16xi32>
        %sub3A_254 = arith.subi %gather3A, %sub3A_253 : vector<16xi32>
        %jit3A_255 = arith.constant 25000 : i32
        %broadcast_in_dim3A_256 = vector.broadcast %jit3A_255 : i32 to vector<16xi32>
        %select_n3A_257 = arith.select %and3A_252, %sub3A_254, %broadcast_in_dim3A_256 : vector<16xi1>, vector<16xi32>
        %jit3A_258 = arith.constant 8 : i32
        %div3A_259 = arith.divsi %scan3A_232, %jit3A_258 : i32
        %sign3A_260 = arith.constant 0 : i32
        %sign3A_261 = arith.cmpi sgt, %scan3A_232, %sign3A_260 : i32
        %sign3A_262 = arith.extui %sign3A_261 : i1 to i32
        %sign3A_263 = arith.constant 0 : i32
        %sign3A_264 = arith.cmpi slt, %scan3A_232, %sign3A_263 : i32
        %sign3A_265 = arith.extui %sign3A_264 : i1 to i32
        %sign3A_266 = arith.subi %sign3A_262, %sign3A_265 : i32
        %sign3A_267 = arith.constant 0 : i32
        %sign3A_268 = arith.cmpi sgt, %jit3A_258, %sign3A_267 : i32
        %sign3A_269 = arith.extui %sign3A_268 : i1 to i32
        %sign3A_270 = arith.constant 0 : i32
        %sign3A_271 = arith.cmpi slt, %jit3A_258, %sign3A_270 : i32
        %sign3A_272 = arith.extui %sign3A_271 : i1 to i32
        %sign3A_273 = arith.subi %sign3A_269, %sign3A_272 : i32
        %ne3A_274 = arith.cmpi ne, %sign3A_266, %sign3A_273 : i32
        %rem3A_275 = arith.remsi %scan3A_232, %jit3A_258 : i32
        %ne3A_276 = arith.constant 0 : i32
        %ne3A_277 = arith.cmpi ne, %rem3A_275, %ne3A_276 : i32
        %and3A_278 = arith.andi %ne3A_274, %ne3A_277 : i1
        %sub3A_279 = arith.constant 1 : i32
        %sub3A_280 = arith.subi %div3A_259, %sub3A_279 : i32
        %select_n3A_281 = arith.select %and3A_278, %sub3A_280, %div3A_259 : i32
        %broadcast_in_dim3A_282 = vector.broadcast %select_n3A_281 : i32 to vector<16xi32>
        %jit3A_283 = arith.constant 8 : i32
        %eq3A_284 = arith.constant 0 : i32
        %eq3A_285 = arith.cmpi eq, %jit3A_283, %eq3A_284 : i32
        %jit3A_286 = arith.constant 1 : i32
        %select_n3A_287 = arith.select %eq3A_285, %jit3A_286, %jit3A_283 : i32
        %rem3A_288 = arith.remsi %scan3A_232, %select_n3A_287 : i32
        %ne3A_289 = arith.constant 0 : i32
        %ne3A_290 = arith.cmpi ne, %rem3A_288, %ne3A_289 : i32
        %lt3A_291 = arith.constant 0 : i32
        %lt3A_292 = arith.cmpi slt, %rem3A_288, %lt3A_291 : i32
        %lt3A_293 = arith.constant 0 : i32
        %lt3A_294 = arith.cmpi slt, %select_n3A_287, %lt3A_293 : i32
        %ne3A_295 = arith.xori %lt3A_292, %lt3A_294 : i1
        %and3A_296 = arith.andi %ne3A_295, %ne3A_290 : i1
        %add3A_297 = arith.addi %rem3A_288, %select_n3A_287 : i32
        %select_n3A_298 = arith.select %and3A_296, %add3A_297, %rem3A_288 : i32
        %mul3A_299 = arith.constant 16 : i32
        %mul3A_300 = arith.muli %select_n3A_298, %mul3A_299 : i32
        %add3A_301 = vector.broadcast %mul3A_300 : i32 to vector<16xi32>
        %add3A_302 = arith.addi %add3A_301, %iota3A : vector<16xi32>
        tpu.vector_store_idx %arg10[%broadcast_in_dim3A_282, %add3A_302], %select_n3A_257 : memref<4x128xi32, #tpu.memory_space<vmem>>[vector<16xi32>, vector<16xi32>], vector<16xi32>,
        %scan3A_303 = arith.constant 0 : i32
        scf.yield %scan3A_303 : i32
      }
      %scan3A_164 = arith.constant 32 : i32
      %add3A_165 = arith.constant 32 : i32
      %add3A_166 = vector.broadcast %add3A_165 : i32 to vector<16xi32>
      %add3A_167 = arith.addi %add3A_166, %iota3A : vector<16xi32>
      %jit3A = arith.constant 4 : i32
      %div3A = vector.broadcast %jit3A : i32 to vector<16xi32>
      %div3A_168 = arith.divsi %iota3A, %div3A : vector<16xi32>
      %sign3A = arith.constant 0 : i32
      %sign3A_169 = vector.broadcast %sign3A : i32 to vector<16xi32>
      %sign3A_170 = arith.cmpi sgt, %iota3A, %sign3A_169 : vector<16xi32>
      %sign3A_171 = arith.extui %sign3A_170 : vector<16xi1> to vector<16xi32>
      %sign3A_172 = arith.constant 0 : i32
      %sign3A_173 = vector.broadcast %sign3A_172 : i32 to vector<16xi32>
      %sign3A_174 = arith.cmpi slt, %iota3A, %sign3A_173 : vector<16xi32>
      %sign3A_175 = arith.extui %sign3A_174 : vector<16xi1> to vector<16xi32>
      %sign3A_176 = arith.subi %sign3A_171, %sign3A_175 : vector<16xi32>
      %sign3A_177 = arith.constant 0 : i32
      %sign3A_178 = arith.cmpi sgt, %jit3A, %sign3A_177 : i32
      %sign3A_179 = arith.extui %sign3A_178 : i1 to i32
      %sign3A_180 = arith.constant 0 : i32
      %sign3A_181 = arith.cmpi slt, %jit3A, %sign3A_180 : i32
      %sign3A_182 = arith.extui %sign3A_181 : i1 to i32
      %sign3A_183 = arith.subi %sign3A_179, %sign3A_182 : i32
      %ne3A = vector.broadcast %sign3A_183 : i32 to vector<16xi32>
      %ne3A_184 = arith.cmpi ne, %sign3A_176, %ne3A : vector<16xi32>
      %rem3A = vector.broadcast %jit3A : i32 to vector<16xi32>
      %rem3A_185 = arith.remsi %iota3A, %rem3A : vector<16xi32>
      %ne3A_186 = arith.constant 0 : i32
      %ne3A_187 = vector.broadcast %ne3A_186 : i32 to vector<16xi32>
      %ne3A_188 = arith.cmpi ne, %rem3A_185, %ne3A_187 : vector<16xi32>
      %and3A = arith.andi %ne3A_184, %ne3A_188 : vector<16xi1>
      %sub3A = arith.constant 1 : i32
      %sub3A_189 = vector.broadcast %sub3A : i32 to vector<16xi32>
      %sub3A_190 = arith.subi %div3A_168, %sub3A_189 : vector<16xi32>
      %select_n3A_191 = arith.select %and3A, %sub3A_190, %div3A_168 : vector<16xi1>, vector<16xi32>
      %jit3A_192 = arith.constant 4 : i32
      %eq3A_193 = arith.constant 0 : i32
      %eq3A_194 = arith.cmpi eq, %jit3A_192, %eq3A_193 : i32
      %jit3A_195 = arith.constant 1 : i32
      %select_n3A_196 = arith.select %eq3A_194, %jit3A_195, %jit3A_192 : i32
      %rem3A_197 = vector.broadcast %select_n3A_196 : i32 to vector<16xi32>
      %rem3A_198 = arith.remsi %iota3A, %rem3A_197 : vector<16xi32>
      %ne3A_199 = arith.constant 0 : i32
      %ne3A_200 = vector.broadcast %ne3A_199 : i32 to vector<16xi32>
      %ne3A_201 = arith.cmpi ne, %rem3A_198, %ne3A_200 : vector<16xi32>
      %lt3A_202 = arith.constant 0 : i32
      %lt3A_203 = vector.broadcast %lt3A_202 : i32 to vector<16xi32>
      %lt3A_204 = arith.cmpi slt, %rem3A_198, %lt3A_203 : vector<16xi32>
      %lt3A_205 = arith.constant 0 : i32
      %lt3A_206 = arith.cmpi slt, %select_n3A_196, %lt3A_205 : i32
      %ne3A_207 = vector.broadcast %lt3A_206 : i1 to vector<16xi1>
      %ne3A_208 = vector.broadcast %ne3A_207 : vector<16xi1> to vector<16xi1>
      %ne3A_209 = arith.xori %lt3A_204, %ne3A_208 : vector<16xi1>
      %and3A_210 = arith.andi %ne3A_209, %ne3A_201 : vector<16xi1>
      %add3A_211 = vector.broadcast %select_n3A_196 : i32 to vector<16xi32>
      %add3A_212 = arith.addi %rem3A_198, %add3A_211 : vector<16xi32>
      %select_n3A_213 = arith.select %and3A_210, %add3A_212, %rem3A_198 : vector<16xi1>, vector<16xi32>
      %scan3A_214 = arith.constant 0 : i32
      %scan3A_215 = arith.constant 0 : i32
      %scan3A_216 = arith.constant 128 : i32
      %scan3A_217 = arith.addi %scan3A_215, %scan3A_216 : i32
      %scan3A_218 = arith.constant 1 : i32
      %scan3A_219 = scf.for %scan3A_232 = %scan3A_215 to %scan3A_217 step %scan3A_218 iter_args(%scan3A_233 = %scan3A_214) -> (i32)  : i32 {
        %mul3A_234 = arith.constant 4 : i32
        %mul3A_235 = arith.muli %scan3A_232, %mul3A_234 : i32
        %add3A_236 = vector.broadcast %mul3A_235 : i32 to vector<16xi32>
        %add3A_237 = arith.addi %add3A_236, %select_n3A_191 : vector<16xi32>
        %add3A_238 = arith.constant 32 : i32
        %add3A_239 = vector.broadcast %add3A_238 : i32 to vector<16xi32>
        %add3A_240 = arith.addi %add3A_239, %select_n3A_213 : vector<16xi32>
        %gather3A = tpu.vector_load_idx %arg11[%add3A_237, %add3A_240] : memref<512x48xf32, #tpu.memory_space<vmem>>[vector<16xi32>, vector<16xi32>], vector<16xf32>,
        %gather3A_241 = tpu.vector_load_idx %arg12[%add3A_237, %select_n3A_213] : memref<512x16xf32, #tpu.memory_space<vmem>>[vector<16xi32>, vector<16xi32>], vector<16xf32>,
        %add3A_242 = arith.addf %gather3A, %gather3A_241 : vector<16xf32>
        %gt3A = arith.constant 0.000000e+00 : f32
        %gt3A_243 = vector.broadcast %gt3A : f32 to vector<16xf32>
        %gt3A_244 = arith.cmpf ogt, %add3A_242, %gt3A_243 : vector<16xf32>
        %mul3A_245 = arith.constant 2.000000e-01 : f32
        %mul3A_246 = vector.broadcast %mul3A_245 : f32 to vector<16xf32>
        %mul3A_247 = arith.mulf %mul3A_246, %add3A_242 : vector<16xf32>
        %select_n3A_248 = arith.select %gt3A_244, %add3A_242, %mul3A_247 : vector<16xi1>, vector<16xf32>
        %exp3A = math.exp %select_n3A_248 : vector<16xf32>
        tpu.vector_store_idx %arg12[%add3A_237, %select_n3A_213], %exp3A : memref<512x16xf32, #tpu.memory_space<vmem>>[vector<16xi32>, vector<16xi32>], vector<16xf32>,
        %scan3A_249 = arith.constant 0 : i32
        scf.yield %scan3A_249 : i32
      }
      %scan3A_220 = arith.constant 128 : i32
      %scan3A_221 = arith.constant 0 : i32
      %scan3A_222 = arith.constant 0 : i32
      %scan3A_223 = arith.constant 512 : i32
      %scan3A_224 = arith.addi %scan3A_222, %scan3A_223 : i32
      %scan3A_225 = arith.constant 1 : i32
      %scan3A_226 = scf.for %scan3A_232 = %scan3A_222 to %scan3A_224 step %scan3A_225 iter_args(%scan3A_233 = %scan3A_221) -> (i32)  : i32 {
        %broadcast_in_dim3A_234 = vector.broadcast %scan3A_232 : i32 to vector<16xi32>
        %jit3A_235 = arith.constant 8 : i32
        %div3A_236 = vector.broadcast %jit3A_235 : i32 to vector<16xi32>
        %div3A_237 = arith.divsi %iota3A, %div3A_236 : vector<16xi32>
        %sign3A_238 = arith.constant 0 : i32
        %sign3A_239 = vector.broadcast %sign3A_238 : i32 to vector<16xi32>
        %sign3A_240 = arith.cmpi sgt, %iota3A, %sign3A_239 : vector<16xi32>
        %sign3A_241 = arith.extui %sign3A_240 : vector<16xi1> to vector<16xi32>
        %sign3A_242 = arith.constant 0 : i32
        %sign3A_243 = vector.broadcast %sign3A_242 : i32 to vector<16xi32>
        %sign3A_244 = arith.cmpi slt, %iota3A, %sign3A_243 : vector<16xi32>
        %sign3A_245 = arith.extui %sign3A_244 : vector<16xi1> to vector<16xi32>
        %sign3A_246 = arith.subi %sign3A_241, %sign3A_245 : vector<16xi32>
        %sign3A_247 = arith.constant 0 : i32
        %sign3A_248 = arith.cmpi sgt, %jit3A_235, %sign3A_247 : i32
        %sign3A_249 = arith.extui %sign3A_248 : i1 to i32
        %sign3A_250 = arith.constant 0 : i32
        %sign3A_251 = arith.cmpi slt, %jit3A_235, %sign3A_250 : i32
        %sign3A_252 = arith.extui %sign3A_251 : i1 to i32
        %sign3A_253 = arith.subi %sign3A_249, %sign3A_252 : i32
        %ne3A_254 = vector.broadcast %sign3A_253 : i32 to vector<16xi32>
        %ne3A_255 = arith.cmpi ne, %sign3A_246, %ne3A_254 : vector<16xi32>
        %rem3A_256 = vector.broadcast %jit3A_235 : i32 to vector<16xi32>
        %rem3A_257 = arith.remsi %iota3A, %rem3A_256 : vector<16xi32>
        %ne3A_258 = arith.constant 0 : i32
        %ne3A_259 = vector.broadcast %ne3A_258 : i32 to vector<16xi32>
        %ne3A_260 = arith.cmpi ne, %rem3A_257, %ne3A_259 : vector<16xi32>
        %and3A_261 = arith.andi %ne3A_255, %ne3A_260 : vector<16xi1>
        %sub3A_262 = arith.constant 1 : i32
        %sub3A_263 = vector.broadcast %sub3A_262 : i32 to vector<16xi32>
        %sub3A_264 = arith.subi %div3A_237, %sub3A_263 : vector<16xi32>
        %select_n3A_265 = arith.select %and3A_261, %sub3A_264, %div3A_237 : vector<16xi1>, vector<16xi32>
        %add3A_266 = arith.constant 0 : i32
        %add3A_267 = vector.broadcast %add3A_266 : i32 to vector<16xi32>
        %add3A_268 = arith.addi %add3A_267, %select_n3A_265 : vector<16xi32>
        %gather3A = tpu.vector_load_idx %arg12[%broadcast_in_dim3A_234, %add3A_268] : memref<512x16xf32, #tpu.memory_space<vmem>>[vector<16xi32>, vector<16xi32>], vector<16xf32>,
        %add3A_269 = arith.constant 0 : i32
        %add3A_270 = vector.broadcast %add3A_269 : i32 to vector<16xi32>
        %add3A_271 = arith.addi %add3A_270, %iota3A : vector<16xi32>
        %gather3A_272 = tpu.vector_load_idx %arg11[%broadcast_in_dim3A_234, %add3A_271] : memref<512x48xf32, #tpu.memory_space<vmem>>[vector<16xi32>, vector<16xi32>], vector<16xf32>,
        %mul3A_273 = arith.mulf %gather3A_272, %gather3A : vector<16xf32>
        tpu.vector_store_idx %arg11[%broadcast_in_dim3A_234, %add3A_271], %mul3A_273 : memref<512x48xf32, #tpu.memory_space<vmem>>[vector<16xi32>, vector<16xi32>], vector<16xf32>,
        %jit3A_274 = arith.constant 8 : i32
        %div3A_275 = vector.broadcast %jit3A_274 : i32 to vector<16xi32>
        %div3A_276 = arith.divsi %iota3A, %div3A_275 : vector<16xi32>
        %sign3A_277 = arith.constant 0 : i32
        %sign3A_278 = vector.broadcast %sign3A_277 : i32 to vector<16xi32>
        %sign3A_279 = arith.cmpi sgt, %iota3A, %sign3A_278 : vector<16xi32>
        %sign3A_280 = arith.extui %sign3A_279 : vector<16xi1> to vector<16xi32>
        %sign3A_281 = arith.constant 0 : i32
        %sign3A_282 = vector.broadcast %sign3A_281 : i32 to vector<16xi32>
        %sign3A_283 = arith.cmpi slt, %iota3A, %sign3A_282 : vector<16xi32>
        %sign3A_284 = arith.extui %sign3A_283 : vector<16xi1> to vector<16xi32>
        %sign3A_285 = arith.subi %sign3A_280, %sign3A_284 : vector<16xi32>
        %sign3A_286 = arith.constant 0 : i32
        %sign3A_287 = arith.cmpi sgt, %jit3A_274, %sign3A_286 : i32
        %sign3A_288 = arith.extui %sign3A_287 : i1 to i32
        %sign3A_289 = arith.constant 0 : i32
        %sign3A_290 = arith.cmpi slt, %jit3A_274, %sign3A_289 : i32
        %sign3A_291 = arith.extui %sign3A_290 : i1 to i32
        %sign3A_292 = arith.subi %sign3A_288, %sign3A_291 : i32
        %ne3A_293 = vector.broadcast %sign3A_292 : i32 to vector<16xi32>
        %ne3A_294 = arith.cmpi ne, %sign3A_285, %ne3A_293 : vector<16xi32>
        %rem3A_295 = vector.broadcast %jit3A_274 : i32 to vector<16xi32>
        %rem3A_296 = arith.remsi %iota3A, %rem3A_295 : vector<16xi32>
        %ne3A_297 = arith.constant 0 : i32
        %ne3A_298 = vector.broadcast %ne3A_297 : i32 to vector<16xi32>
        %ne3A_299 = arith.cmpi ne, %rem3A_296, %ne3A_298 : vector<16xi32>
        %and3A_300 = arith.andi %ne3A_294, %ne3A_299 : vector<16xi1>
        %sub3A_301 = arith.constant 1 : i32
        %sub3A_302 = vector.broadcast %sub3A_301 : i32 to vector<16xi32>
        %sub3A_303 = arith.subi %div3A_276, %sub3A_302 : vector<16xi32>
        %select_n3A_304 = arith.select %and3A_300, %sub3A_303, %div3A_276 : vector<16xi1>, vector<16xi32>
        %add3A_305 = arith.constant 2 : i32
        %add3A_306 = vector.broadcast %add3A_305 : i32 to vector<16xi32>
        %add3A_307 = arith.addi %add3A_306, %select_n3A_304 : vector<16xi32>
        %gather3A_308 = tpu.vector_load_idx %arg12[%broadcast_in_dim3A_234, %add3A_307] : memref<512x16xf32, #tpu.memory_space<vmem>>[vector<16xi32>, vector<16xi32>], vector<16xf32>,
        %add3A_309 = arith.constant 16 : i32
        %add3A_310 = vector.broadcast %add3A_309 : i32 to vector<16xi32>
        %add3A_311 = arith.addi %add3A_310, %iota3A : vector<16xi32>
        %gather3A_312 = tpu.vector_load_idx %arg11[%broadcast_in_dim3A_234, %add3A_311] : memref<512x48xf32, #tpu.memory_space<vmem>>[vector<16xi32>, vector<16xi32>], vector<16xf32>,
        %mul3A_313 = arith.mulf %gather3A_312, %gather3A_308 : vector<16xf32>
        tpu.vector_store_idx %arg11[%broadcast_in_dim3A_234, %add3A_311], %mul3A_313 : memref<512x48xf32, #tpu.memory_space<vmem>>[vector<16xi32>, vector<16xi32>], vector<16xf32>,
        %gather3A_314 = tpu.vector_load_idx %arg12[%broadcast_in_dim3A_234, %select_n3A_213] : memref<512x16xf32, #tpu.memory_space<vmem>>[vector<16xi32>, vector<16xi32>], vector<16xf32>,
        %mul3A_315 = arith.mulf %gather3A_314, %select_n3A : vector<16xf32>
        tpu.vector_store_idx %arg11[%broadcast_in_dim3A_234, %add3A_167], %mul3A_315 : memref<512x48xf32, #tpu.memory_space<vmem>>[vector<16xi32>, vector<16xi32>], vector<16xf32>,
        %scan3A_316 = arith.constant 0 : i32
        scf.yield %scan3A_316 : i32
      }
      %scan3A_227 = arith.constant 512 : i32
      %run_scoped3A = arith.constant 0 : i32
      "tpu.region"() ({
        %run_scoped3A_232 = tpu.sem_alloc : memref<!tpu.dma_semaphore, #tpu.memory_space<semaphore_mem>>
        %dma_start3A_233 = arith.constant 0 : i32
        %dma_start3A_234 = arith.constant 0 : i32
        %dma_start3A_235 = tpu.memref_slice %arg11[%dma_start3A_233, %dma_start3A_234] : memref<512x48xf32, #tpu.memory_space<vmem>> -> memref<128x48xf32, #tpu.memory_space<vmem>>
        %dma_start3A_236 = arith.constant 0 : i32
        %dma_start3A_237 = tpu.memref_slice %arg10[%run_scoped3A, %dma_start3A_236] : memref<4x128xi32, #tpu.memory_space<vmem>> -> memref<1x128xi32, #tpu.memory_space<vmem>>
        %dma_start3A_238 = tpu.memref_squeeze %dma_start3A_237 : memref<1x128xi32, #tpu.memory_space<vmem>> -> memref<128xi32, #tpu.memory_space<vmem>>
        %dma_start3A_239 = arith.constant 0 : i32
        %dma_start3A_240 = arith.constant 0 : i32
        %dma_start3A_241 = tpu.memref_slice %arg15[%dma_start3A_239, %dma_start3A_240] : memref<25088x48xf32, #tpu.memory_space<vmem_shared>> -> memref<25088x48xf32, #tpu.memory_space<vmem_shared>>
        tpu.enqueue_indirect_dma source(%dma_start3A_235 : memref<128x48xf32, #tpu.memory_space<vmem>>) target(%dma_start3A_241 : memref<25088x48xf32, #tpu.memory_space<vmem_shared>>) offsets(%dma_start3A_238 : memref<128xi32, #tpu.memory_space<vmem>>) semaphore(%run_scoped3A_232 : memref<!tpu.dma_semaphore, #tpu.memory_space<semaphore_mem>>) {add = true}
        %dma_wait3A_242 = arith.constant 0 : i32
        %dma_wait3A_243 = arith.constant 0 : i32
        %dma_wait3A_244 = tpu.memref_slice %arg11[%dma_wait3A_242, %dma_wait3A_243] : memref<512x48xf32, #tpu.memory_space<vmem>> -> memref<128x48xf32, #tpu.memory_space<vmem>>
        %dma_wait3A_245 = arith.constant 0 : i32
        %dma_wait3A_246 = tpu.memref_slice %arg10[%run_scoped3A, %dma_wait3A_245] : memref<4x128xi32, #tpu.memory_space<vmem>> -> memref<1x128xi32, #tpu.memory_space<vmem>>
        %dma_wait3A_247 = tpu.memref_squeeze %dma_wait3A_246 : memref<1x128xi32, #tpu.memory_space<vmem>> -> memref<128xi32, #tpu.memory_space<vmem>>
        %dma_wait3A_248 = arith.constant 0 : i32
        %dma_wait3A_249 = arith.constant 0 : i32
        %dma_wait3A_250 = tpu.memref_slice %arg15[%dma_wait3A_248, %dma_wait3A_249] : memref<25088x48xf32, #tpu.memory_space<vmem_shared>> -> memref<25088x48xf32, #tpu.memory_space<vmem_shared>>
        tpu.wait_indirect_dma semaphore(%run_scoped3A_232 : memref<!tpu.dma_semaphore, #tpu.memory_space<semaphore_mem>>) src(%dma_wait3A_244 : memref<128x48xf32, #tpu.memory_space<vmem>>) dst(%dma_wait3A_250 : memref<25088x48xf32, #tpu.memory_space<vmem_shared>>)
        tpu.yield
      }) : () -> ()
      %run_scoped3A_228 = arith.constant 1 : i32
      "tpu.region"() ({
        %run_scoped3A_232 = tpu.sem_alloc : memref<!tpu.dma_semaphore, #tpu.memory_space<semaphore_mem>>
        %dma_start3A_233 = arith.constant 128 : i32
        %dma_start3A_234 = arith.constant 0 : i32
        %dma_start3A_235 = tpu.memref_slice %arg11[%dma_start3A_233, %dma_start3A_234] : memref<512x48xf32, #tpu.memory_space<vmem>> -> memref<128x48xf32, #tpu.memory_space<vmem>>
        %dma_start3A_236 = arith.constant 0 : i32
        %dma_start3A_237 = tpu.memref_slice %arg10[%run_scoped3A_228, %dma_start3A_236] : memref<4x128xi32, #tpu.memory_space<vmem>> -> memref<1x128xi32, #tpu.memory_space<vmem>>
        %dma_start3A_238 = tpu.memref_squeeze %dma_start3A_237 : memref<1x128xi32, #tpu.memory_space<vmem>> -> memref<128xi32, #tpu.memory_space<vmem>>
        %dma_start3A_239 = arith.constant 0 : i32
        %dma_start3A_240 = arith.constant 0 : i32
        %dma_start3A_241 = tpu.memref_slice %arg15[%dma_start3A_239, %dma_start3A_240] : memref<25088x48xf32, #tpu.memory_space<vmem_shared>> -> memref<25088x48xf32, #tpu.memory_space<vmem_shared>>
        tpu.enqueue_indirect_dma source(%dma_start3A_235 : memref<128x48xf32, #tpu.memory_space<vmem>>) target(%dma_start3A_241 : memref<25088x48xf32, #tpu.memory_space<vmem_shared>>) offsets(%dma_start3A_238 : memref<128xi32, #tpu.memory_space<vmem>>) semaphore(%run_scoped3A_232 : memref<!tpu.dma_semaphore, #tpu.memory_space<semaphore_mem>>) {add = true}
        %dma_wait3A_242 = arith.constant 128 : i32
        %dma_wait3A_243 = arith.constant 0 : i32
        %dma_wait3A_244 = tpu.memref_slice %arg11[%dma_wait3A_242, %dma_wait3A_243] : memref<512x48xf32, #tpu.memory_space<vmem>> -> memref<128x48xf32, #tpu.memory_space<vmem>>
        %dma_wait3A_245 = arith.constant 0 : i32
        %dma_wait3A_246 = tpu.memref_slice %arg10[%run_scoped3A_228, %dma_wait3A_245] : memref<4x128xi32, #tpu.memory_space<vmem>> -> memref<1x128xi32, #tpu.memory_space<vmem>>
        %dma_wait3A_247 = tpu.memref_squeeze %dma_wait3A_246 : memref<1x128xi32, #tpu.memory_space<vmem>> -> memref<128xi32, #tpu.memory_space<vmem>>
        %dma_wait3A_248 = arith.constant 0 : i32
        %dma_wait3A_249 = arith.constant 0 : i32
        %dma_wait3A_250 = tpu.memref_slice %arg15[%dma_wait3A_248, %dma_wait3A_249] : memref<25088x48xf32, #tpu.memory_space<vmem_shared>> -> memref<25088x48xf32, #tpu.memory_space<vmem_shared>>
        tpu.wait_indirect_dma semaphore(%run_scoped3A_232 : memref<!tpu.dma_semaphore, #tpu.memory_space<semaphore_mem>>) src(%dma_wait3A_244 : memref<128x48xf32, #tpu.memory_space<vmem>>) dst(%dma_wait3A_250 : memref<25088x48xf32, #tpu.memory_space<vmem_shared>>)
        tpu.yield
      }) : () -> ()
      %run_scoped3A_229 = arith.constant 2 : i32
      "tpu.region"() ({
        %run_scoped3A_232 = tpu.sem_alloc : memref<!tpu.dma_semaphore, #tpu.memory_space<semaphore_mem>>
        %dma_start3A_233 = arith.constant 256 : i32
        %dma_start3A_234 = arith.constant 0 : i32
        %dma_start3A_235 = tpu.memref_slice %arg11[%dma_start3A_233, %dma_start3A_234] : memref<512x48xf32, #tpu.memory_space<vmem>> -> memref<128x48xf32, #tpu.memory_space<vmem>>
        %dma_start3A_236 = arith.constant 0 : i32
        %dma_start3A_237 = tpu.memref_slice %arg10[%run_scoped3A_229, %dma_start3A_236] : memref<4x128xi32, #tpu.memory_space<vmem>> -> memref<1x128xi32, #tpu.memory_space<vmem>>
        %dma_start3A_238 = tpu.memref_squeeze %dma_start3A_237 : memref<1x128xi32, #tpu.memory_space<vmem>> -> memref<128xi32, #tpu.memory_space<vmem>>
        %dma_start3A_239 = arith.constant 0 : i32
        %dma_start3A_240 = arith.constant 0 : i32
        %dma_start3A_241 = tpu.memref_slice %arg15[%dma_start3A_239, %dma_start3A_240] : memref<25088x48xf32, #tpu.memory_space<vmem_shared>> -> memref<25088x48xf32, #tpu.memory_space<vmem_shared>>
        tpu.enqueue_indirect_dma source(%dma_start3A_235 : memref<128x48xf32, #tpu.memory_space<vmem>>) target(%dma_start3A_241 : memref<25088x48xf32, #tpu.memory_space<vmem_shared>>) offsets(%dma_start3A_238 : memref<128xi32, #tpu.memory_space<vmem>>) semaphore(%run_scoped3A_232 : memref<!tpu.dma_semaphore, #tpu.memory_space<semaphore_mem>>) {add = true}
        %dma_wait3A_242 = arith.constant 256 : i32
        %dma_wait3A_243 = arith.constant 0 : i32
        %dma_wait3A_244 = tpu.memref_slice %arg11[%dma_wait3A_242, %dma_wait3A_243] : memref<512x48xf32, #tpu.memory_space<vmem>> -> memref<128x48xf32, #tpu.memory_space<vmem>>
        %dma_wait3A_245 = arith.constant 0 : i32
        %dma_wait3A_246 = tpu.memref_slice %arg10[%run_scoped3A_229, %dma_wait3A_245] : memref<4x128xi32, #tpu.memory_space<vmem>> -> memref<1x128xi32, #tpu.memory_space<vmem>>
        %dma_wait3A_247 = tpu.memref_squeeze %dma_wait3A_246 : memref<1x128xi32, #tpu.memory_space<vmem>> -> memref<128xi32, #tpu.memory_space<vmem>>
        %dma_wait3A_248 = arith.constant 0 : i32
        %dma_wait3A_249 = arith.constant 0 : i32
        %dma_wait3A_250 = tpu.memref_slice %arg15[%dma_wait3A_248, %dma_wait3A_249] : memref<25088x48xf32, #tpu.memory_space<vmem_shared>> -> memref<25088x48xf32, #tpu.memory_space<vmem_shared>>
        tpu.wait_indirect_dma semaphore(%run_scoped3A_232 : memref<!tpu.dma_semaphore, #tpu.memory_space<semaphore_mem>>) src(%dma_wait3A_244 : memref<128x48xf32, #tpu.memory_space<vmem>>) dst(%dma_wait3A_250 : memref<25088x48xf32, #tpu.memory_space<vmem_shared>>)
        tpu.yield
      }) : () -> ()
      %run_scoped3A_230 = arith.constant 3 : i32
      "tpu.region"() ({
        %run_scoped3A_232 = tpu.sem_alloc : memref<!tpu.dma_semaphore, #tpu.memory_space<semaphore_mem>>
        %dma_start3A_233 = arith.constant 384 : i32
        %dma_start3A_234 = arith.constant 0 : i32
        %dma_start3A_235 = tpu.memref_slice %arg11[%dma_start3A_233, %dma_start3A_234] : memref<512x48xf32, #tpu.memory_space<vmem>> -> memref<128x48xf32, #tpu.memory_space<vmem>>
        %dma_start3A_236 = arith.constant 0 : i32
        %dma_start3A_237 = tpu.memref_slice %arg10[%run_scoped3A_230, %dma_start3A_236] : memref<4x128xi32, #tpu.memory_space<vmem>> -> memref<1x128xi32, #tpu.memory_space<vmem>>
        %dma_start3A_238 = tpu.memref_squeeze %dma_start3A_237 : memref<1x128xi32, #tpu.memory_space<vmem>> -> memref<128xi32, #tpu.memory_space<vmem>>
        %dma_start3A_239 = arith.constant 0 : i32
        %dma_start3A_240 = arith.constant 0 : i32
        %dma_start3A_241 = tpu.memref_slice %arg15[%dma_start3A_239, %dma_start3A_240] : memref<25088x48xf32, #tpu.memory_space<vmem_shared>> -> memref<25088x48xf32, #tpu.memory_space<vmem_shared>>
        tpu.enqueue_indirect_dma source(%dma_start3A_235 : memref<128x48xf32, #tpu.memory_space<vmem>>) target(%dma_start3A_241 : memref<25088x48xf32, #tpu.memory_space<vmem_shared>>) offsets(%dma_start3A_238 : memref<128xi32, #tpu.memory_space<vmem>>) semaphore(%run_scoped3A_232 : memref<!tpu.dma_semaphore, #tpu.memory_space<semaphore_mem>>) {add = true}
        %dma_wait3A_242 = arith.constant 384 : i32
        %dma_wait3A_243 = arith.constant 0 : i32
        %dma_wait3A_244 = tpu.memref_slice %arg11[%dma_wait3A_242, %dma_wait3A_243] : memref<512x48xf32, #tpu.memory_space<vmem>> -> memref<128x48xf32, #tpu.memory_space<vmem>>
        %dma_wait3A_245 = arith.constant 0 : i32
        %dma_wait3A_246 = tpu.memref_slice %arg10[%run_scoped3A_230, %dma_wait3A_245] : memref<4x128xi32, #tpu.memory_space<vmem>> -> memref<1x128xi32, #tpu.memory_space<vmem>>
        %dma_wait3A_247 = tpu.memref_squeeze %dma_wait3A_246 : memref<1x128xi32, #tpu.memory_space<vmem>> -> memref<128xi32, #tpu.memory_space<vmem>>
        %dma_wait3A_248 = arith.constant 0 : i32
        %dma_wait3A_249 = arith.constant 0 : i32
        %dma_wait3A_250 = tpu.memref_slice %arg15[%dma_wait3A_248, %dma_wait3A_249] : memref<25088x48xf32, #tpu.memory_space<vmem_shared>> -> memref<25088x48xf32, #tpu.memory_space<vmem_shared>>
        tpu.wait_indirect_dma semaphore(%run_scoped3A_232 : memref<!tpu.dma_semaphore, #tpu.memory_space<semaphore_mem>>) src(%dma_wait3A_244 : memref<128x48xf32, #tpu.memory_space<vmem>>) dst(%dma_wait3A_250 : memref<25088x48xf32, #tpu.memory_space<vmem_shared>>)
        tpu.yield
      }) : () -> ()
      %scan3A_231 = arith.constant 0 : i32
      scf.yield %scan3A_231 : i32
    }
    %scan3A_20 = arith.constant 98 : i32
    %barrier3A_21 = arith.constant 0 : index
    tpu.barrier barrier_id(%barrier3A_21)
    %mul3A_22 = arith.constant 25088 : i32
    %mul3A_23 = arith.muli %arg0, %mul3A_22 : i32
    %add3A_24 = arith.addi %mul3A_23, %mul3A_2 : i32
    "tpu.region"() ({
      %run_scoped3A = tpu.sem_alloc : memref<!tpu.dma_semaphore, #tpu.memory_space<semaphore_mem>>
      %dma_start3A = arith.constant 0 : i32
      %dma_start3A_25 = tpu.memref_slice %arg7[%add3A_24, %dma_start3A] : memref<50176x48xf32, #tpu.memory_space<hbm>> -> memref<1568x48xf32, #tpu.memory_space<hbm>>
      %dma_start3A_26 = arith.constant 0 : i32
      %dma_start3A_27 = tpu.memref_slice %arg15[%mul3A_2, %dma_start3A_26] : memref<25088x48xf32, #tpu.memory_space<vmem_shared>> -> memref<1568x48xf32, #tpu.memory_space<vmem_shared>>
      tpu.enqueue_dma source(%dma_start3A_27 : memref<1568x48xf32, #tpu.memory_space<vmem_shared>>) target(%dma_start3A_25 : memref<1568x48xf32, #tpu.memory_space<hbm>>) target_semaphore(%run_scoped3A : memref<!tpu.dma_semaphore, #tpu.memory_space<semaphore_mem>>)
      %dma_wait3A = arith.constant 0 : i32
      %dma_wait3A_28 = tpu.memref_slice %arg7[%add3A_24, %dma_wait3A] : memref<50176x48xf32, #tpu.memory_space<hbm>> -> memref<1568x48xf32, #tpu.memory_space<hbm>>
      %dma_wait3A_29 = arith.constant 0 : i32
      %dma_wait3A_30 = tpu.memref_slice %arg15[%mul3A_2, %dma_wait3A_29] : memref<25088x48xf32, #tpu.memory_space<vmem_shared>> -> memref<1568x48xf32, #tpu.memory_space<vmem_shared>>
      tpu.wait_dma2 semaphore(%run_scoped3A : memref<!tpu.dma_semaphore, #tpu.memory_space<semaphore_mem>>) src(%dma_wait3A_30 : memref<1568x48xf32, #tpu.memory_space<vmem_shared>>) dst(%dma_wait3A_28 : memref<1568x48xf32, #tpu.memory_space<hbm>>)
      tpu.yield
    }) : () -> ()
    return
  }
}

module attributes {stable_mosaic.version = 14 : i64} {
  func.func @_tc1_body(%arg0: i32, %arg1: memref<400x1433xf32, #tpu.memory_space<vmem>>, %arg2: memref<1433x64xf32, #tpu.memory_space<vmem>>, %arg3: memref<64x8xf32, #tpu.memory_space<vmem>>, %arg4: memref<64x8xf32, #tpu.memory_space<vmem>>, %arg5: memref<8x64xf32, #tpu.memory_space<vmem>>, %arg6: memref<400x48xf32, #tpu.memory_space<vmem>>, %arg7: memref<400x48xf32, #tpu.memory_space<vmem>>, %arg8: memref<400x16xf32, #tpu.memory_space<vmem>>, %arg9: memref<400x16xf32, #tpu.memory_space<vmem>>, %arg10: memref<400x48xf32, #tpu.memory_space<vmem>>, %arg11: memref<400x48xf32, #tpu.memory_space<vmem>>) attributes {dimension_semantics = [#tpu.dimension_semantics<arbitrary>], iteration_bounds = array<i64: 125>, scalar_prefetch = 0 : i64, scratch_operands = 0 : i64, tpu.core_type = #tpu.core_type<tc>, window_params = [{transform_indices = @transform_0, window_bounds = array<i64: 400, 1433>}, {pipeline_mode = #tpu.pipeline_mode<synchronous>, transform_indices = @transform_1, window_bounds = array<i64: 1433, 64>}, {pipeline_mode = #tpu.pipeline_mode<synchronous>, transform_indices = @transform_2, window_bounds = array<i64: 64, 8>}, {pipeline_mode = #tpu.pipeline_mode<synchronous>, transform_indices = @transform_3, window_bounds = array<i64: 64, 8>}, {pipeline_mode = #tpu.pipeline_mode<synchronous>, transform_indices = @transform_4, window_bounds = array<i64: 8, 64>}, {transform_indices = @transform_5, window_bounds = array<i64: 400, 48>}, {transform_indices = @transform_6, window_bounds = array<i64: 400, 48>}, {transform_indices = @transform_7, window_bounds = array<i64: 400, 16>}, {transform_indices = @transform_8, window_bounds = array<i64: 400, 16>}, {transform_indices = @transform_9, window_bounds = array<i64: 400, 48>}, {transform_indices = @transform_10, window_bounds = array<i64: 400, 48>}]} {
    %get3A = arith.constant 0 : index
    %get3A_0 = arith.constant 0 : index
    %get3A_1 = vector.load %arg1[%get3A, %get3A_0] : memref<400x1433xf32, #tpu.memory_space<vmem>>, vector<400x1433xf32>
    %get3A_2 = arith.constant 0 : index
    %get3A_3 = arith.constant 0 : index
    %get3A_4 = vector.load %arg2[%get3A_2, %get3A_3] : memref<1433x64xf32, #tpu.memory_space<vmem>>, vector<1433x64xf32>
    %dot_general3A = arith.constant dense<0.000000e+00> : vector<400x64xf32>
    %dot_general3A_5 = tpu.matmul %get3A_1, %get3A_4, %dot_general3A {dimension_numbers = #tpu.dot_dimension_numbers<[1], [0], [0], [1], [0, 0, 1, 1], [], []>, transpose_lhs_hint = false} : vector<400x1433xf32>, vector<1433x64xf32>, vector<400x64xf32> -> vector<400x64xf32>
    %get3A_6 = arith.constant 0 : index
    %get3A_7 = arith.constant 0 : index
    %get3A_8 = vector.load %arg3[%get3A_6, %get3A_7] : memref<64x8xf32, #tpu.memory_space<vmem>>, vector<64x8xf32>
    %dot_general3A_9 = arith.constant dense<0.000000e+00> : vector<400x8xf32>
    %dot_general3A_10 = tpu.matmul %dot_general3A_5, %get3A_8, %dot_general3A_9 {dimension_numbers = #tpu.dot_dimension_numbers<[1], [0], [0], [1], [0, 0, 1, 1], [], []>, transpose_lhs_hint = false} : vector<400x64xf32>, vector<64x8xf32>, vector<400x8xf32> -> vector<400x8xf32>
    %get3A_11 = arith.constant 0 : index
    %get3A_12 = arith.constant 0 : index
    %get3A_13 = vector.load %arg4[%get3A_11, %get3A_12] : memref<64x8xf32, #tpu.memory_space<vmem>>, vector<64x8xf32>
    %dot_general3A_14 = arith.constant dense<0.000000e+00> : vector<400x8xf32>
    %dot_general3A_15 = tpu.matmul %dot_general3A_5, %get3A_13, %dot_general3A_14 {dimension_numbers = #tpu.dot_dimension_numbers<[1], [0], [0], [1], [0, 0, 1, 1], [], []>, transpose_lhs_hint = false} : vector<400x64xf32>, vector<64x8xf32>, vector<400x8xf32> -> vector<400x8xf32>
    %add3A = arith.addf %dot_general3A_10, %dot_general3A_15 : vector<400x8xf32>
    %gt3A = arith.constant 0.000000e+00 : f32
    %gt3A_16 = vector.broadcast %gt3A : f32 to vector<400x8xf32>
    %gt3A_17 = arith.cmpf ogt, %add3A, %gt3A_16 : vector<400x8xf32>
    %mul3A = arith.constant 2.000000e-01 : f32
    %mul3A_18 = vector.broadcast %mul3A : f32 to vector<400x8xf32>
    %mul3A_19 = arith.mulf %mul3A_18, %add3A : vector<400x8xf32>
    %select_n3A = arith.select %gt3A_17, %add3A, %mul3A_19 : vector<400x8xi1>, vector<400x8xf32>
    %exp3A = math.exp %select_n3A : vector<400x8xf32>
    %get3A_20 = arith.constant 0 : index
    %get3A_21 = arith.constant 0 : index
    %get3A_22 = vector.load %arg5[%get3A_20, %get3A_21] : memref<8x64xf32, #tpu.memory_space<vmem>>, vector<8x64xf32>
    %dot_general3A_23 = arith.constant dense<0.000000e+00> : vector<400x64xf32>
    %dot_general3A_24 = tpu.matmul %exp3A, %get3A_22, %dot_general3A_23 {dimension_numbers = #tpu.dot_dimension_numbers<[1], [0], [0], [1], [0, 0, 1, 1], [], []>, transpose_lhs_hint = false} : vector<400x8xf32>, vector<8x64xf32>, vector<400x64xf32> -> vector<400x64xf32>
    %broadcast_in_dim3A = arith.constant 0.000000e+00 : f32
    %broadcast_in_dim3A_25 = vector.broadcast %broadcast_in_dim3A : f32 to vector<400x12xf32>
    %slice3A = vector.extract_strided_slice %dot_general3A_5 {offsets = [0, 0], sizes = [400, 32], strides = [1, 1]} : vector<400x64xf32> to vector<400x32xf32>
    %slice3A_26 = vector.extract_strided_slice %dot_general3A_10 {offsets = [0, 0], sizes = [400, 4], strides = [1, 1]} : vector<400x8xf32> to vector<400x4xf32>
    %concatenate3A = tpu.concatenate %slice3A, %slice3A_26, %broadcast_in_dim3A_25 in 1 : vector<400x32xf32>, vector<400x4xf32>, vector<400x12xf32> -> vector<400x48xf32>
    %swap3A = arith.constant 0 : index
    %swap3A_27 = arith.constant 0 : index
    %swap3A_28 = vector.load %arg6[%swap3A, %swap3A_27] : memref<400x48xf32, #tpu.memory_space<vmem>>, vector<400x48xf32>
    tpu.vector_store %arg6[%swap3A, %swap3A_27], %concatenate3A {strides = array<i32>} : memref<400x48xf32, #tpu.memory_space<vmem>>, vector<400x48xf32>,
    %slice3A_29 = vector.extract_strided_slice %dot_general3A_15 {offsets = [0, 0], sizes = [400, 4], strides = [1, 1]} : vector<400x8xf32> to vector<400x4xf32>
    %concatenate3A_30 = tpu.concatenate %slice3A_29, %broadcast_in_dim3A_25 in 1 : vector<400x4xf32>, vector<400x12xf32> -> vector<400x16xf32>
    %swap3A_31 = arith.constant 0 : index
    %swap3A_32 = arith.constant 0 : index
    %swap3A_33 = vector.load %arg8[%swap3A_31, %swap3A_32] : memref<400x16xf32, #tpu.memory_space<vmem>>, vector<400x16xf32>
    tpu.vector_store %arg8[%swap3A_31, %swap3A_32], %concatenate3A_30 {strides = array<i32>} : memref<400x16xf32, #tpu.memory_space<vmem>>, vector<400x16xf32>,
    %slice3A_34 = vector.extract_strided_slice %dot_general3A_24 {offsets = [0, 0], sizes = [400, 32], strides = [1, 1]} : vector<400x64xf32> to vector<400x32xf32>
    %mul3A_35 = arith.mulf %slice3A, %slice3A_34 : vector<400x32xf32>
    %slice3A_36 = vector.extract_strided_slice %exp3A {offsets = [0, 0], sizes = [400, 4], strides = [1, 1]} : vector<400x8xf32> to vector<400x4xf32>
    %concatenate3A_37 = tpu.concatenate %mul3A_35, %slice3A_36, %broadcast_in_dim3A_25 in 1 : vector<400x32xf32>, vector<400x4xf32>, vector<400x12xf32> -> vector<400x48xf32>
    %swap3A_38 = arith.constant 0 : index
    %swap3A_39 = arith.constant 0 : index
    %swap3A_40 = vector.load %arg10[%swap3A_38, %swap3A_39] : memref<400x48xf32, #tpu.memory_space<vmem>>, vector<400x48xf32>
    tpu.vector_store %arg10[%swap3A_38, %swap3A_39], %concatenate3A_37 {strides = array<i32>} : memref<400x48xf32, #tpu.memory_space<vmem>>, vector<400x48xf32>,
    %slice3A_41 = vector.extract_strided_slice %dot_general3A_5 {offsets = [0, 32], sizes = [400, 32], strides = [1, 1]} : vector<400x64xf32> to vector<400x32xf32>
    %slice3A_42 = vector.extract_strided_slice %dot_general3A_10 {offsets = [0, 4], sizes = [400, 4], strides = [1, 1]} : vector<400x8xf32> to vector<400x4xf32>
    %concatenate3A_43 = tpu.concatenate %slice3A_41, %slice3A_42, %broadcast_in_dim3A_25 in 1 : vector<400x32xf32>, vector<400x4xf32>, vector<400x12xf32> -> vector<400x48xf32>
    %swap3A_44 = arith.constant 0 : index
    %swap3A_45 = arith.constant 0 : index
    %swap3A_46 = vector.load %arg7[%swap3A_44, %swap3A_45] : memref<400x48xf32, #tpu.memory_space<vmem>>, vector<400x48xf32>
    tpu.vector_store %arg7[%swap3A_44, %swap3A_45], %concatenate3A_43 {strides = array<i32>} : memref<400x48xf32, #tpu.memory_space<vmem>>, vector<400x48xf32>,
    %slice3A_47 = vector.extract_strided_slice %dot_general3A_15 {offsets = [0, 4], sizes = [400, 4], strides = [1, 1]} : vector<400x8xf32> to vector<400x4xf32>
    %concatenate3A_48 = tpu.concatenate %slice3A_47, %broadcast_in_dim3A_25 in 1 : vector<400x4xf32>, vector<400x12xf32> -> vector<400x16xf32>
    %swap3A_49 = arith.constant 0 : index
    %swap3A_50 = arith.constant 0 : index
    %swap3A_51 = vector.load %arg9[%swap3A_49, %swap3A_50] : memref<400x16xf32, #tpu.memory_space<vmem>>, vector<400x16xf32>
    tpu.vector_store %arg9[%swap3A_49, %swap3A_50], %concatenate3A_48 {strides = array<i32>} : memref<400x16xf32, #tpu.memory_space<vmem>>, vector<400x16xf32>,
    %slice3A_52 = vector.extract_strided_slice %dot_general3A_24 {offsets = [0, 32], sizes = [400, 32], strides = [1, 1]} : vector<400x64xf32> to vector<400x32xf32>
    %mul3A_53 = arith.mulf %slice3A_41, %slice3A_52 : vector<400x32xf32>
    %slice3A_54 = vector.extract_strided_slice %exp3A {offsets = [0, 4], sizes = [400, 4], strides = [1, 1]} : vector<400x8xf32> to vector<400x4xf32>
    %concatenate3A_55 = tpu.concatenate %mul3A_53, %slice3A_54, %broadcast_in_dim3A_25 in 1 : vector<400x32xf32>, vector<400x4xf32>, vector<400x12xf32> -> vector<400x48xf32>
    %swap3A_56 = arith.constant 0 : index
    %swap3A_57 = arith.constant 0 : index
    %swap3A_58 = vector.load %arg11[%swap3A_56, %swap3A_57] : memref<400x48xf32, #tpu.memory_space<vmem>>, vector<400x48xf32>
    tpu.vector_store %arg11[%swap3A_56, %swap3A_57], %concatenate3A_55 {strides = array<i32>} : memref<400x48xf32, #tpu.memory_space<vmem>>, vector<400x48xf32>,
    return
  }
  func.func @transform_0(%arg0: i32) -> (i32, i32) {
    %c0_i32 = arith.constant 0 : i32
    %c0_i32_0 = arith.constant 0 : i32
    return %arg0, %c0_i32 : i32, i32
  }
  func.func @transform_1(%arg0: i32) -> (i32, i32) {
    %c0_i32 = arith.constant 0 : i32
    %c0_i32_0 = arith.constant 0 : i32
    %c0_i32_1 = arith.constant 0 : i32
    return %c0_i32, %c0_i32_0 : i32, i32
  }
  func.func @transform_2(%arg0: i32) -> (i32, i32) {
    %c0_i32 = arith.constant 0 : i32
    %c0_i32_0 = arith.constant 0 : i32
    %c0_i32_1 = arith.constant 0 : i32
    return %c0_i32, %c0_i32_0 : i32, i32
  }
  func.func @transform_3(%arg0: i32) -> (i32, i32) {
    %c0_i32 = arith.constant 0 : i32
    %c0_i32_0 = arith.constant 0 : i32
    %c0_i32_1 = arith.constant 0 : i32
    return %c0_i32, %c0_i32_0 : i32, i32
  }
  func.func @transform_4(%arg0: i32) -> (i32, i32) {
    %c0_i32 = arith.constant 0 : i32
    %c0_i32_0 = arith.constant 0 : i32
    %c0_i32_1 = arith.constant 0 : i32
    return %c0_i32, %c0_i32_0 : i32, i32
  }
  func.func @transform_5(%arg0: i32) -> (i32, i32) {
    %c0_i32 = arith.constant 0 : i32
    %c0_i32_0 = arith.constant 0 : i32
    return %arg0, %c0_i32 : i32, i32
  }
  func.func @transform_6(%arg0: i32) -> (i32, i32) {
    %c0_i32 = arith.constant 0 : i32
    %c0_i32_0 = arith.constant 0 : i32
    return %arg0, %c0_i32 : i32, i32
  }
  func.func @transform_7(%arg0: i32) -> (i32, i32) {
    %c0_i32 = arith.constant 0 : i32
    %c0_i32_0 = arith.constant 0 : i32
    return %arg0, %c0_i32 : i32, i32
  }
  func.func @transform_8(%arg0: i32) -> (i32, i32) {
    %c0_i32 = arith.constant 0 : i32
    %c0_i32_0 = arith.constant 0 : i32
    return %arg0, %c0_i32 : i32, i32
  }
  func.func @transform_9(%arg0: i32) -> (i32, i32) {
    %c0_i32 = arith.constant 0 : i32
    %c0_i32_0 = arith.constant 0 : i32
    return %arg0, %c0_i32 : i32, i32
  }
  func.func @transform_10(%arg0: i32) -> (i32, i32) {
    %c0_i32 = arith.constant 0 : i32
    %c0_i32_0 = arith.constant 0 : i32
    return %arg0, %c0_i32 : i32, i32
  }
}

module attributes {stable_mosaic.version = 14 : i64} {
  func.func @_tc2_body(%arg0: i32, %arg1: memref<400x48xf32, #tpu.memory_space<vmem>>, %arg2: memref<400x48xf32, #tpu.memory_space<vmem>>, %arg3: memref<8x64xf32, #tpu.memory_space<vmem>>, %arg4: memref<1x64xf32, #tpu.memory_space<vmem>>, %arg5: memref<64x7xf32, #tpu.memory_space<vmem>>, %arg6: memref<7x1xf32, #tpu.memory_space<vmem>>, %arg7: memref<7x1xf32, #tpu.memory_space<vmem>>, %arg8: memref<400x16xf32, #tpu.memory_space<vmem>>, %arg9: memref<400x16xf32, #tpu.memory_space<vmem>>, %arg10: memref<400x16xf32, #tpu.memory_space<vmem>>) attributes {dimension_semantics = [#tpu.dimension_semantics<arbitrary>], iteration_bounds = array<i64: 125>, scalar_prefetch = 0 : i64, scratch_operands = 0 : i64, tpu.core_type = #tpu.core_type<tc>, window_params = [{transform_indices = @transform_0, window_bounds = array<i64: 400, 48>}, {transform_indices = @transform_1, window_bounds = array<i64: 400, 48>}, {pipeline_mode = #tpu.pipeline_mode<synchronous>, transform_indices = @transform_2, window_bounds = array<i64: 8, 64>}, {pipeline_mode = #tpu.pipeline_mode<synchronous>, transform_indices = @transform_3, window_bounds = array<i64: 1, 64>}, {pipeline_mode = #tpu.pipeline_mode<synchronous>, transform_indices = @transform_4, window_bounds = array<i64: 64, 7>}, {pipeline_mode = #tpu.pipeline_mode<synchronous>, transform_indices = @transform_5, window_bounds = array<i64: 7, 1>}, {pipeline_mode = #tpu.pipeline_mode<synchronous>, transform_indices = @transform_6, window_bounds = array<i64: 7, 1>}, {transform_indices = @transform_7, window_bounds = array<i64: 400, 16>}, {transform_indices = @transform_8, window_bounds = array<i64: 400, 16>}, {transform_indices = @transform_9, window_bounds = array<i64: 400, 16>}]} {
    %get3A = arith.constant 0 : index
    %get3A_0 = arith.constant 0 : index
    %get3A_1 = vector.load %arg1[%get3A, %get3A_0] : memref<400x48xf32, #tpu.memory_space<vmem>>, vector<400x48xf32>
    %get3A_2 = arith.constant 0 : index
    %get3A_3 = arith.constant 0 : index
    %get3A_4 = vector.load %arg2[%get3A_2, %get3A_3] : memref<400x48xf32, #tpu.memory_space<vmem>>, vector<400x48xf32>
    %slice3A = vector.extract_strided_slice %get3A_1 {offsets = [0, 0], sizes = [400, 32], strides = [1, 1]} : vector<400x48xf32> to vector<400x32xf32>
    %slice3A_5 = vector.extract_strided_slice %get3A_4 {offsets = [0, 0], sizes = [400, 32], strides = [1, 1]} : vector<400x48xf32> to vector<400x32xf32>
    %concatenate3A = tpu.concatenate %slice3A, %slice3A_5 in 1 : vector<400x32xf32>, vector<400x32xf32> -> vector<400x64xf32>
    %slice3A_6 = vector.extract_strided_slice %get3A_1 {offsets = [0, 32], sizes = [400, 4], strides = [1, 1]} : vector<400x48xf32> to vector<400x4xf32>
    %slice3A_7 = vector.extract_strided_slice %get3A_4 {offsets = [0, 32], sizes = [400, 4], strides = [1, 1]} : vector<400x48xf32> to vector<400x4xf32>
    %concatenate3A_8 = tpu.concatenate %slice3A_6, %slice3A_7 in 1 : vector<400x4xf32>, vector<400x4xf32> -> vector<400x8xf32>
    %get3A_9 = arith.constant 0 : index
    %get3A_10 = arith.constant 0 : index
    %get3A_11 = vector.load %arg3[%get3A_9, %get3A_10] : memref<8x64xf32, #tpu.memory_space<vmem>>, vector<8x64xf32>
    %dot_general3A = arith.constant dense<0.000000e+00> : vector<400x64xf32>
    %dot_general3A_12 = tpu.matmul %concatenate3A_8, %get3A_11, %dot_general3A {dimension_numbers = #tpu.dot_dimension_numbers<[1], [0], [0], [1], [0, 0, 1, 1], [], []>, transpose_lhs_hint = false} : vector<400x8xf32>, vector<8x64xf32>, vector<400x64xf32> -> vector<400x64xf32>
    %add3A = arith.constant 1.000000e-16 : f32
    %add3A_13 = vector.broadcast %add3A : f32 to vector<400x64xf32>
    %add3A_14 = arith.addf %dot_general3A_12, %add3A_13 : vector<400x64xf32>
    %div3A = arith.divf %concatenate3A, %add3A_14 : vector<400x64xf32>
    %get3A_15 = arith.constant 0 : index
    %get3A_16 = arith.constant 0 : index
    %get3A_17 = vector.load %arg4[%get3A_15, %get3A_16] : memref<1x64xf32, #tpu.memory_space<vmem>>, vector<1x64xf32>
    %add3A_18 = vector.broadcast %get3A_17 : vector<1x64xf32> to vector<400x64xf32>
    %add3A_19 = arith.addf %div3A, %add3A_18 : vector<400x64xf32>
    %gt3A = arith.constant 0.000000e+00 : f32
    %gt3A_20 = vector.broadcast %gt3A : f32 to vector<400x64xf32>
    %gt3A_21 = arith.cmpf ogt, %add3A_19, %gt3A_20 : vector<400x64xf32>
    %exp3A = math.exp %add3A_19 : vector<400x64xf32>
    %sub3A = arith.constant 1.000000e+00 : f32
    %sub3A_22 = vector.broadcast %sub3A : f32 to vector<400x64xf32>
    %sub3A_23 = arith.subf %exp3A, %sub3A_22 : vector<400x64xf32>
    %select_n3A = arith.select %gt3A_21, %add3A_19, %sub3A_23 : vector<400x64xi1>, vector<400x64xf32>
    %get3A_24 = arith.constant 0 : index
    %get3A_25 = arith.constant 0 : index
    %get3A_26 = vector.load %arg5[%get3A_24, %get3A_25] : memref<64x7xf32, #tpu.memory_space<vmem>>, vector<64x7xf32>
    %dot_general3A_27 = arith.constant dense<0.000000e+00> : vector<400x7xf32>
    %dot_general3A_28 = tpu.matmul %select_n3A, %get3A_26, %dot_general3A_27 {dimension_numbers = #tpu.dot_dimension_numbers<[1], [0], [0], [1], [0, 0, 1, 1], [], []>, transpose_lhs_hint = false} : vector<400x64xf32>, vector<64x7xf32>, vector<400x7xf32> -> vector<400x7xf32>
    %get3A_29 = arith.constant 0 : index
    %get3A_30 = arith.constant 0 : index
    %get3A_31 = vector.load %arg6[%get3A_29, %get3A_30] : memref<7x1xf32, #tpu.memory_space<vmem>>, vector<7x1xf32>
    %dot_general3A_32 = arith.constant dense<0.000000e+00> : vector<400x1xf32>
    %dot_general3A_33 = tpu.matmul %dot_general3A_28, %get3A_31, %dot_general3A_32 {dimension_numbers = #tpu.dot_dimension_numbers<[1], [0], [0], [1], [0, 0, 1, 1], [], []>, transpose_lhs_hint = false} : vector<400x7xf32>, vector<7x1xf32>, vector<400x1xf32> -> vector<400x1xf32>
    %get3A_34 = arith.constant 0 : index
    %get3A_35 = arith.constant 0 : index
    %get3A_36 = vector.load %arg7[%get3A_34, %get3A_35] : memref<7x1xf32, #tpu.memory_space<vmem>>, vector<7x1xf32>
    %dot_general3A_37 = arith.constant dense<0.000000e+00> : vector<400x1xf32>
    %dot_general3A_38 = tpu.matmul %dot_general3A_28, %get3A_36, %dot_general3A_37 {dimension_numbers = #tpu.dot_dimension_numbers<[1], [0], [0], [1], [0, 0, 1, 1], [], []>, transpose_lhs_hint = false} : vector<400x7xf32>, vector<7x1xf32>, vector<400x1xf32> -> vector<400x1xf32>
    %add3A_39 = arith.addf %dot_general3A_33, %dot_general3A_38 : vector<400x1xf32>
    %gt3A_40 = arith.constant 0.000000e+00 : f32
    %gt3A_41 = vector.broadcast %gt3A_40 : f32 to vector<400x1xf32>
    %gt3A_42 = arith.cmpf ogt, %add3A_39, %gt3A_41 : vector<400x1xf32>
    %mul3A = arith.constant 2.000000e-01 : f32
    %mul3A_43 = vector.broadcast %mul3A : f32 to vector<400x1xf32>
    %mul3A_44 = arith.mulf %mul3A_43, %add3A_39 : vector<400x1xf32>
    %select_n3A_45 = arith.select %gt3A_42, %add3A_39, %mul3A_44 : vector<400x1xi1>, vector<400x1xf32>
    %exp3A_46 = math.exp %select_n3A_45 : vector<400x1xf32>
    %broadcast_in_dim3A = arith.constant 0.000000e+00 : f32
    %broadcast_in_dim3A_47 = vector.broadcast %broadcast_in_dim3A : f32 to vector<400x8xf32>
    %concatenate3A_48 = tpu.concatenate %dot_general3A_28, %dot_general3A_33, %broadcast_in_dim3A_47 in 1 : vector<400x7xf32>, vector<400x1xf32>, vector<400x8xf32> -> vector<400x16xf32>
    %swap3A = arith.constant 0 : index
    %swap3A_49 = arith.constant 0 : index
    %swap3A_50 = vector.load %arg8[%swap3A, %swap3A_49] : memref<400x16xf32, #tpu.memory_space<vmem>>, vector<400x16xf32>
    tpu.vector_store %arg8[%swap3A, %swap3A_49], %concatenate3A_48 {strides = array<i32>} : memref<400x16xf32, #tpu.memory_space<vmem>>, vector<400x16xf32>,
    %broadcast_in_dim3A_51 = vector.shape_cast %dot_general3A_38 : vector<400x1xf32> to vector<400x1xf32>
    %broadcast_in_dim3A_52 = vector.broadcast %broadcast_in_dim3A_51 : vector<400x1xf32> to vector<400x16xf32>
    %swap3A_53 = arith.constant 0 : index
    %swap3A_54 = arith.constant 0 : index
    %swap3A_55 = vector.load %arg9[%swap3A_53, %swap3A_54] : memref<400x16xf32, #tpu.memory_space<vmem>>, vector<400x16xf32>
    tpu.vector_store %arg9[%swap3A_53, %swap3A_54], %broadcast_in_dim3A_52 {strides = array<i32>} : memref<400x16xf32, #tpu.memory_space<vmem>>, vector<400x16xf32>,
    %mul3A_56 = vector.broadcast %exp3A_46 : vector<400x1xf32> to vector<400x7xf32>
    %mul3A_57 = arith.mulf %dot_general3A_28, %mul3A_56 : vector<400x7xf32>
    %concatenate3A_58 = tpu.concatenate %mul3A_57, %exp3A_46, %broadcast_in_dim3A_47 in 1 : vector<400x7xf32>, vector<400x1xf32>, vector<400x8xf32> -> vector<400x16xf32>
    %swap3A_59 = arith.constant 0 : index
    %swap3A_60 = arith.constant 0 : index
    %swap3A_61 = vector.load %arg10[%swap3A_59, %swap3A_60] : memref<400x16xf32, #tpu.memory_space<vmem>>, vector<400x16xf32>
    tpu.vector_store %arg10[%swap3A_59, %swap3A_60], %concatenate3A_58 {strides = array<i32>} : memref<400x16xf32, #tpu.memory_space<vmem>>, vector<400x16xf32>,
    return
  }
  func.func @transform_0(%arg0: i32) -> (i32, i32) {
    %c0_i32 = arith.constant 0 : i32
    %c0_i32_0 = arith.constant 0 : i32
    return %arg0, %c0_i32 : i32, i32
  }
  func.func @transform_1(%arg0: i32) -> (i32, i32) {
    %c0_i32 = arith.constant 0 : i32
    %c0_i32_0 = arith.constant 0 : i32
    return %arg0, %c0_i32 : i32, i32
  }
  func.func @transform_2(%arg0: i32) -> (i32, i32) {
    %c0_i32 = arith.constant 0 : i32
    %c0_i32_0 = arith.constant 0 : i32
    %c0_i32_1 = arith.constant 0 : i32
    return %c0_i32, %c0_i32_0 : i32, i32
  }
  func.func @transform_3(%arg0: i32) -> (i32, i32) {
    %c0_i32 = arith.constant 0 : i32
    %c0_i32_0 = arith.constant 0 : i32
    %c0_i32_1 = arith.constant 0 : i32
    return %c0_i32, %c0_i32_0 : i32, i32
  }
  func.func @transform_4(%arg0: i32) -> (i32, i32) {
    %c0_i32 = arith.constant 0 : i32
    %c0_i32_0 = arith.constant 0 : i32
    %c0_i32_1 = arith.constant 0 : i32
    return %c0_i32, %c0_i32_0 : i32, i32
  }
  func.func @transform_5(%arg0: i32) -> (i32, i32) {
    %c0_i32 = arith.constant 0 : i32
    %c0_i32_0 = arith.constant 0 : i32
    %c0_i32_1 = arith.constant 0 : i32
    return %c0_i32, %c0_i32_0 : i32, i32
  }
  func.func @transform_6(%arg0: i32) -> (i32, i32) {
    %c0_i32 = arith.constant 0 : i32
    %c0_i32_0 = arith.constant 0 : i32
    %c0_i32_1 = arith.constant 0 : i32
    return %c0_i32, %c0_i32_0 : i32, i32
  }
  func.func @transform_7(%arg0: i32) -> (i32, i32) {
    %c0_i32 = arith.constant 0 : i32
    %c0_i32_0 = arith.constant 0 : i32
    return %arg0, %c0_i32 : i32, i32
  }
  func.func @transform_8(%arg0: i32) -> (i32, i32) {
    %c0_i32 = arith.constant 0 : i32
    %c0_i32_0 = arith.constant 0 : i32
    return %arg0, %c0_i32 : i32, i32
  }
  func.func @transform_9(%arg0: i32) -> (i32, i32) {
    %c0_i32 = arith.constant 0 : i32
    %c0_i32_0 = arith.constant 0 : i32
    return %arg0, %c0_i32 : i32, i32
  }
}

module attributes {stable_mosaic.version = 14 : i64} {
  func.func @_tc3_body(%arg0: i32, %arg1: memref<400x16xf32, #tpu.memory_space<vmem>>, %arg2: memref<1x7xf32, #tpu.memory_space<vmem>>, %arg3: memref<400x16xf32, #tpu.memory_space<vmem>>) attributes {dimension_semantics = [#tpu.dimension_semantics<arbitrary>], iteration_bounds = array<i64: 125>, scalar_prefetch = 0 : i64, scratch_operands = 0 : i64, tpu.core_type = #tpu.core_type<tc>, window_params = [{transform_indices = @transform_0, window_bounds = array<i64: 400, 16>}, {pipeline_mode = #tpu.pipeline_mode<synchronous>, transform_indices = @transform_1, window_bounds = array<i64: 1, 7>}, {transform_indices = @transform_2, window_bounds = array<i64: 400, 16>}]} {
    %get3A = arith.constant 0 : index
    %get3A_0 = arith.constant 0 : index
    %get3A_1 = vector.load %arg1[%get3A, %get3A_0] : memref<400x16xf32, #tpu.memory_space<vmem>>, vector<400x16xf32>
    %slice3A = vector.extract_strided_slice %get3A_1 {offsets = [0, 0], sizes = [400, 7], strides = [1, 1]} : vector<400x16xf32> to vector<400x7xf32>
    %slice3A_2 = vector.extract_strided_slice %get3A_1 {offsets = [0, 7], sizes = [400, 1], strides = [1, 1]} : vector<400x16xf32> to vector<400x1xf32>
    %add3A = arith.constant 1.000000e-16 : f32
    %add3A_3 = vector.broadcast %add3A : f32 to vector<400x1xf32>
    %add3A_4 = arith.addf %slice3A_2, %add3A_3 : vector<400x1xf32>
    %div3A = vector.broadcast %add3A_4 : vector<400x1xf32> to vector<400x7xf32>
    %div3A_5 = arith.divf %slice3A, %div3A : vector<400x7xf32>
    %get3A_6 = arith.constant 0 : index
    %get3A_7 = arith.constant 0 : index
    %get3A_8 = vector.load %arg2[%get3A_6, %get3A_7] : memref<1x7xf32, #tpu.memory_space<vmem>>, vector<1x7xf32>
    %add3A_9 = vector.broadcast %get3A_8 : vector<1x7xf32> to vector<400x7xf32>
    %add3A_10 = arith.addf %div3A_5, %add3A_9 : vector<400x7xf32>
    %reduce_max3A = arith.constant dense<0xFF800000> : vector<400xf32>
    %reduce_max3A_11 = vector.multi_reduction <maximumf>, %add3A_10, %reduce_max3A [1] : vector<400x7xf32> to vector<400xf32>
    %broadcast_in_dim3A = vector.shape_cast %reduce_max3A_11 : vector<400xf32> to vector<400x1xf32>
    %sub3A = vector.broadcast %broadcast_in_dim3A : vector<400x1xf32> to vector<400x7xf32>
    %sub3A_12 = arith.subf %add3A_10, %sub3A : vector<400x7xf32>
    %exp3A = math.exp %sub3A_12 : vector<400x7xf32>
    %reduce_sum3A = arith.constant dense<0.000000e+00> : vector<400xf32>
    %reduce_sum3A_13 = vector.multi_reduction <add>, %exp3A, %reduce_sum3A [1] : vector<400x7xf32> to vector<400xf32>
    %broadcast_in_dim3A_14 = vector.shape_cast %reduce_sum3A_13 : vector<400xf32> to vector<400x1xf32>
    %sub3A_15 = vector.broadcast %broadcast_in_dim3A : vector<400x1xf32> to vector<400x7xf32>
    %sub3A_16 = arith.subf %add3A_10, %sub3A_15 : vector<400x7xf32>
    %log3A = math.log %broadcast_in_dim3A_14 : vector<400x1xf32>
    %sub3A_17 = vector.broadcast %log3A : vector<400x1xf32> to vector<400x7xf32>
    %sub3A_18 = arith.subf %sub3A_16, %sub3A_17 : vector<400x7xf32>
    %broadcast_in_dim3A_19 = arith.constant 0.000000e+00 : f32
    %broadcast_in_dim3A_20 = vector.broadcast %broadcast_in_dim3A_19 : f32 to vector<400x9xf32>
    %concatenate3A = tpu.concatenate %sub3A_18, %broadcast_in_dim3A_20 in 1 : vector<400x7xf32>, vector<400x9xf32> -> vector<400x16xf32>
    %swap3A = arith.constant 0 : index
    %swap3A_21 = arith.constant 0 : index
    %swap3A_22 = vector.load %arg3[%swap3A, %swap3A_21] : memref<400x16xf32, #tpu.memory_space<vmem>>, vector<400x16xf32>
    tpu.vector_store %arg3[%swap3A, %swap3A_21], %concatenate3A {strides = array<i32>} : memref<400x16xf32, #tpu.memory_space<vmem>>, vector<400x16xf32>,
    return
  }
  func.func @transform_0(%arg0: i32) -> (i32, i32) {
    %c0_i32 = arith.constant 0 : i32
    %c0_i32_0 = arith.constant 0 : i32
    return %arg0, %c0_i32 : i32, i32
  }
  func.func @transform_1(%arg0: i32) -> (i32, i32) {
    %c0_i32 = arith.constant 0 : i32
    %c0_i32_0 = arith.constant 0 : i32
    %c0_i32_1 = arith.constant 0 : i32
    return %c0_i32, %c0_i32_0 : i32, i32
  }
  func.func @transform_2(%arg0: i32) -> (i32, i32) {
    %c0_i32 = arith.constant 0 : i32
    %c0_i32_0 = arith.constant 0 : i32
    return %arg0, %c0_i32 : i32, i32
  }
}

</mosaic_0001>

<sc_bundles>
// kernel: kernel.11.cloned.1.call-start
scs
__scs_entry_jumppad:
0x0: {  	(pc) =	sbr.rel $0x88, $3  }
0x1: {  	(tag) =	ssettag $0x0;
	lr =	simm.s32 $0x1  }
0x2: {  	[smem:$0x3F97] =	sst lr;
	_ =	strace $0xD0000000  }
0x3: {  	_ = 	snop  }
0x4: {  	_ = 	snop  }
0x5: {  	_ = 	snop  }
0x6: {  	_ = 	snop  }
0x7: {  	_ = 	snop  }
__scs_overlays_trampoline_lowered:
0x8: {  	[smem:$0x3FA6] =	sst s0  }
0x9: {  	[smem:$0x3FA7] =	sst s1  }
0xa: {  	[smem:$0x3FA8] =	sst s2  }
0xb: {  	[smem:$0x3FA9] =	sst s3  }
0xc: {  	[smem:$0x3FAA] =	sst s4  }
0xd: {  	[smem:$0x3FAB] =	sst s5  }
0xe: {  	[smem:$0x3FAC] =	sst s6  }
0xf: {  	[smem:$0x3FAD] =	sst s7  }
0x10: {  	[smem:$0x3FAE] =	sst s8  }
0x11: {  	[smem:$0x3FAF] =	sst s9;
	s0 =	simm.s32 @!p0 $0x0  }
0x12: {  	s1 =	sld [smem:$0x3F95];
	s0 =	simm.s32 @p0 $0x1  }
0x13: {  	[smem:$0x3FB0] =	sst s0;
	s0 =	simm.s32 @!p1 $0x0  }
0x14: {  	s2 =	sld [smem:$0x3F94];
	s0 =	simm.s32 @p1 $0x1  }
0x15: {  	[smem:$0x3FB1] =	sst s0;
	s0 =	simm.s32 @!p2 $0x0  }
0x16: {  	s3 =	sld [smem:$0x3FDB];
	s0 =	simm.s32 @p2 $0x1  }
0x17: {  	s4 =	simm.s32 $0x1BF5;
	[smem:$0x3FB3] =	sst s0  }
0x18: {  	s0 =	sld [smem:$0x3F96];
	_ =	swait.ge [sflag:s4], $0x0  }
0x19: {  	s7 =	sld [smem:$0x3F97]  }
0x1a: {  	s8 =	sadd.s32 $0xFFFFE003, lr  }
0x1b: {  	s9 =	sadd.s32 $0xFFFFFEF7, lr;
	s5 =	simm.s32 $0xFFFFFFFF;
	p2 =	slt.u32 s8, $0xFFFFF086  }
0x1c: {  	p1 =	slt.u32 s9, $0xF7A;
	s5 =	simm.s32 @!p2 $0x0  }
0x1d: {  	s5 =	simm.s32 @p1 $0x1;
	p0 =	seq.s32 s7, s2  }
0x1e: {  	s7 =	smul.u32 @!p0 $0xF7A, s2;
	p2 =	seq.s32 @!p0 s5, $0x0  }
0x1f: {  	s9 =	smul.u32 $0xF7A, s1;
	s8 =	simm.s32 @!p0 $0x1BF5;
	p2 =	por !p2, p0  }
0x20: {  	[sflag:s8] =	ssyncset.s32 @!p0 $0xFFFFF086;
	s6 =	sadd.s32 @!p0 s3, s7;
	s7 =	simm.s32 @!p0 $0x108  }
0x21: {  	s3 =	sadd.s32 s3, s9;
	s6 =	sadd.s32 @!p0 $0x88, s6;
	s7 =	simm.s32 @p2 $0x1082  }
0x22: {  	[simem:s7], [sflag:s8] =	dma.local @!p0 [hbm:s6], $0xF7A  }
0x23: {  	s9 =	sor.u32 $0xD0000000, s2;
	s6 =	simm.s32 $0x108;
	_ =	swait.ge @!p0 [sflag:s8], $0x0  }
0x24: {  	s3 =	sadd.s32 $0x88, s3;
	s6 =	simm.s32 @!p1 $0x1082;
	[sflag:s4] =	ssyncset.s32 $0xFFFFF086  }
0x25: {  	[simem:s6], [sflag:s4] =	dma.local [hbm:s3], $0xF7A  }
0x26: {  	[smem:$0x3F97] =	sst s1;
	(tag) =	ssettag s2;
	_ =	strace s9  }
0x27: {  	s1 =	sld [smem:$0x3FA7]  }
0x28: {  	s2 =	sld [smem:$0x3FA8]  }
0x29: {  	s4 =	sld [smem:$0x3FAA]  }
0x2a: {  	p0 =	seq.s32 s5, $0x0;
	s5 =	sld [smem:$0x3FAB]  }
0x2b: {  	s6 =	sld [smem:$0x3FAC]  }
0x2c: {  	s7 =	sld [smem:$0x3FAD]  }
0x2d: {  	s3 =	simm.s32 $0x108;
	s8 =	sld [smem:$0x3FAE]  }
0x2e: {  	s3 =	simm.s32 @!p0 $0x1082;
	s9 =	sld [smem:$0x3FAF]  }
0x2f: {  	lr =	sadd.s32 s0, s3;
	s0 =	sld [smem:$0x3FA6]  }
0x30: {  	s3 =	sld [smem:$0x3FA9]  }
0x31: {  	[smem:$0x3FB2] =	sst s10  }
0x32: {  	s10 =	sld [smem:$0x3FB0];
	_ =	sdelay $0x3  }
0x33: {  	p0 =	seq.s32 s10, $0x1;
	s10 =	sld [smem:$0x3FB2];
	_ =	sdelay $0x3  }
0x34: {  	[smem:$0x3FB2] =	sst s10  }
0x35: {  	s10 =	sld [smem:$0x3FB1];
	_ =	sdelay $0x3  }
0x36: {  	p1 =	seq.s32 s10, $0x1;
	s10 =	sld [smem:$0x3FB2];
	_ =	sdelay $0x3  }
0x37: {  	[smem:$0x3FB2] =	sst s10  }
0x38: {  	s10 =	sld [smem:$0x3FB3]  }
0x39: {  	_ = 	snop;
	(pc) =	sbr.ind lr, $3  }
0x3a: {  	_ = 	snop  }
0x3b: {  	_ = 	snop  }
0x3c: {  	p2 =	seq.s32 s10, $0x1;
	s10 =	sld [smem:$0x3FB2]  }
0x3d: {  	_ =	shalt  }
0x3e: {  	_ =	shalt  }
0x3f: {  	_ =	shalt  }
0x40: {  	_ =	shalt  }
0x41: {  	_ =	shalt  }
0x42: {  	_ =	shalt  }
0x43: {  	_ =	shalt  }
0x44: {  	_ =	shalt  }
0x45: {  	_ =	shalt  }
0x46: {  	_ =	shalt  }
0x47: {  	_ =	shalt  }
0x48: {  	_ =	shalt  }
0x49: {  	_ =	shalt  }
0x4a: {  	_ =	shalt  }
0x4b: {  	_ =	shalt  }
0x4c: {  	_ =	shalt  }
0x4d: {  	_ =	shalt  }
0x4e: {  	_ =	shalt  }
0x4f: {  	_ =	shalt  }
0x50: {  	_ =	shalt  }
0x51: {  	_ =	shalt  }
0x52: {  	_ =	shalt  }
0x53: {  	_ =	shalt  }
0x54: {  	_ =	shalt  }
0x55: {  	_ =	shalt  }
0x56: {  	_ =	shalt  }
0x57: {  	_ =	shalt  }
0x58: {  	_ =	shalt  }
0x59: {  	_ =	shalt  }
0x5a: {  	_ =	shalt  }
0x5b: {  	_ =	shalt  }
0x5c: {  	_ =	shalt  }
0x5d: {  	_ =	shalt  }
0x5e: {  	_ =	shalt  }
0x5f: {  	_ =	shalt  }
0x60: {  	_ =	shalt  }
0x61: {  	_ =	shalt  }
0x62: {  	_ =	shalt  }
0x63: {  	_ =	shalt  }
0x64: {  	_ =	shalt  }
0x65: {  	_ =	shalt  }
0x66: {  	_ =	shalt  }
0x67: {  	_ =	shalt  }
0x68: {  	_ =	shalt  }
0x69: {  	_ =	shalt  }
0x6a: {  	_ =	shalt  }
0x6b: {  	_ =	shalt  }
0x6c: {  	_ =	shalt  }
0x6d: {  	_ =	shalt  }
0x6e: {  	_ =	shalt  }
0x6f: {  	_ =	shalt  }
0x70: {  	_ =	shalt  }
0x71: {  	_ =	shalt  }
0x72: {  	_ =	shalt  }
0x73: {  	_ =	shalt  }
0x74: {  	_ =	shalt  }
0x75: {  	_ =	shalt  }
0x76: {  	_ =	shalt  }
0x77: {  	_ =	shalt  }
0x78: {  	_ =	shalt  }
0x79: {  	_ =	shalt  }
0x7a: {  	_ =	shalt  }
0x7b: {  	_ =	shalt  }
0x7c: {  	_ =	shalt  }
0x7d: {  	_ =	shalt  }
0x7e: {  	_ =	shalt  }
0x7f: {  	_ =	shalt  }
0x80: {  	_ =	shalt  }
0x81: {  	_ =	shalt  }
0x82: {  	_ =	shalt  }
0x83: {  	_ =	shalt  }
0x84: {  	_ =	shalt  }
0x85: {  	_ =	shalt  }
0x86: {  	_ =	shalt  }
0x87: {  	_ =	shalt  }
.Lfunc_end0:
.L_simem_size_0:
called_computation.1_lowered:
.L_overlay_start_0:
0x88: {  	s2 =	sld [smem:$0x3FD9]  }
0x89: {  	s3 =	sld [smem:$0x3FFE];
	_ =	sdelay $0x1  }
0x8a: {  	s1 =	srdreg.scid  }
0x8b: {  	s0 =	sand.u32 $0x1, s1  }
0x8c: {  	s16 =	sshll.u32 s0, $0xA;
	s2 =	sadd.s32 s3, s2  }
0x8d: {  	s2 =	sadd.s32 s2, s16  }
0x8e: {  	[smem:$0x3FBE] =	sst s2  }
0x8f: {  	_ = 	snop  }
0x90: {  	(tm) =	ssettm $0x1  }
0x91: {  	s17 =	sld [smem:$0x3FFB];
	_ =	sdelay $0x3  }
0x92: {  	_ =	strace s17  }
0x93: {  	s2 =	sld [smem:$0x3FFC];
	_ =	sdelay $0x3  }
0x94: {  	_ =	strace s2  }
0x95: {  	s2 =	sld [smem:$0x3FFD];
	_ =	sdelay $0x3  }
0x96: {  	_ =	strace s2  }
0x97: {  	_ =	strace $0x8FFFFFFF  }
0x98: {  	s18 =	sld [smem:$0x3FDB];
	_ =	sdelay $0x1  }
0x99: {  	s19 =	simm.s32 $_scs_section_size  }
0x9a: {  	s4 =	simm.s32 $_size__tile_overlayer_lowered;
	s5 =	simm.s32 $_tile_overlayer_lowered  }
0x9b: {  	s22 =	simm.s32 $0x1BFF;
	s21 =	sshll.u32 s5, $0x1;
	s2 =	sadd.s32 s19, s18  }
0x9c: {  	s6 =	simm.s32 $0x0;
	s20 =	sshll.u32 s4, $0x1;
	s4 =	sadd.s32 s21, s2  }
0x9d: {  	[timem:s6], [sflag:s22] =	dma.local [hbm:s4], s20  }
0x9e: {  	_ =	swait.ge [sflag:s22], s20  }
0x9f: {  	s3 =	ssub.s32 $0x0, s20;
	[sflag:s22] =	ssyncset.done $0x0  }
0xa0: {  	[sflag:s22] =	ssyncadd.s32 s3;
	_ =	sdelay $0x1  }
0xa1: {  	s23 =	simm.s32 $0x1B8B  }
0xa2: {  	_ =	swait.ge [sflag:s23], $0x1  }
0xa3: {  	[sflag:s23] =	ssyncset.done $0x0  }
0xa4: {  	s25 =	simm.s32 $0x1B8E;
	s24 =	sld [smem:$0x3FFE];
	[sflag:s23] =	ssyncadd.s32 $0xFFFFFFFF  }
0xa5: {  	s26 =	simm.s32 $execute0_lowered;
	[smem:$0x3FD2] =	sst s25  }
0xa6: {  	s4 =	sshll.u32 s26, $0x1;
	_ =	strace $0x80000046;
	[dreg:$0x1] =	wrdreg $0xFFFFFFFF  }
0xa7: {  	s28 =	simm.s32 $_size_execute0_lowered;
	s2 =	sadd.s32 s2, s4;
	[dreg:$0x0] =	wrdreg $0x0  }
0xa8: {  	s4 =	sshll.u32 s28, $0x1;
	[dreg:$0x2] =	wrdreg s2  }
0xa9: {  	[dreg:$0x3] =	wrdreg s4  }
0xaa: {  	[dreg:$0x4] =	wrdreg $0xC0  }
0xab: {  	_ =	task [dreg:s6], $0x5FFFF  }
0xac: {  	[dreg:$0x1] =	wrdreg $0xFFFFFFFF  }
0xad: {  	[dreg:$0x0] =	wrdreg $0x60  }
0xae: {  	[dreg:$0x2] =	wrdreg s24  }
0xaf: {  	[dreg:$0x3] =	wrdreg $0x86000  }
0xb0: {  	[dreg:$0x4] =	wrdreg $0xA  }
0xb1: {  	_ =	task.clear_ibuf [dreg:s6], $0x5FFFF;
	_ =	strace $0x90000046  }
0xb2: {  	s29 =	simm.s32 $0xA;
	_ =	strace $0x80000048  }
0xb3: {  	_ =	swait.ge [sflag:s29], $0x1  }
0xb4: {  	[sflag:s29] =	ssyncadd.s32 $0xFFFFFFFF  }
0xb5: {  	_ =	strace $0x90000048  }
0xb6: {  	_ =	sfence  }
0xb7: {  	s30 =	sld [smem:$0x0];
	_ =	sdelay $0x2  }
0xb8: {  	s31 =	sshll.u32 s1, $0xD;
	s1 =	sshrl.u32 s1, $0x2  }
0xb9: {  	s3 =	sand.u32 $0x4000, s31;
	s1 =	sadd.s32 s1, s30  }
0xba: {  	s0 =	sor.u32 s3, s0;
	s1 =	sshll.u32 s1, $0x11  }
0xbb: {  	s0 =	sor.u32 s1, s0  }
0xbc: {  	s0 =	sadd.s32 $0x8F2B, s0  }
0xbd: {  	[sflag:s0] =	ssyncadd.remote.s32 $0x1  }
0xbe: {  	_ =	sfence.sel $0xFFFF  }
0xbf: {  	[dreg:$0x0] =	wrdreg $0xFFFFFFFF;
	(pc) =	sbr.abs _section_cstart, $3  }
0xc0: {  	[dreg:$0x1] =	wrdreg $0xFFFFFFFF  }
0xc1: {  	_ =	task.clear_ibuf [dreg:s6], $0x2FFFF;
	_ =	strace $0x9FFFFFFF  }
0xc2: {  	(tm) =	ssettm $0x7FFFFFFF  }
0xc3: {  	_ =	shalt  }
tec
execute0_lowered:
.L_overlay_start_1:
0x0: {  	(tag) =	ssettag $0x1  }
0x1: {  	s0 =	srdreg.scid  }
0x2: {  	s1 =	rddreg [dreg:$0x0];
	s12 =	stileid.u32  }
0x3: {  	s2 =	rddreg [dreg:$0x1];
	s13 =	simm.s32 $0x0;
	s14 =	simm.s32 $0x3  }
0x4: {  	s15 =	simm.s32 $0x200;
	s16 =	simm.s32 $0x80;
	s17 =	simm.s32 $0x600  }
0x5: {  	s18 =	simm.s32 $0x6600;
	s19 =	simm.s32 $0x1E00;
	s28 =	simm.s32 $0x4E00  }
0x6: {  	s29 =	simm.s32 $0x380;
	s30 =	simm.s32 $0x7E00;
	s5 =	smul.u32 $0x620, s12  }
0x7: {  	s31 =	simm.s32 $0x1;
	s0 =	sand.u32 $0x1, s0;
	s10 =	smul.u32 $0x49800, s12  }
0x8: {  	[smem:$0x7FF] =	sst s13;
	s25 =	sshll.u32 s12, $0x6;
	s3 =	smul.u32 $0x61A8, s0  }
0x9: {  	s6 =	smul.u32 $0x6200, s0;
	_ =	strace $0x80000047;
	s0 =	ssub.s32 $0x2, s0  }
0xa: {  	s23 =	sshrl.u32 s0, $0x1;
	s24 =	sshrl.u32 s10, $0x2;
	s10 =	sor.u32 $0x1C03, s25  }
0xb: {  	s4 =	sadd.s32 s5, s3;
	s6 =	sadd.s32 s5, s6;
	s5 =	sadd.s32 $0x95C00, s1  }
0xc: {  	s0 =	ssub.s32 s0, s23;
	s11 =	sadd.s32 s24, s2;
	s26 =	sadd.s32 $0x61A8, s3  }
0xd: {  	s23 =	simm.s32 $0x3600;
	[dreg:$0x5] =	wrdreg s10;
	s7 =	smul.u32 $0x6, s4  }
0xe: {  	s4 =	sadd.s32 $0x4C800, s1;
	s9 =	smul.u32 $0x6, s6;
	s6 =	sadd.s32 $0xC6C00, s1  }
0xf: {  	s0 =	smax.u32 s0, $0x1;
	s20 =	sshrl.u32 s11, $0x3;
	v2 =	vmov s26;
	s26 =	simm.s32 $0x180  }
0x10: {  	v1 =	vlaneseq.u32;
	s11 =	simm.s32 $0x500;
	[dreg:$0x7] =	wrdreg s0;
	s0 =	simm.s32 $0x400  }
0x11: {  	vm0 =	vmxor vm0, vm0;
	v9 =	vimm.f32 $0.0e+00;
	vm1 =	vcmask $0xF00;
	[dreg:$0x8] =	wrdreg s20;
	s8 =	sadd.s32 s7, s1;
	s7 =	sadd.s32 $0xAE400, s1  }
0x12: {  	v3 =	vand.u32 $0x3, v1;
	v4 =	vshrl.u32 v1, $0x2;
	v6 =	vshrl.u32 v1, $0x3;
	s1 =	sadd.s32 s9, s1;
	s9 =	sshll.u32 s12, $0x9;
	s8 =	sadd.s32 $0x3200, s8  }
0x13: {  	v8 =	vor.u32 $0x10, v1;
	v9 =	vsel vm1, $0x3F800000, v9;
	v10 =	vor.u32 $0x20, v1;
	s12 =	simm.s32 $0x580;
	s1 =	sadd.s32 $0xDF400, s1;
	[dreg:$0x4] =	wrdreg s8  }
0x14: {  	v5 =	vor.u32 $0x20, v3;
	v7 =	vor.u32 $0x2, v6;
	v0 =	vmov s3;
	[dreg:$0x6] =	wrdreg s1;
	s1 =	simm.s32 $0x2;
	s8 =	simm.s32 $0x480  }
.LBB2_1:
0x15: {  	[dreg:$0x3] =	wrdreg s13  }
0x16: {  	s3 =	rddreg [dreg:$0x4]  }
0x17: {  	[spmem:s20], [sflag:s10] =	dma.local [hbm:s3], $0x24C0  }
0x18: {  	_ =	swait.ge [sflag:s14], $0x24C0  }
0x19: {  	[sflag:s14] =	ssyncset.done $0x0  }
0x1a: {  	[sflag:s14] =	ssyncadd.s32 $0xFFFFDB40  }
0x1b: {  	s13 =	simm.s32 $0x0;
	s10 =	smov.u32 s9;
	[bflag:$0x0] =	sbarrier.arrive $0xFFFF  }
.LBB2_2:
0x1c: {  	s3 =	sshll.u32 s13, $0xD  }
0x1d: {  	s3 =	sor.u32 s9, s3  }
0x1e: {  	s20 =	sshrl.u32 s3, $0x3  }
0x1f: {  	s3 =	simm.s32 $0x0;
	s21 =	sadd.s32 s6, s20  }
0x20: {  	[tilespmem:s3], [sflag:$0x3] =	stream.linear.gather [hbm4b:s21+s3], $0x200, $0x38;
	[tilespmem:$0x1AC00] =	vst v63  }
0x21: {  	_ =	swait.ge [sflag:s14], $0x200  }
0x22: {  	[sflag:s14] =	ssyncset.done $0x0  }
0x23: {  	s20 =	sadd.s32 s7, s20;
	[sflag:s14] =	ssyncadd.s32 $0xFFFFFE00  }
0x24: {  	[tilespmem:s15], [sflag:$0x3] =	stream.linear.gather [hbm4b:s20+s3], $0x200, $0x38;
	[tilespmem:$0x1AC00] =	vst v63  }
0x25: {  	_ =	swait.ge [sflag:s14], $0x200  }
0x26: {  	[sflag:s14] =	ssyncset.done $0x0  }
0x27: {  	[sflag:s14] =	ssyncadd.s32 $0xFFFFFE00  }
0x28: {  	[tilespmem:s17], [sflag:$0x1] =	stream.indirect.gather [hbm4b:s4+s16], $0x30, s3, s16, $0xb8;
	[tilespmem:$0x1AC00] =	vst v63  }
0x29: {  	_ = 	snop  }
0x2a: {  	[tilespmem:s18], [sflag:$0x2] =	stream.indirect.gather [hbm4b:s5+s16], $0x10, s15, s16, $0xb8;
	[tilespmem:$0x1AC00] =	vst v63  }
0x2b: {  	_ = 	snop  }
0x2c: {  	[tilespmem:s19], [sflag:$0x1] =	stream.indirect.gather [hbm4b:s4+s16], $0x30, s16, s16, $0xb8;
	[tilespmem:$0x1AC00] =	vst v63  }
0x2d: {  	s22 =	simm.s32 $0x280;
	s24 =	simm.s32 $0x6E00  }
0x2e: {  	[tilespmem:s24], [sflag:$0x2] =	stream.indirect.gather [hbm4b:s5+s16], $0x10, s22, s16, $0xb8;
	[tilespmem:$0x1AC00] =	vst v63  }
0x2f: {  	s25 =	simm.s32 $0x100  }
0x30: {  	[tilespmem:s23], [sflag:$0x1] =	stream.indirect.gather [hbm4b:s4+s16], $0x30, s25, s16, $0xb8;
	[tilespmem:$0x1AC00] =	vst v63  }
0x31: {  	s21 =	simm.s32 $0x300;
	s22 =	simm.s32 $0x7600  }
0x32: {  	[tilespmem:s22], [sflag:$0x2] =	stream.indirect.gather [hbm4b:s5+s16], $0x10, s21, s16, $0xb8;
	[tilespmem:$0x1AC00] =	vst v63  }
0x33: {  	_ = 	snop  }
0x34: {  	[tilespmem:s28], [sflag:$0x1] =	stream.indirect.gather [hbm4b:s4+s16], $0x30, s26, s16, $0xb8;
	[tilespmem:$0x1AC00] =	vst v63  }
0x35: {  	_ = 	snop  }
0x36: {  	[tilespmem:s30], [sflag:$0x2] =	stream.indirect.gather [hbm4b:s5+s16], $0x10, s29, s16, $0xb8;
	[tilespmem:$0x1AC00] =	vst v63  }
0x37: {  	_ =	swait.ge [sflag:s31], $0x1800  }
0x38: {  	[sflag:s31] =	ssyncset.done $0x0  }
0x39: {  	[sflag:s31] =	ssyncadd.s32 $0xFFFFE800  }
0x3a: {  	_ =	swait.ge [sflag:s1], $0x800  }
0x3b: {  	[sflag:s1] =	ssyncset.done $0x0  }
0x3c: {  	[sflag:s1] =	ssyncadd.s32 $0xFFFFF800  }
0x3d: {  	_ =	swait.ge [sflag:s31], $0x1800  }
0x3e: {  	[sflag:s31] =	ssyncset.done $0x0  }
0x3f: {  	[sflag:s31] =	ssyncadd.s32 $0xFFFFE800  }
0x40: {  	_ =	swait.ge [sflag:s1], $0x800  }
0x41: {  	[sflag:s1] =	ssyncset.done $0x0  }
0x42: {  	[sflag:s1] =	ssyncadd.s32 $0xFFFFF800  }
0x43: {  	_ =	swait.ge [sflag:s31], $0x1800  }
0x44: {  	[sflag:s31] =	ssyncset.done $0x0  }
0x45: {  	[sflag:s31] =	ssyncadd.s32 $0xFFFFE800  }
0x46: {  	_ =	swait.ge [sflag:s1], $0x800  }
0x47: {  	[sflag:s1] =	ssyncset.done $0x0  }
0x48: {  	[sflag:s1] =	ssyncadd.s32 $0xFFFFF800  }
0x49: {  	_ =	swait.ge [sflag:s31], $0x1800  }
0x4a: {  	v11 =	vor.u32 s3, v1;
	[sflag:s31] =	ssyncset.done $0x0  }
0x4b: {  	[sflag:s31] =	ssyncadd.s32 $0xFFFFE800  }
0x4c: {  	_ =	swait.ge [sflag:s1], $0x800  }
0x4d: {  	[sflag:s1] =	ssyncset.done $0x0  }
0x4e: {  	[sflag:s1] =	ssyncadd.s32 $0xFFFFF800  }
0x4f: {  	v11 =	vld.idx.msk [tilespmem:v11+s15+$0x0], $0xffff  }
0x50: {  	s24 =	simm.s32 $0x0  }
0x51: {  	s20 =	sand.u32 $0xFFFFFF80, s24;
	s25 =	sand.u32 $0x70, s3  }
0x52: {  	s20 =	sor.u32 s25, s20  }
0x53: {  	s22 =	sadd.s32 $0x0, s10;
	v12 =	vor.u32 s20, v1;
	s20 =	simm.s32 $0x10  }
0x54: {  	s21 =	simm.s32 $0x1;
	v13 =	vor.u32 s20, v1;
	p1 =	slt.u32 s22, $0xC3500;
	s22 =	simm.s32 $0x2;
	vm1 =	vge.s32 v11, v0;
	vm2 =	vlt.s32 v11, v2  }
.LBB2_3:
0x55: {  	vm1 =	vmand vm1, vm2;
	vm2 =	vmmov vm0  }
0x56: {  	p0 =	sne.s32 s22, $0x1F;
	vm2 =	vmneg @p1 vm2  }
0x57: {  	v11 =	vsub.s32 v11, v0;
	vm1 =	vmand vm2, vm1  }
0x58: {  	v11 =	vnsel vm1, $0x61A8, v11  }
0x59: {  	[tilespmem:v12+s0+$0x0] =	vst.idx.msk $0xffff, v11  }
0x5a: {  	v11 =	vld.idx.msk [tilespmem:v13+s15+$0x0], $0xffff;
	_ =	sdelay $0x1  }
.Ltmp0:
0x5b: {  	s24 =	sshll.u32 s21, $0x4;
	s21 =	smov.u32 s22;
	(pc) =	sbr.rel @p0 .LBB2_3-.Ltmp0, $4  }
0x5c: {  	s25 =	sand.u32 $0x70, s20;
	s24 =	sand.u32 $0xFFFFFF80, s24  }
0x5d: {  	s24 =	sor.u32 s25, s24  }
0x5e: {  	s25 =	sadd.s32 s20, s10;
	s20 =	sadd.s32 $0x10, s20;
	v12 =	vor.u32 s24, v1  }
0x5f: {  	s22 =	sadd.s32 $0x1, s22;
	p1 =	slt.u32 s25, $0xC3500;
	v13 =	vor.u32 s20, v1;
	vm1 =	vge.s32 v11, v0;
	vm2 =	vlt.s32 v11, v2  }
0x60: {  	vm3 =	vmmov vm0  }
0x61: {  	vm1 =	vmand vm1, vm2;
	vm3 =	vmneg @p1 vm3  }
0x62: {  	v11 =	vsub.s32 v11, v0;
	vm1 =	vmand vm3, vm1  }
0x63: {  	v11 =	vnsel vm1, $0x61A8, v11  }
0x64: {  	[tilespmem:v12+s0+$0x0] =	vst.idx.msk $0xffff, v11  }
0x65: {  	v12 =	vld.idx.msk [tilespmem:v13+s15+$0x0], $0xffff  }
0x66: {  	s21 =	sshll.u32 s21, $0x4  }
0x67: {  	s22 =	sand.u32 $0x70, s20;
	s21 =	sand.u32 $0xFFFFFF80, s21  }
0x68: {  	s21 =	sor.u32 s22, s21;
	vm3 =	vmmov vm0;
	v11 =	vor.u32 s3, v4  }
0x69: {  	s24 =	sadd.s32 s20, s10;
	v13 =	vor.u32 s21, v1;
	v14 =	vmul.u32 $0x30, v11;
	v11 =	vshll.u32 v11, $0x4  }
0x6a: {  	p0 =	slt.u32 s24, $0xC3500;
	v11 =	vor.u32 v3, v11;
	vm1 =	vge.s32 v12, v0;
	vm2 =	vlt.s32 v12, v2  }
0x6b: {  	vm3 =	vmneg @p0 vm3;
	v14 =	vadd.s32 v5, v14;
	vm1 =	vmand vm1, vm2  }
0x6c: {  	v12 =	vsub.s32 v12, v0;
	vm1 =	vmand vm3, vm1  }
0x6d: {  	v12 =	vnsel vm1, $0x61A8, v12  }
0x6e: {  	[tilespmem:v13+s0+$0x0] =	vst.idx.msk $0xffff, v12  }
0x6f: {  	v12 =	vld.idx.msk [tilespmem:v11+s18+$0x0], $0xffff  }
0x70: {  	v13 =	vld.idx.msk [tilespmem:v14+s17+$0x0], $0xffff;
	_ =	sdelay $0x4  }
0x71: {  	v12 =	vadd.f32 v12, v13;
	_ =	sdelay $0x1  }
0x72: {  	v13 =	vmul.f32 $2.000000030e-01, v12  }
0x73: {  	vm1 =	vgt.f32 v12, $0.0e+00  }
0x74: {  	v12 =	vsel vm1, v12, v13  }
0x75: {  	v12 =	vmul.f32 $1.442695020e+00, v12;
	_ =	sdelay $0x1  }
0x76: {  	(erf) = vpow2.f32 v12;
	_ =	sdelay $0x2  }
0x77: {  	s25 =	simm.s32 $0x4  }
0x78: {  	s3 =	simm.s32 $0x8;
	v12 =	vor.u32 s25, v4  }
.LBB2_5:
0x79: {  	p0 =	sne.s32 s3, $0x1FC;
	v13 =	vmul.u32 $0x30, v12;
	v12 =	vshll.u32 v12, $0x4  }
0x7a: {  	v12 =	vor.u32 v3, v12  }
0x7b: {  	v13 =	vadd.s32 v5, v13;
	_ =	sdelay $0x1  }
0x7c: {  	v14 =	vpop (erf)  }
0x7d: {  	[tilespmem:v11+s18+$0x0] =	vst.idx.msk $0xffff, v14;
	v11 =	vmov v12  }
0x7e: {  	v12 =	vld.idx.msk [tilespmem:v12+s18+$0x0], $0xffff  }
0x7f: {  	v13 =	vld.idx.msk [tilespmem:v13+s17+$0x0], $0xffff;
	_ =	sdelay $0x5  }
0x80: {  	v12 =	vadd.f32 v12, v13;
	_ =	sdelay $0x1  }
0x81: {  	v13 =	vmul.f32 $2.000000030e-01, v12  }
0x82: {  	vm1 =	vgt.f32 v12, $0.0e+00  }
0x83: {  	v12 =	vsel vm1, v12, v13  }
0x84: {  	v12 =	vmul.f32 $1.442695020e+00, v12;
	_ =	sdelay $0x1  }
.Ltmp1:
0x85: {  	(erf) = vpow2.f32 v12;
	(pc) =	sbr.rel @p0 .LBB2_5-.Ltmp1, $2  }
0x86: {  	_ =	sdelay $0x2  }
0x87: {  	v12 =	vor.u32 s3, v4;
	s3 =	sadd.s32 $0x4, s3  }
0x88: {  	v13 =	vmul.u32 $0x30, v12;
	v12 =	vshll.u32 v12, $0x4  }
0x89: {  	v12 =	vor.u32 v3, v12  }
0x8a: {  	v13 =	vadd.s32 v5, v13;
	_ =	sdelay $0x1  }
0x8b: {  	v14 =	vpop (erf)  }
0x8c: {  	[tilespmem:v11+s18+$0x0] =	vst.idx.msk $0xffff, v14  }
0x8d: {  	v11 =	vld.idx.msk [tilespmem:v12+s18+$0x0], $0xffff  }
0x8e: {  	v13 =	vld.idx.msk [tilespmem:v13+s17+$0x0], $0xffff;
	_ =	sdelay $0x4  }
0x8f: {  	v11 =	vadd.f32 v11, v13;
	_ =	sdelay $0x1  }
0x90: {  	v13 =	vmul.f32 $2.000000030e-01, v11  }
0x91: {  	vm1 =	vgt.f32 v11, $0.0e+00  }
0x92: {  	v11 =	vsel vm1, v11, v13  }
0x93: {  	v11 =	vmul.f32 $1.442695020e+00, v11;
	_ =	sdelay $0x1  }
0x94: {  	(erf) = vpow2.f32 v11;
	_ =	sdelay $0x2  }
0x95: {  	s3 =	simm.s32 $0x0  }
0x96: {  	v11 =	vmov s3  }
0x97: {  	v13 =	vshll.u32 v11, $0x4;
	v14 =	vmul.u32 $0x30, v11  }
0x98: {  	v11 =	vor.u32 v6, v13  }
0x99: {  	v15 =	vor.u32 v1, v14;
	_ =	sdelay $0x1  }
0x9a: {  	v16 =	vpop (erf)  }
0x9b: {  	[tilespmem:v12+s18+$0x0] =	vst.idx.msk $0xffff, v16  }
0x9c: {  	v11 =	vld.idx.msk [tilespmem:v11+s18+$0x0], $0xffff  }
0x9d: {  	v12 =	vld.idx.msk [tilespmem:v15+s17+$0x0], $0xffff;
	_ =	sdelay $0x2  }
0x9e: {  	v16 =	vor.u32 v7, v13  }
0x9f: {  	v17 =	vadd.s32 v8, v14  }
0xa0: {  	v11 =	vmul.f32 v12, v11;
	_ =	sdelay $0x1  }
0xa1: {  	[tilespmem:v15+s17+$0x0] =	vst.idx.msk $0xffff, v11  }
0xa2: {  	v11 =	vld.idx.msk [tilespmem:v16+s18+$0x0], $0xffff  }
0xa3: {  	v12 =	vld.idx.msk [tilespmem:v17+s17+$0x0], $0xffff;
	_ =	sdelay $0x2  }
0xa4: {  	v13 =	vor.u32 v3, v13;
	_ =	sdelay $0x1  }
0xa5: {  	v11 =	vmul.f32 v12, v11;
	_ =	sdelay $0x1  }
0xa6: {  	[tilespmem:v17+s17+$0x0] =	vst.idx.msk $0xffff, v11  }
0xa7: {  	s25 =	simm.s32 $0x1;
	v16 =	vld.idx.msk [tilespmem:v13+s18+$0x0], $0xffff  }
0xa8: {  	v12 =	vmov s25  }
0xa9: {  	v14 =	vadd.s32 v10, v14;
	v11 =	vmul.u32 $0x30, v12;
	v12 =	vshll.u32 v12, $0x4  }
0xaa: {  	v15 =	vor.u32 v6, v12  }
0xab: {  	v13 =	vor.u32 v1, v11  }
0xac: {  	s3 =	simm.s32 $0x2;
	v16 =	vmul.f32 v9, v16  }
.LBB2_7:
0xad: {  	p0 =	sne.s32 s3, $0x1FF;
	s20 =	smov.u32 s3;
	s3 =	sadd.s32 $0x1, s3  }
0xae: {  	[tilespmem:v14+s17+$0x0] =	vst.idx.msk $0xffff, v16  }
0xaf: {  	v14 =	vld.idx.msk [tilespmem:v15+s18+$0x0], $0xffff  }
0xb0: {  	v15 =	vld.idx.msk [tilespmem:v13+s17+$0x0], $0xffff;
	_ =	sdelay $0x3  }
0xb1: {  	v17 =	vadd.s32 v8, v11;
	v16 =	vor.u32 v7, v12;
	_ =	sdelay $0x1  }
0xb2: {  	v14 =	vmul.f32 v15, v14;
	_ =	sdelay $0x1  }
0xb3: {  	[tilespmem:v13+s17+$0x0] =	vst.idx.msk $0xffff, v14  }
0xb4: {  	v13 =	vld.idx.msk [tilespmem:v16+s18+$0x0], $0xffff  }
0xb5: {  	v14 =	vld.idx.msk [tilespmem:v17+s17+$0x0], $0xffff;
	_ =	sdelay $0x2  }
0xb6: {  	v12 =	vor.u32 v3, v12;
	_ =	sdelay $0x2  }
0xb7: {  	v13 =	vmul.f32 v14, v13;
	_ =	sdelay $0x1  }
0xb8: {  	[tilespmem:v17+s17+$0x0] =	vst.idx.msk $0xffff, v13  }
0xb9: {  	v16 =	vld.idx.msk [tilespmem:v12+s18+$0x0], $0xffff;
	_ =	sdelay $0x1  }
.Ltmp2:
0xba: {  	v14 =	vadd.s32 v10, v11;
	v13 =	vmov s20;
	(pc) =	sbr.rel @p0 .LBB2_7-.Ltmp2, $4  }
0xbb: {  	v12 =	vshll.u32 v13, $0x4;
	v11 =	vmul.u32 $0x30, v13  }
0xbc: {  	v15 =	vor.u32 v6, v12  }
0xbd: {  	v13 =	vor.u32 v1, v11  }
0xbe: {  	v16 =	vmul.f32 v9, v16  }
0xbf: {  	_ =	sdelay $0x3  }
0xc0: {  	[tilespmem:v14+s17+$0x0] =	vst.idx.msk $0xffff, v16  }
0xc1: {  	v14 =	vld.idx.msk [tilespmem:v15+s18+$0x0], $0xffff  }
0xc2: {  	v61 =	vld.idx.msk [tilespmem:v13+s17+$0x0], $0xffff;
	_ =	sdelay $0x2  }
0xc3: {  	v62 =	vor.u32 v7, v12  }
0xc4: {  	v17 =	vadd.s32 v8, v11  }
0xc5: {  	v14 =	vmul.f32 v61, v14;
	_ =	sdelay $0x1  }
0xc6: {  	[tilespmem:v13+s17+$0x0] =	vst.idx.msk $0xffff, v14  }
0xc7: {  	v13 =	vld.idx.msk [tilespmem:v62+s18+$0x0], $0xffff  }
0xc8: {  	v14 =	vld.idx.msk [tilespmem:v17+s17+$0x0], $0xffff;
	_ =	sdelay $0x2  }
0xc9: {  	v63 =	vor.u32 v3, v12;
	_ =	sdelay $0x1  }
0xca: {  	v13 =	vmul.f32 v14, v13;
	_ =	sdelay $0x1  }
0xcb: {  	[tilespmem:v17+s17+$0x0] =	vst.idx.msk $0xffff, v13  }
0xcc: {  	v12 =	vld.idx.msk [tilespmem:v63+s18+$0x0], $0xffff;
	_ =	sdelay $0x1  }
0xcd: {  	v11 =	vadd.s32 v10, v11;
	_ =	sdelay $0x2  }
0xce: {  	v12 =	vmul.f32 v9, v12;
	_ =	sdelay $0x1  }
0xcf: {  	[tilespmem:v11+s17+$0x0] =	vst.idx.msk $0xffff, v12  }
0xd0: {  	[spmem:s2] =	stream.indirect.scatter.add.f32 [tilespmem:s17], [sflag:$0x3], $0x30, s0, s16, $0xb8;
	[tilespmem:$0x1AC00] =	vst v63  }
0xd1: {  	_ =	swait.ge [sflag:s14], $0x1800  }
0xd2: {  	[sflag:s14] =	ssyncset.done $0x0  }
0xd3: {  	[sflag:s14] =	ssyncadd.s32 $0xFFFFE800  }
0xd4: {  	[spmem:s2] =	stream.indirect.scatter.add.f32 [tilespmem:s19], [sflag:$0x3], $0x30, s8, s16, $0xb8;
	[tilespmem:$0x1AC00] =	vst v63  }
0xd5: {  	_ =	swait.ge [sflag:s14], $0x1800  }
0xd6: {  	[sflag:s14] =	ssyncset.done $0x0  }
0xd7: {  	[sflag:s14] =	ssyncadd.s32 $0xFFFFE800  }
0xd8: {  	[spmem:s2] =	stream.indirect.scatter.add.f32 [tilespmem:s23], [sflag:$0x3], $0x30, s11, s16, $0xb8;
	[tilespmem:$0x1AC00] =	vst v63  }
0xd9: {  	s13 =	sadd.s32 $0x1, s13;
	_ =	swait.ge [sflag:s14], $0x1800  }
0xda: {  	p0 =	sne.s32 s13, $0x62;
	[sflag:s14] =	ssyncset.done $0x0  }
.Ltmp3:
0xdb: {  	[sflag:s14] =	ssyncadd.s32 $0xFFFFE800;
	(pc) =	sbr.rel @p0 .LBB2_2-.Ltmp3, $4  }
0xdc: {  	[spmem:s2] =	stream.indirect.scatter.add.f32 [tilespmem:s28], [sflag:$0x3], $0x30, s12, s16, $0xb8;
	[tilespmem:$0x1AC00] =	vst v63  }
0xdd: {  	_ =	swait.ge [sflag:s14], $0x1800  }
0xde: {  	[sflag:s14] =	ssyncset.done $0x0  }
0xdf: {  	s10 =	sadd.s32 $0x2000, s10;
	[sflag:s14] =	ssyncadd.s32 $0xFFFFE800  }
0xe0: {  	[bflag:$0x0] =	sbarrier.arrive $0xFFFF  }
0xe1: {  	s10 =	rddreg [dreg:$0x5]  }
0xe2: {  	s3 =	rddreg [dreg:$0x6]  }
0xe3: {  	s20 =	rddreg [dreg:$0x8]  }
0xe4: {  	[hbm:s3], [sflag:s10] =	dma.local [spmem:s20], $0x24C0  }
0xe5: {  	_ =	swait.ge [sflag:s14], $0x24C0  }
0xe6: {  	s13 =	rddreg [dreg:$0x3]  }
0xe7: {  	s25 =	rddreg [dreg:$0x7];
	s13 =	sadd.s32 $0x1, s13  }
0xe8: {  	p0 =	sne.s32 s13, s25  }
.Ltmp4:
0xe9: {  	_ = 	snop;
	(pc) =	sbr.rel @p0 .LBB2_1-.Ltmp4, $3  }
0xea: {  	_ =	sdelay $0x1  }
0xeb: {  	[sflag:s14] =	ssyncset.done $0x0  }
0xec: {  	[sflag:s14] =	ssyncadd.s32 $0xFFFFDB40  }
0xed: {  	_ =	sfence.sel $0x180000  }
0xee: {  	[bflag:$0x0] =	sbarrier.arrive $0xFFFF  }
0xef: {  	_ =	strace $0x90000047  }
0xf0: {  	s0 =	stileid.u32;
	[bflag:$0x2] =	sbarrier.arrive $0xFFFF  }
0xf1: {  	p0 =	sne.s32 s0, $0x0;
	s0 =	rddreg [dreg:$0x2]  }
0xf2: {  	s0 =	sadd.s32 @!p0 $0x100000, s0  }
0xf3: {  	[sflag:s0] =	ssyncadd.tile.s32 @!p0 $0x1;
	_ =	shalt  }
.Lfunc_end2:
_tile_overlayer_lowered:
.L_overlay_start_2:
0xf4: {  	(tag) =	ssettag $0x2  }
0xf5: {  	s0 =	rddreg [dreg:$0x0];
	s2 =	stileid.u32  }
0xf6: {  	s1 =	rddreg [dreg:$0x1];
	p0 =	sne.s32 s2, $0x0  }
0xf7: {  	s3 =	rddreg [dreg:$0x2];
	[bflag:$0x3] =	sbarrier.arrive $0xFFFF;
	s2 =	simm.s32 @!p0 $0x1C03  }
0xf8: {  	[timem:s3], [sflag:s2] =	dma.local @!p0 [hbm:s0], s1  }
0xf9: {  	s0 =	simm.s32 @!p0 $0x3  }
0xfa: {  	_ =	swait.ge @!p0 [sflag:s0], s1  }
0xfb: {  	s1 =	ssub.s32 @!p0 $0x0, s1;
	[sflag:s0] =	ssyncset.done @!p0 $0x0  }
0xfc: {  	[sflag:s0] =	ssyncadd.s32 @!p0 s1  }
0xfd: {  	[bflag:$0x3] =	sbarrier.arrive $0xFFFF  }
0xfe: {  	_ =	shalt  }

// kernel: kernel.14.cloned.1.call-start
scs
__scs_entry_jumppad:
0x0: {  	(pc) =	sbr.rel $0x88, $3  }
0x1: {  	(tag) =	ssettag $0x0;
	lr =	simm.s32 $0x1  }
0x2: {  	[smem:$0x3F97] =	sst lr;
	_ =	strace $0xD0000000  }
0x3: {  	_ = 	snop  }
0x4: {  	_ = 	snop  }
0x5: {  	_ = 	snop  }
0x6: {  	_ = 	snop  }
0x7: {  	_ = 	snop  }
__scs_overlays_trampoline_lowered:
0x8: {  	[smem:$0x3FA6] =	sst s0  }
0x9: {  	[smem:$0x3FA7] =	sst s1  }
0xa: {  	[smem:$0x3FA8] =	sst s2  }
0xb: {  	[smem:$0x3FA9] =	sst s3  }
0xc: {  	[smem:$0x3FAA] =	sst s4  }
0xd: {  	[smem:$0x3FAB] =	sst s5  }
0xe: {  	[smem:$0x3FAC] =	sst s6  }
0xf: {  	[smem:$0x3FAD] =	sst s7  }
0x10: {  	[smem:$0x3FAE] =	sst s8  }
0x11: {  	[smem:$0x3FAF] =	sst s9;
	s0 =	simm.s32 @!p0 $0x0  }
0x12: {  	s1 =	sld [smem:$0x3F95];
	s0 =	simm.s32 @p0 $0x1  }
0x13: {  	[smem:$0x3FB0] =	sst s0;
	s0 =	simm.s32 @!p1 $0x0  }
0x14: {  	s2 =	sld [smem:$0x3F94];
	s0 =	simm.s32 @p1 $0x1  }
0x15: {  	[smem:$0x3FB1] =	sst s0;
	s0 =	simm.s32 @!p2 $0x0  }
0x16: {  	s3 =	sld [smem:$0x3FDB];
	s0 =	simm.s32 @p2 $0x1  }
0x17: {  	s4 =	simm.s32 $0x1BF5;
	[smem:$0x3FB3] =	sst s0  }
0x18: {  	s0 =	sld [smem:$0x3F96];
	_ =	swait.ge [sflag:s4], $0x0  }
0x19: {  	s7 =	sld [smem:$0x3F97]  }
0x1a: {  	s8 =	sadd.s32 $0xFFFFE003, lr  }
0x1b: {  	s9 =	sadd.s32 $0xFFFFFEF7, lr;
	s5 =	simm.s32 $0xFFFFFFFF;
	p2 =	slt.u32 s8, $0xFFFFF086  }
0x1c: {  	p1 =	slt.u32 s9, $0xF7A;
	s5 =	simm.s32 @!p2 $0x0  }
0x1d: {  	s5 =	simm.s32 @p1 $0x1;
	p0 =	seq.s32 s7, s2  }
0x1e: {  	s7 =	smul.u32 @!p0 $0xF7A, s2;
	p2 =	seq.s32 @!p0 s5, $0x0  }
0x1f: {  	s9 =	smul.u32 $0xF7A, s1;
	s8 =	simm.s32 @!p0 $0x1BF5;
	p2 =	por !p2, p0  }
0x20: {  	[sflag:s8] =	ssyncset.s32 @!p0 $0xFFFFF086;
	s6 =	sadd.s32 @!p0 s3, s7;
	s7 =	simm.s32 @!p0 $0x108  }
0x21: {  	s3 =	sadd.s32 s3, s9;
	s6 =	sadd.s32 @!p0 $0x88, s6;
	s7 =	simm.s32 @p2 $0x1082  }
0x22: {  	[simem:s7], [sflag:s8] =	dma.local @!p0 [hbm:s6], $0xF7A  }
0x23: {  	s9 =	sor.u32 $0xD0000000, s2;
	s6 =	simm.s32 $0x108;
	_ =	swait.ge @!p0 [sflag:s8], $0x0  }
0x24: {  	s3 =	sadd.s32 $0x88, s3;
	s6 =	simm.s32 @!p1 $0x1082;
	[sflag:s4] =	ssyncset.s32 $0xFFFFF086  }
0x25: {  	[simem:s6], [sflag:s4] =	dma.local [hbm:s3], $0xF7A  }
0x26: {  	[smem:$0x3F97] =	sst s1;
	(tag) =	ssettag s2;
	_ =	strace s9  }
0x27: {  	s1 =	sld [smem:$0x3FA7]  }
0x28: {  	s2 =	sld [smem:$0x3FA8]  }
0x29: {  	s4 =	sld [smem:$0x3FAA]  }
0x2a: {  	p0 =	seq.s32 s5, $0x0;
	s5 =	sld [smem:$0x3FAB]  }
0x2b: {  	s6 =	sld [smem:$0x3FAC]  }
0x2c: {  	s7 =	sld [smem:$0x3FAD]  }
0x2d: {  	s3 =	simm.s32 $0x108;
	s8 =	sld [smem:$0x3FAE]  }
0x2e: {  	s3 =	simm.s32 @!p0 $0x1082;
	s9 =	sld [smem:$0x3FAF]  }
0x2f: {  	lr =	sadd.s32 s0, s3;
	s0 =	sld [smem:$0x3FA6]  }
0x30: {  	s3 =	sld [smem:$0x3FA9]  }
0x31: {  	[smem:$0x3FB2] =	sst s10  }
0x32: {  	s10 =	sld [smem:$0x3FB0];
	_ =	sdelay $0x3  }
0x33: {  	p0 =	seq.s32 s10, $0x1;
	s10 =	sld [smem:$0x3FB2];
	_ =	sdelay $0x3  }
0x34: {  	[smem:$0x3FB2] =	sst s10  }
0x35: {  	s10 =	sld [smem:$0x3FB1];
	_ =	sdelay $0x3  }
0x36: {  	p1 =	seq.s32 s10, $0x1;
	s10 =	sld [smem:$0x3FB2];
	_ =	sdelay $0x3  }
0x37: {  	[smem:$0x3FB2] =	sst s10  }
0x38: {  	s10 =	sld [smem:$0x3FB3]  }
0x39: {  	_ = 	snop;
	(pc) =	sbr.ind lr, $3  }
0x3a: {  	_ = 	snop  }
0x3b: {  	_ = 	snop  }
0x3c: {  	p2 =	seq.s32 s10, $0x1;
	s10 =	sld [smem:$0x3FB2]  }
0x3d: {  	_ =	shalt  }
0x3e: {  	_ =	shalt  }
0x3f: {  	_ =	shalt  }
0x40: {  	_ =	shalt  }
0x41: {  	_ =	shalt  }
0x42: {  	_ =	shalt  }
0x43: {  	_ =	shalt  }
0x44: {  	_ =	shalt  }
0x45: {  	_ =	shalt  }
0x46: {  	_ =	shalt  }
0x47: {  	_ =	shalt  }
0x48: {  	_ =	shalt  }
0x49: {  	_ =	shalt  }
0x4a: {  	_ =	shalt  }
0x4b: {  	_ =	shalt  }
0x4c: {  	_ =	shalt  }
0x4d: {  	_ =	shalt  }
0x4e: {  	_ =	shalt  }
0x4f: {  	_ =	shalt  }
0x50: {  	_ =	shalt  }
0x51: {  	_ =	shalt  }
0x52: {  	_ =	shalt  }
0x53: {  	_ =	shalt  }
0x54: {  	_ =	shalt  }
0x55: {  	_ =	shalt  }
0x56: {  	_ =	shalt  }
0x57: {  	_ =	shalt  }
0x58: {  	_ =	shalt  }
0x59: {  	_ =	shalt  }
0x5a: {  	_ =	shalt  }
0x5b: {  	_ =	shalt  }
0x5c: {  	_ =	shalt  }
0x5d: {  	_ =	shalt  }
0x5e: {  	_ =	shalt  }
0x5f: {  	_ =	shalt  }
0x60: {  	_ =	shalt  }
0x61: {  	_ =	shalt  }
0x62: {  	_ =	shalt  }
0x63: {  	_ =	shalt  }
0x64: {  	_ =	shalt  }
0x65: {  	_ =	shalt  }
0x66: {  	_ =	shalt  }
0x67: {  	_ =	shalt  }
0x68: {  	_ =	shalt  }
0x69: {  	_ =	shalt  }
0x6a: {  	_ =	shalt  }
0x6b: {  	_ =	shalt  }
0x6c: {  	_ =	shalt  }
0x6d: {  	_ =	shalt  }
0x6e: {  	_ =	shalt  }
0x6f: {  	_ =	shalt  }
0x70: {  	_ =	shalt  }
0x71: {  	_ =	shalt  }
0x72: {  	_ =	shalt  }
0x73: {  	_ =	shalt  }
0x74: {  	_ =	shalt  }
0x75: {  	_ =	shalt  }
0x76: {  	_ =	shalt  }
0x77: {  	_ =	shalt  }
0x78: {  	_ =	shalt  }
0x79: {  	_ =	shalt  }
0x7a: {  	_ =	shalt  }
0x7b: {  	_ =	shalt  }
0x7c: {  	_ =	shalt  }
0x7d: {  	_ =	shalt  }
0x7e: {  	_ =	shalt  }
0x7f: {  	_ =	shalt  }
0x80: {  	_ =	shalt  }
0x81: {  	_ =	shalt  }
0x82: {  	_ =	shalt  }
0x83: {  	_ =	shalt  }
0x84: {  	_ =	shalt  }
0x85: {  	_ =	shalt  }
0x86: {  	_ =	shalt  }
0x87: {  	_ =	shalt  }
.Lfunc_end0:
.L_simem_size_0:
called_computation.2_lowered:
.L_overlay_start_0:
0x88: {  	s2 =	sld [smem:$0x3FD9]  }
0x89: {  	s3 =	sld [smem:$0x3FFE];
	_ =	sdelay $0x1  }
0x8a: {  	s1 =	srdreg.scid  }
0x8b: {  	s0 =	sand.u32 $0x1, s1  }
0x8c: {  	s16 =	sshll.u32 s0, $0xA;
	s2 =	sadd.s32 s3, s2  }
0x8d: {  	s2 =	sadd.s32 s2, s16  }
0x8e: {  	[smem:$0x3FBE] =	sst s2  }
0x8f: {  	_ = 	snop  }
0x90: {  	(tm) =	ssettm $0x1  }
0x91: {  	s17 =	sld [smem:$0x3FFB];
	_ =	sdelay $0x3  }
0x92: {  	_ =	strace s17  }
0x93: {  	s2 =	sld [smem:$0x3FFC];
	_ =	sdelay $0x3  }
0x94: {  	_ =	strace s2  }
0x95: {  	s2 =	sld [smem:$0x3FFD];
	_ =	sdelay $0x3  }
0x96: {  	_ =	strace s2  }
0x97: {  	_ =	strace $0x8FFFFFFF  }
0x98: {  	s18 =	sld [smem:$0x3FDB];
	_ =	sdelay $0x1  }
0x99: {  	s19 =	simm.s32 $_scs_section_size  }
0x9a: {  	s4 =	simm.s32 $_size__tile_overlayer_lowered;
	s5 =	simm.s32 $_tile_overlayer_lowered  }
0x9b: {  	s22 =	simm.s32 $0x1BFF;
	s21 =	sshll.u32 s5, $0x1;
	s2 =	sadd.s32 s19, s18  }
0x9c: {  	s6 =	simm.s32 $0x0;
	s20 =	sshll.u32 s4, $0x1;
	s4 =	sadd.s32 s21, s2  }
0x9d: {  	[timem:s6], [sflag:s22] =	dma.local [hbm:s4], s20  }
0x9e: {  	_ =	swait.ge [sflag:s22], s20  }
0x9f: {  	s3 =	ssub.s32 $0x0, s20;
	[sflag:s22] =	ssyncset.done $0x0  }
0xa0: {  	[sflag:s22] =	ssyncadd.s32 s3;
	_ =	sdelay $0x1  }
0xa1: {  	s23 =	simm.s32 $0x1B8B  }
0xa2: {  	_ =	swait.ge [sflag:s23], $0x1  }
0xa3: {  	[sflag:s23] =	ssyncset.done $0x0  }
0xa4: {  	s25 =	simm.s32 $0x1B8E;
	s24 =	sld [smem:$0x3FFE];
	[sflag:s23] =	ssyncadd.s32 $0xFFFFFFFF  }
0xa5: {  	s26 =	simm.s32 $execute0_lowered;
	[smem:$0x3FD2] =	sst s25  }
0xa6: {  	s4 =	sshll.u32 s26, $0x1;
	_ =	strace $0x8000004C;
	[dreg:$0x1] =	wrdreg $0xFFFFFFFF  }
0xa7: {  	s28 =	simm.s32 $_size_execute0_lowered;
	s2 =	sadd.s32 s2, s4;
	[dreg:$0x0] =	wrdreg $0x0  }
0xa8: {  	s4 =	sshll.u32 s28, $0x1;
	[dreg:$0x2] =	wrdreg s2  }
0xa9: {  	[dreg:$0x3] =	wrdreg s4  }
0xaa: {  	[dreg:$0x4] =	wrdreg $0xC0  }
0xab: {  	_ =	task [dreg:s6], $0x5FFFF  }
0xac: {  	[dreg:$0x1] =	wrdreg $0xFFFFFFFF  }
0xad: {  	[dreg:$0x0] =	wrdreg $0x60  }
0xae: {  	[dreg:$0x2] =	wrdreg s24  }
0xaf: {  	[dreg:$0x3] =	wrdreg $0x8C000  }
0xb0: {  	[dreg:$0x4] =	wrdreg $0x9  }
0xb1: {  	_ =	task.clear_ibuf [dreg:s6], $0x5FFFF;
	_ =	strace $0x9000004C  }
0xb2: {  	s29 =	simm.s32 $0x9;
	_ =	strace $0x8000004E  }
0xb3: {  	_ =	swait.ge [sflag:s29], $0x1  }
0xb4: {  	[sflag:s29] =	ssyncadd.s32 $0xFFFFFFFF  }
0xb5: {  	_ =	strace $0x9000004E  }
0xb6: {  	_ =	sfence  }
0xb7: {  	s30 =	sld [smem:$0x0];
	_ =	sdelay $0x2  }
0xb8: {  	s31 =	sshll.u32 s1, $0xD;
	s1 =	sshrl.u32 s1, $0x2  }
0xb9: {  	s3 =	sand.u32 $0x4000, s31;
	s1 =	sadd.s32 s1, s30  }
0xba: {  	s0 =	sor.u32 s3, s0;
	s1 =	sshll.u32 s1, $0x11  }
0xbb: {  	s0 =	sor.u32 s1, s0  }
0xbc: {  	s0 =	sadd.s32 $0x8F2B, s0  }
0xbd: {  	[sflag:s0] =	ssyncadd.remote.s32 $0x1  }
0xbe: {  	_ =	sfence.sel $0xFFFF  }
0xbf: {  	[dreg:$0x0] =	wrdreg $0xFFFFFFFF;
	(pc) =	sbr.abs _section_cstart, $3  }
0xc0: {  	[dreg:$0x1] =	wrdreg $0xFFFFFFFF  }
0xc1: {  	_ =	task.clear_ibuf [dreg:s6], $0x2FFFF;
	_ =	strace $0x9FFFFFFF  }
0xc2: {  	(tm) =	ssettm $0x7FFFFFFF  }
0xc3: {  	_ =	shalt  }
tec
execute0_lowered:
.L_overlay_start_1:
0x0: {  	(tag) =	ssettag $0x1  }
0x1: {  	s0 =	rddreg [dreg:$0x0];
	s1 =	srdreg.scid  }
0x2: {  	s2 =	rddreg [dreg:$0x1];
	s12 =	stileid.u32  }
0x3: {  	s13 =	simm.s32 $0x0;
	s14 =	simm.s32 $0x3;
	s15 =	simm.s32 $0x400  }
0x4: {  	s16 =	simm.s32 $0x80;
	s17 =	simm.s32 $0xC00;
	s18 =	simm.s32 $0x4C00  }
0x5: {  	s19 =	simm.s32 $0x1400;
	s23 =	simm.s32 $0x1C00;
	s28 =	simm.s32 $0x2400  }
0x6: {  	s25 =	simm.s32 $0x4400;
	s30 =	simm.s32 $0x1;
	s31 =	simm.s32 $0x2  }
0x7: {  	s29 =	simm.s32 $0x0;
	s1 =	sand.u32 $0x1, s1;
	s7 =	smul.u32 $0x620, s12  }
0x8: {  	[smem:$0x7FF] =	sst s13;
	s4 =	sadd.s32 $0x34000, s0;
	s10 =	smul.u32 $0x18800, s12  }
0x9: {  	s21 =	sshll.u32 s12, $0x6;
	s24 =	sshll.u32 s12, $0xA;
	s3 =	smul.u32 $0x61A8, s1  }
0xa: {  	s12 =	simm.s32 $0x3400;
	s8 =	smul.u32 $0x6200, s1;
	s1 =	ssub.s32 $0x2, s1  }
0xb: {  	_ =	strace $0x8000004D;
	s11 =	sshrl.u32 s1, $0x1;
	s20 =	sshrl.u32 s10, $0x2  }
0xc: {  	s10 =	sor.u32 $0x1C03, s21;
	s21 =	simm.s32 $0xB00;
	s5 =	sadd.s32 s7, s3  }
0xd: {  	s8 =	sadd.s32 s7, s8;
	s7 =	sadd.s32 $0xAE400, s0;
	s1 =	ssub.s32 s1, s11  }
0xe: {  	s22 =	sadd.s32 $0x61A8, s3;
	[dreg:$0x5] =	wrdreg s10;
	s6 =	sshll.u32 s5, $0x1  }
0xf: {  	s5 =	sadd.s32 $0x1B800, s0;
	s8 =	sshll.u32 s8, $0x1;
	s26 =	smax.u32 s1, $0x1  }
0x10: {  	s1 =	simm.s32 $0x800;
	s9 =	sadd.s32 s6, s0;
	s6 =	sadd.s32 $0xC6C00, s0  }
0x11: {  	vm0 =	vcmask $0x1B00;
	s0 =	sadd.s32 s8, s0;
	[dreg:$0x7] =	wrdreg s26;
	s9 =	sadd.s32 $0x3000, s9  }
0x12: {  	v5 =	vimm.f32 $0.0e+00;
	v2 =	vlaneseq.u32;
	vm1 =	vcmask $0x1F1C;
	s8 =	sadd.s32 s20, s2;
	s0 =	sadd.s32 $0x4C800, s0;
	[dreg:$0x4] =	wrdreg s9  }
0x13: {  	v3 =	vsel vm0, $0x3F800000, v5;
	vm0 =	vmxor vm0, vm0;
	v1 =	vmov s22;
	s22 =	simm.s32 $0xB80;
	s8 =	sshrl.u32 s8, $0x3;
	[dreg:$0x6] =	wrdreg s0  }
0x14: {  	v4 =	vmul.u32 $0x10, v2;
	v5 =	vsel vm1, $0x3F800000, v5;
	v0 =	vmov s3;
	s20 =	simm.s32 $0x3C00;
	s0 =	simm.s32 $0x2C00;
	[dreg:$0x8] =	wrdreg s8  }
.LBB2_1:
0x15: {  	[dreg:$0x3] =	wrdreg s13  }
0x16: {  	s3 =	rddreg [dreg:$0x4]  }
0x17: {  	[spmem:s8], [sflag:s10] =	dma.local [hbm:s3], $0xC40  }
0x18: {  	_ =	swait.ge [sflag:s14], $0xC40  }
0x19: {  	[sflag:s14] =	ssyncset.done $0x0  }
0x1a: {  	[sflag:s14] =	ssyncadd.s32 $0xFFFFF3C0  }
0x1b: {  	s26 =	simm.s32 $0x0;
	s10 =	smov.u32 s24;
	[bflag:$0x0] =	sbarrier.arrive $0xFFFF  }
.LBB2_2:
0x1c: {  	s8 =	sshll.u32 s26, $0xE  }
0x1d: {  	s8 =	sor.u32 s24, s8  }
0x1e: {  	s8 =	sshrl.u32 s8, $0x3  }
0x1f: {  	s9 =	sadd.s32 s6, s8  }
0x20: {  	[tilespmem:s29], [sflag:$0x3] =	stream.linear.gather [hbm4b:s9+s29], $0x400, $0x38;
	[tilespmem:$0xEE00] =	vst v63  }
0x21: {  	_ =	swait.ge [sflag:s14], $0x400  }
0x22: {  	[sflag:s14] =	ssyncset.done $0x0  }
0x23: {  	s8 =	sadd.s32 s7, s8;
	[sflag:s14] =	ssyncadd.s32 $0xFFFFFC00  }
0x24: {  	[tilespmem:s15], [sflag:$0x3] =	stream.linear.gather [hbm4b:s8+s29], $0x400, $0x38;
	[tilespmem:$0xEE00] =	vst v63  }
0x25: {  	_ =	swait.ge [sflag:s14], $0x400  }
0x26: {  	[sflag:s14] =	ssyncset.done $0x0  }
0x27: {  	[sflag:s14] =	ssyncadd.s32 $0xFFFFFC00  }
0x28: {  	[tilespmem:s17], [sflag:$0x1] =	stream.indirect.gather [hbm4b:s4+s16], $0x10, s29, s16, $0xb8;
	[tilespmem:$0xEE00] =	vst v63  }
0x29: {  	_ = 	snop  }
0x2a: {  	[tilespmem:s18], [sflag:$0x2] =	stream.indirect.gather [hbm4b:s5+s16], $0x10, s15, s16, $0xb8;
	[tilespmem:$0xEE00] =	vst v63  }
0x2b: {  	_ = 	snop  }
0x2c: {  	[tilespmem:s19], [sflag:$0x1] =	stream.indirect.gather [hbm4b:s4+s16], $0x10, s16, s16, $0xb8;
	[tilespmem:$0xEE00] =	vst v63  }
0x2d: {  	s3 =	simm.s32 $0x480;
	s13 =	simm.s32 $0x5400  }
0x2e: {  	[tilespmem:s13], [sflag:$0x2] =	stream.indirect.gather [hbm4b:s5+s16], $0x10, s3, s16, $0xb8;
	[tilespmem:$0xEE00] =	vst v63  }
0x2f: {  	s9 =	simm.s32 $0x100  }
0x30: {  	[tilespmem:s23], [sflag:$0x1] =	stream.indirect.gather [hbm4b:s4+s16], $0x10, s9, s16, $0xb8;
	[tilespmem:$0xEE00] =	vst v63  }
0x31: {  	s11 =	simm.s32 $0x500;
	s13 =	simm.s32 $0x5C00  }
0x32: {  	[tilespmem:s13], [sflag:$0x2] =	stream.indirect.gather [hbm4b:s5+s16], $0x10, s11, s16, $0xb8;
	[tilespmem:$0xEE00] =	vst v63  }
0x33: {  	s9 =	simm.s32 $0x180  }
0x34: {  	[tilespmem:s28], [sflag:$0x1] =	stream.indirect.gather [hbm4b:s4+s16], $0x10, s9, s16, $0xb8;
	[tilespmem:$0xEE00] =	vst v63  }
0x35: {  	s11 =	simm.s32 $0x580;
	s13 =	simm.s32 $0x6400  }
0x36: {  	[tilespmem:s13], [sflag:$0x2] =	stream.indirect.gather [hbm4b:s5+s16], $0x10, s11, s16, $0xb8;
	[tilespmem:$0xEE00] =	vst v63  }
0x37: {  	s9 =	simm.s32 $0x200  }
0x38: {  	[tilespmem:s0], [sflag:$0x1] =	stream.indirect.gather [hbm4b:s4+s16], $0x10, s9, s16, $0xb8;
	[tilespmem:$0xEE00] =	vst v63  }
0x39: {  	s11 =	simm.s32 $0x600;
	s13 =	simm.s32 $0x6C00  }
0x3a: {  	[tilespmem:s13], [sflag:$0x2] =	stream.indirect.gather [hbm4b:s5+s16], $0x10, s11, s16, $0xb8;
	[tilespmem:$0xEE00] =	vst v63  }
0x3b: {  	s9 =	simm.s32 $0x280  }
0x3c: {  	[tilespmem:s12], [sflag:$0x1] =	stream.indirect.gather [hbm4b:s4+s16], $0x10, s9, s16, $0xb8;
	[tilespmem:$0xEE00] =	vst v63  }
0x3d: {  	s11 =	simm.s32 $0x680;
	s13 =	simm.s32 $0x7400  }
0x3e: {  	[tilespmem:s13], [sflag:$0x2] =	stream.indirect.gather [hbm4b:s5+s16], $0x10, s11, s16, $0xb8;
	[tilespmem:$0xEE00] =	vst v63  }
0x3f: {  	s9 =	simm.s32 $0x300  }
0x40: {  	[tilespmem:s20], [sflag:$0x1] =	stream.indirect.gather [hbm4b:s4+s16], $0x10, s9, s16, $0xb8;
	[tilespmem:$0xEE00] =	vst v63  }
0x41: {  	s11 =	simm.s32 $0x700;
	s13 =	simm.s32 $0x7C00  }
0x42: {  	[tilespmem:s13], [sflag:$0x2] =	stream.indirect.gather [hbm4b:s5+s16], $0x10, s11, s16, $0xb8;
	[tilespmem:$0xEE00] =	vst v63  }
0x43: {  	s9 =	simm.s32 $0x380  }
0x44: {  	[tilespmem:s25], [sflag:$0x1] =	stream.indirect.gather [hbm4b:s4+s16], $0x10, s9, s16, $0xb8;
	[tilespmem:$0xEE00] =	vst v63  }
0x45: {  	s11 =	simm.s32 $0x780;
	s13 =	simm.s32 $0x8400  }
0x46: {  	[tilespmem:s13], [sflag:$0x2] =	stream.indirect.gather [hbm4b:s5+s16], $0x10, s11, s16, $0xb8;
	[tilespmem:$0xEE00] =	vst v63  }
0x47: {  	_ =	swait.ge [sflag:s30], $0x800  }
0x48: {  	[sflag:s30] =	ssyncset.done $0x0  }
0x49: {  	[sflag:s30] =	ssyncadd.s32 $0xFFFFF800  }
0x4a: {  	_ =	swait.ge [sflag:s31], $0x800  }
0x4b: {  	[sflag:s31] =	ssyncset.done $0x0  }
0x4c: {  	[sflag:s31] =	ssyncadd.s32 $0xFFFFF800  }
0x4d: {  	_ =	swait.ge [sflag:s30], $0x800  }
0x4e: {  	[sflag:s30] =	ssyncset.done $0x0  }
0x4f: {  	[sflag:s30] =	ssyncadd.s32 $0xFFFFF800  }
0x50: {  	_ =	swait.ge [sflag:s31], $0x800  }
0x51: {  	[sflag:s31] =	ssyncset.done $0x0  }
0x52: {  	[sflag:s31] =	ssyncadd.s32 $0xFFFFF800  }
0x53: {  	_ =	swait.ge [sflag:s30], $0x800  }
0x54: {  	[sflag:s30] =	ssyncset.done $0x0  }
0x55: {  	[sflag:s30] =	ssyncadd.s32 $0xFFFFF800  }
0x56: {  	_ =	swait.ge [sflag:s31], $0x800  }
0x57: {  	[sflag:s31] =	ssyncset.done $0x0  }
0x58: {  	[sflag:s31] =	ssyncadd.s32 $0xFFFFF800  }
0x59: {  	_ =	swait.ge [sflag:s30], $0x800  }
0x5a: {  	[sflag:s30] =	ssyncset.done $0x0  }
0x5b: {  	[sflag:s30] =	ssyncadd.s32 $0xFFFFF800  }
0x5c: {  	_ =	swait.ge [sflag:s31], $0x800  }
0x5d: {  	[sflag:s31] =	ssyncset.done $0x0  }
0x5e: {  	[sflag:s31] =	ssyncadd.s32 $0xFFFFF800  }
0x5f: {  	_ =	swait.ge [sflag:s30], $0x800  }
0x60: {  	[sflag:s30] =	ssyncset.done $0x0  }
0x61: {  	[sflag:s30] =	ssyncadd.s32 $0xFFFFF800  }
0x62: {  	_ =	swait.ge [sflag:s31], $0x800  }
0x63: {  	[sflag:s31] =	ssyncset.done $0x0  }
0x64: {  	[sflag:s31] =	ssyncadd.s32 $0xFFFFF800  }
0x65: {  	_ =	swait.ge [sflag:s30], $0x800  }
0x66: {  	[sflag:s30] =	ssyncset.done $0x0  }
0x67: {  	[sflag:s30] =	ssyncadd.s32 $0xFFFFF800  }
0x68: {  	_ =	swait.ge [sflag:s31], $0x800  }
0x69: {  	[sflag:s31] =	ssyncset.done $0x0  }
0x6a: {  	[sflag:s31] =	ssyncadd.s32 $0xFFFFF800  }
0x6b: {  	_ =	swait.ge [sflag:s30], $0x800  }
0x6c: {  	[sflag:s30] =	ssyncset.done $0x0  }
0x6d: {  	[sflag:s30] =	ssyncadd.s32 $0xFFFFF800  }
0x6e: {  	_ =	swait.ge [sflag:s31], $0x800  }
0x6f: {  	[sflag:s31] =	ssyncset.done $0x0  }
0x70: {  	[sflag:s31] =	ssyncadd.s32 $0xFFFFF800  }
0x71: {  	_ =	swait.ge [sflag:s30], $0x800  }
0x72: {  	v6 =	vor.u32 s29, v2;
	[sflag:s30] =	ssyncset.done $0x0  }
0x73: {  	[sflag:s30] =	ssyncadd.s32 $0xFFFFF800  }
0x74: {  	_ =	swait.ge [sflag:s31], $0x800  }
0x75: {  	[sflag:s31] =	ssyncset.done $0x0  }
0x76: {  	[sflag:s31] =	ssyncadd.s32 $0xFFFFF800  }
0x77: {  	v6 =	vld.idx.msk [tilespmem:v6+s15+$0x0], $0xffff  }
0x78: {  	s9 =	simm.s32 $0x0  }
0x79: {  	s8 =	sand.u32 $0xFFFFFF80, s9;
	s11 =	sand.u32 $0x70, s29  }
0x7a: {  	s8 =	sor.u32 s11, s8  }
0x7b: {  	s13 =	sadd.s32 $0x0, s10;
	v7 =	vor.u32 s8, v2;
	s8 =	simm.s32 $0x10  }
0x7c: {  	s9 =	simm.s32 $0x2;
	s11 =	simm.s32 $0x1;
	p1 =	slt.u32 s13, $0xC3500;
	v8 =	vor.u32 s8, v2;
	vm1 =	vge.s32 v6, v0;
	vm2 =	vlt.s32 v6, v1  }
.LBB2_3:
0x7d: {  	vm1 =	vmand vm1, vm2;
	vm2 =	vmmov vm0  }
0x7e: {  	p0 =	sne.s32 s9, $0x3F;
	vm2 =	vmneg @p1 vm2  }
0x7f: {  	v6 =	vsub.s32 v6, v0;
	vm1 =	vmand vm2, vm1  }
0x80: {  	v6 =	vnsel vm1, $0x61A8, v6  }
0x81: {  	[tilespmem:v7+s1+$0x0] =	vst.idx.msk $0xffff, v6  }
0x82: {  	v6 =	vld.idx.msk [tilespmem:v8+s15+$0x0], $0xffff;
	_ =	sdelay $0x1  }
.Ltmp0:
0x83: {  	s13 =	sshll.u32 s11, $0x4;
	s11 =	smov.u32 s9;
	(pc) =	sbr.rel @p0 .LBB2_3-.Ltmp0, $4  }
0x84: {  	s3 =	sand.u32 $0x70, s8;
	s13 =	sand.u32 $0xFFFFFF80, s13  }
0x85: {  	s3 =	sor.u32 s3, s13  }
0x86: {  	s13 =	sadd.s32 s8, s10;
	s8 =	sadd.s32 $0x10, s8;
	v7 =	vor.u32 s3, v2  }
0x87: {  	s9 =	sadd.s32 $0x1, s9;
	p1 =	slt.u32 s13, $0xC3500;
	v8 =	vor.u32 s8, v2;
	vm1 =	vge.s32 v6, v0;
	vm2 =	vlt.s32 v6, v1  }
0x88: {  	vm3 =	vmmov vm0  }
0x89: {  	vm1 =	vmand vm1, vm2;
	vm3 =	vmneg @p1 vm3  }
0x8a: {  	v6 =	vsub.s32 v6, v0;
	vm1 =	vmand vm3, vm1  }
0x8b: {  	v6 =	vnsel vm1, $0x61A8, v6  }
0x8c: {  	[tilespmem:v7+s1+$0x0] =	vst.idx.msk $0xffff, v6  }
0x8d: {  	v7 =	vld.idx.msk [tilespmem:v8+s15+$0x0], $0xffff  }
0x8e: {  	s3 =	sshll.u32 s11, $0x4  }
0x8f: {  	s9 =	sand.u32 $0x70, s8;
	s3 =	sand.u32 $0xFFFFFF80, s3  }
0x90: {  	s3 =	sor.u32 s9, s3;
	v6 =	vmov s29  }
0x91: {  	s11 =	sadd.s32 s8, s10;
	vm3 =	vmmov vm0;
	v8 =	vor.u32 s3, v2;
	v6 =	vshll.u32 v6, $0x4  }
0x92: {  	p0 =	slt.u32 s11, $0xC3500;
	v6 =	vor.u32 v4, v6;
	vm1 =	vge.s32 v7, v0;
	vm2 =	vlt.s32 v7, v1  }
0x93: {  	vm3 =	vmneg @p0 vm3;
	v9 =	vor.u32 $0x7, v6;
	vm1 =	vmand vm1, vm2  }
0x94: {  	v7 =	vsub.s32 v7, v0;
	vm1 =	vmand vm3, vm1  }
0x95: {  	v7 =	vnsel vm1, $0x61A8, v7  }
0x96: {  	[tilespmem:v8+s1+$0x0] =	vst.idx.msk $0xffff, v7  }
0x97: {  	v7 =	vld.idx.msk [tilespmem:v6+s18+$0x0], $0xffff  }
0x98: {  	v8 =	vld.idx.msk [tilespmem:v9+s17+$0x0], $0xffff;
	_ =	sdelay $0x4  }
0x99: {  	v7 =	vadd.f32 v7, v8;
	_ =	sdelay $0x1  }
0x9a: {  	v8 =	vmul.f32 $2.000000030e-01, v7  }
0x9b: {  	vm1 =	vgt.f32 v7, $0.0e+00  }
0x9c: {  	v7 =	vsel vm1, v7, v8  }
0x9d: {  	v7 =	vmul.f32 $1.442695020e+00, v7;
	_ =	sdelay $0x1  }
0x9e: {  	(erf) = vpow2.f32 v7;
	_ =	sdelay $0x2  }
0x9f: {  	s13 =	simm.s32 $0x10  }
0xa0: {  	s8 =	simm.s32 $0x20;
	v7 =	vmov s13  }
.LBB2_5:
0xa1: {  	p0 =	sne.s32 s8, $0x3F0;
	v7 =	vshll.u32 v7, $0x4  }
0xa2: {  	v7 =	vor.u32 v4, v7  }
0xa3: {  	v8 =	vor.u32 $0x7, v7;
	_ =	sdelay $0x1  }
0xa4: {  	v9 =	vpop (erf)  }
0xa5: {  	[tilespmem:v6+s18+$0x0] =	vst.idx.msk $0xffff, v9;
	v6 =	vmov v7  }
0xa6: {  	v7 =	vld.idx.msk [tilespmem:v7+s18+$0x0], $0xffff  }
0xa7: {  	v8 =	vld.idx.msk [tilespmem:v8+s17+$0x0], $0xffff;
	_ =	sdelay $0x5  }
0xa8: {  	v7 =	vadd.f32 v7, v8;
	_ =	sdelay $0x1  }
0xa9: {  	v8 =	vmul.f32 $2.000000030e-01, v7  }
0xaa: {  	vm1 =	vgt.f32 v7, $0.0e+00  }
0xab: {  	v7 =	vsel vm1, v7, v8  }
0xac: {  	v7 =	vmul.f32 $1.442695020e+00, v7;
	_ =	sdelay $0x1  }
.Ltmp1:
0xad: {  	(erf) = vpow2.f32 v7;
	(pc) =	sbr.rel @p0 .LBB2_5-.Ltmp1, $2  }
0xae: {  	_ =	sdelay $0x2  }
0xaf: {  	v7 =	vmov s8;
	s8 =	sadd.s32 $0x10, s8  }
0xb0: {  	v7 =	vshll.u32 v7, $0x4  }
0xb1: {  	v7 =	vor.u32 v4, v7  }
0xb2: {  	v8 =	vor.u32 $0x7, v7;
	_ =	sdelay $0x1  }
0xb3: {  	v9 =	vpop (erf)  }
0xb4: {  	[tilespmem:v6+s18+$0x0] =	vst.idx.msk $0xffff, v9  }
0xb5: {  	v6 =	vld.idx.msk [tilespmem:v7+s18+$0x0], $0xffff  }
0xb6: {  	v8 =	vld.idx.msk [tilespmem:v8+s17+$0x0], $0xffff;
	_ =	sdelay $0x4  }
0xb7: {  	v6 =	vadd.f32 v6, v8;
	_ =	sdelay $0x1  }
0xb8: {  	v8 =	vmul.f32 $2.000000030e-01, v6  }
0xb9: {  	vm1 =	vgt.f32 v6, $0.0e+00  }
0xba: {  	v6 =	vsel vm1, v6, v8  }
0xbb: {  	v6 =	vmul.f32 $1.442695020e+00, v6;
	_ =	sdelay $0x1  }
0xbc: {  	(erf) = vpow2.f32 v6;
	_ =	sdelay $0x4  }
0xbd: {  	s3 =	simm.s32 $0x0  }
0xbe: {  	v6 =	vor.u32 s3, v2  }
0xbf: {  	v8 =	vmov s3;
	_ =	sdelay $0x1  }
0xc0: {  	v9 =	vpop (erf)  }
0xc1: {  	[tilespmem:v7+s18+$0x0] =	vst.idx.msk $0xffff, v9  }
0xc2: {  	v7 =	vld.idx.msk [tilespmem:v6+s17+$0x0], $0xffff  }
0xc3: {  	v9 =	vld.idx.msk [tilespmem:v8+s18+$0x0], $0xffff;
	_ =	sdelay $0x4  }
0xc4: {  	v8 =	vmul.f32 v9, v7  }
0xc5: {  	s9 =	simm.s32 $0x10  }
0xc6: {  	s8 =	simm.s32 $0x2;
	v7 =	vor.u32 s9, v2;
	v9 =	vmul.f32 v5, v9;
	v8 =	vmul.f32 v3, v8  }
.LBB2_7:
0xc7: {  	p0 =	sne.s32 s8, $0x3FF;
	v10 =	vmov s9  }
0xc8: {  	v8 =	vadd.f32 v8, v9;
	_ =	sdelay $0x1  }
0xc9: {  	[tilespmem:v6+s17+$0x0] =	vst.idx.msk $0xffff, v8;
	v6 =	vmov v7  }
0xca: {  	v7 =	vld.idx.msk [tilespmem:v7+s17+$0x0], $0xffff  }
0xcb: {  	v9 =	vld.idx.msk [tilespmem:v10+s18+$0x0], $0xffff;
	_ =	sdelay $0x3  }
.Ltmp2:
0xcc: {  	(pc) =	sbr.rel @p0 .LBB2_7-.Ltmp2, $4  }
0xcd: {  	_ = 	snop  }
0xce: {  	v8 =	vmul.f32 v9, v7  }
0xcf: {  	s9 =	sshll.u32 s8, $0x4  }
0xd0: {  	s8 =	sadd.s32 $0x1, s8;
	v7 =	vor.u32 s9, v2;
	v9 =	vmul.f32 v5, v9;
	v8 =	vmul.f32 v3, v8  }
0xd1: {  	_ = 	snop  }
0xd2: {  	v10 =	vmov s9  }
0xd3: {  	v8 =	vadd.f32 v8, v9;
	_ =	sdelay $0x1  }
0xd4: {  	[tilespmem:v6+s17+$0x0] =	vst.idx.msk $0xffff, v8  }
0xd5: {  	v6 =	vld.idx.msk [tilespmem:v7+s17+$0x0], $0xffff  }
0xd6: {  	v8 =	vld.idx.msk [tilespmem:v10+s18+$0x0], $0xffff;
	_ =	sdelay $0x4  }
0xd7: {  	v6 =	vmul.f32 v8, v6;
	_ =	sdelay $0x1  }
0xd8: {  	v8 =	vmul.f32 v5, v8;
	v6 =	vmul.f32 v3, v6;
	_ =	sdelay $0x1  }
0xd9: {  	v6 =	vadd.f32 v6, v8;
	_ =	sdelay $0x1  }
0xda: {  	[tilespmem:v7+s17+$0x0] =	vst.idx.msk $0xffff, v6  }
0xdb: {  	[spmem:s2] =	stream.indirect.scatter.add.f32 [tilespmem:s17], [sflag:$0x3], $0x10, s1, s16, $0xb8;
	[tilespmem:$0xEE00] =	vst v63  }
0xdc: {  	_ =	swait.ge [sflag:s14], $0x800  }
0xdd: {  	[sflag:s14] =	ssyncset.done $0x0  }
0xde: {  	s3 =	simm.s32 $0x880;
	[sflag:s14] =	ssyncadd.s32 $0xFFFFF800  }
0xdf: {  	[spmem:s2] =	stream.indirect.scatter.add.f32 [tilespmem:s19], [sflag:$0x3], $0x10, s3, s16, $0xb8;
	[tilespmem:$0xEE00] =	vst v63  }
0xe0: {  	_ =	swait.ge [sflag:s14], $0x800  }
0xe1: {  	[sflag:s14] =	ssyncset.done $0x0  }
0xe2: {  	s8 =	simm.s32 $0x900;
	[sflag:s14] =	ssyncadd.s32 $0xFFFFF800  }
0xe3: {  	[spmem:s2] =	stream.indirect.scatter.add.f32 [tilespmem:s23], [sflag:$0x3], $0x10, s8, s16, $0xb8;
	[tilespmem:$0xEE00] =	vst v63  }
0xe4: {  	_ =	swait.ge [sflag:s14], $0x800  }
0xe5: {  	[sflag:s14] =	ssyncset.done $0x0  }
0xe6: {  	s9 =	simm.s32 $0x980;
	[sflag:s14] =	ssyncadd.s32 $0xFFFFF800  }
0xe7: {  	[spmem:s2] =	stream.indirect.scatter.add.f32 [tilespmem:s28], [sflag:$0x3], $0x10, s9, s16, $0xb8;
	[tilespmem:$0xEE00] =	vst v63  }
0xe8: {  	_ =	swait.ge [sflag:s14], $0x800  }
0xe9: {  	[sflag:s14] =	ssyncset.done $0x0  }
0xea: {  	s11 =	simm.s32 $0xA00;
	[sflag:s14] =	ssyncadd.s32 $0xFFFFF800  }
0xeb: {  	[spmem:s2] =	stream.indirect.scatter.add.f32 [tilespmem:s0], [sflag:$0x3], $0x10, s11, s16, $0xb8;
	[tilespmem:$0xEE00] =	vst v63  }
0xec: {  	_ =	swait.ge [sflag:s14], $0x800  }
0xed: {  	[sflag:s14] =	ssyncset.done $0x0  }
0xee: {  	s13 =	simm.s32 $0xA80;
	[sflag:s14] =	ssyncadd.s32 $0xFFFFF800  }
0xef: {  	[spmem:s2] =	stream.indirect.scatter.add.f32 [tilespmem:s12], [sflag:$0x3], $0x10, s13, s16, $0xb8;
	[tilespmem:$0xEE00] =	vst v63  }
0xf0: {  	_ =	swait.ge [sflag:s14], $0x800  }
0xf1: {  	[sflag:s14] =	ssyncset.done $0x0  }
0xf2: {  	[sflag:s14] =	ssyncadd.s32 $0xFFFFF800  }
0xf3: {  	[spmem:s2] =	stream.indirect.scatter.add.f32 [tilespmem:s20], [sflag:$0x3], $0x10, s21, s16, $0xb8;
	[tilespmem:$0xEE00] =	vst v63  }
0xf4: {  	s26 =	sadd.s32 $0x1, s26;
	_ =	swait.ge [sflag:s14], $0x800  }
0xf5: {  	p0 =	sne.s32 s26, $0x31;
	[sflag:s14] =	ssyncset.done $0x0  }
.Ltmp3:
0xf6: {  	[sflag:s14] =	ssyncadd.s32 $0xFFFFF800;
	(pc) =	sbr.rel @p0 .LBB2_2-.Ltmp3, $4  }
0xf7: {  	[spmem:s2] =	stream.indirect.scatter.add.f32 [tilespmem:s25], [sflag:$0x3], $0x10, s22, s16, $0xb8;
	[tilespmem:$0xEE00] =	vst v63  }
0xf8: {  	_ =	swait.ge [sflag:s14], $0x800  }
0xf9: {  	[sflag:s14] =	ssyncset.done $0x0  }
0xfa: {  	s10 =	sadd.s32 $0x4000, s10;
	[sflag:s14] =	ssyncadd.s32 $0xFFFFF800  }
0xfb: {  	[bflag:$0x0] =	sbarrier.arrive $0xFFFF  }
0xfc: {  	s10 =	rddreg [dreg:$0x5]  }
0xfd: {  	s3 =	rddreg [dreg:$0x6]  }
0xfe: {  	s8 =	rddreg [dreg:$0x8]  }
0xff: {  	[hbm:s3], [sflag:s10] =	dma.local [spmem:s8], $0xC40  }
0x100: {  	_ =	swait.ge [sflag:s14], $0xC40  }
0x101: {  	s13 =	rddreg [dreg:$0x3]  }
0x102: {  	s26 =	rddreg [dreg:$0x7];
	s13 =	sadd.s32 $0x1, s13  }
0x103: {  	p0 =	sne.s32 s13, s26  }
.Ltmp4:
0x104: {  	_ = 	snop;
	(pc) =	sbr.rel @p0 .LBB2_1-.Ltmp4, $3  }
0x105: {  	_ =	sdelay $0x1  }
0x106: {  	[sflag:s14] =	ssyncset.done $0x0  }
0x107: {  	[sflag:s14] =	ssyncadd.s32 $0xFFFFF3C0  }
0x108: {  	_ =	sfence.sel $0x180000  }
0x109: {  	[bflag:$0x0] =	sbarrier.arrive $0xFFFF  }
0x10a: {  	_ =	strace $0x9000004D  }
0x10b: {  	s0 =	stileid.u32;
	[bflag:$0x2] =	sbarrier.arrive $0xFFFF  }
0x10c: {  	p0 =	sne.s32 s0, $0x0;
	s0 =	rddreg [dreg:$0x2]  }
0x10d: {  	s0 =	sadd.s32 @!p0 $0x100000, s0  }
0x10e: {  	[sflag:s0] =	ssyncadd.tile.s32 @!p0 $0x1;
	_ =	shalt  }
.Lfunc_end2:
_tile_overlayer_lowered:
.L_overlay_start_2:
0x10f: {  	(tag) =	ssettag $0x2  }
0x110: {  	s0 =	rddreg [dreg:$0x0];
	s2 =	stileid.u32  }
0x111: {  	s1 =	rddreg [dreg:$0x1];
	p0 =	sne.s32 s2, $0x0  }
0x112: {  	s3 =	rddreg [dreg:$0x2];
	[bflag:$0x3] =	sbarrier.arrive $0xFFFF;
	s2 =	simm.s32 @!p0 $0x1C03  }
0x113: {  	[timem:s3], [sflag:s2] =	dma.local @!p0 [hbm:s0], s1  }
0x114: {  	s0 =	simm.s32 @!p0 $0x3  }
0x115: {  	_ =	swait.ge @!p0 [sflag:s0], s1  }
0x116: {  	s1 =	ssub.s32 @!p0 $0x0, s1;
	[sflag:s0] =	ssyncset.done @!p0 $0x0  }
0x117: {  	[sflag:s0] =	ssyncadd.s32 @!p0 s1  }
0x118: {  	[bflag:$0x3] =	sbarrier.arrive $0xFFFF  }
0x119: {  	_ =	shalt  }

// kernel: kernel.8.cloned.1.call-start
scs
__scs_entry_jumppad:
0x0: {  	(pc) =	sbr.rel $0x88, $3  }
0x1: {  	(tag) =	ssettag $0x0;
	lr =	simm.s32 $0x1  }
0x2: {  	[smem:$0x3F97] =	sst lr;
	_ =	strace $0xD0000000  }
0x3: {  	_ = 	snop  }
0x4: {  	_ = 	snop  }
0x5: {  	_ = 	snop  }
0x6: {  	_ = 	snop  }
0x7: {  	_ = 	snop  }
__scs_overlays_trampoline_lowered:
0x8: {  	[smem:$0x3FA6] =	sst s0  }
0x9: {  	[smem:$0x3FA7] =	sst s1  }
0xa: {  	[smem:$0x3FA8] =	sst s2  }
0xb: {  	[smem:$0x3FA9] =	sst s3  }
0xc: {  	[smem:$0x3FAA] =	sst s4  }
0xd: {  	[smem:$0x3FAB] =	sst s5  }
0xe: {  	[smem:$0x3FAC] =	sst s6  }
0xf: {  	[smem:$0x3FAD] =	sst s7  }
0x10: {  	[smem:$0x3FAE] =	sst s8  }
0x11: {  	[smem:$0x3FAF] =	sst s9;
	s0 =	simm.s32 @!p0 $0x0  }
0x12: {  	s1 =	sld [smem:$0x3F95];
	s0 =	simm.s32 @p0 $0x1  }
0x13: {  	[smem:$0x3FB0] =	sst s0;
	s0 =	simm.s32 @!p1 $0x0  }
0x14: {  	s2 =	sld [smem:$0x3F94];
	s0 =	simm.s32 @p1 $0x1  }
0x15: {  	[smem:$0x3FB1] =	sst s0;
	s0 =	simm.s32 @!p2 $0x0  }
0x16: {  	s3 =	sld [smem:$0x3FDB];
	s0 =	simm.s32 @p2 $0x1  }
0x17: {  	s4 =	simm.s32 $0x1BF5;
	[smem:$0x3FB3] =	sst s0  }
0x18: {  	s0 =	sld [smem:$0x3F96];
	_ =	swait.ge [sflag:s4], $0x0  }
0x19: {  	s7 =	sld [smem:$0x3F97]  }
0x1a: {  	s8 =	sadd.s32 $0xFFFFE003, lr  }
0x1b: {  	s9 =	sadd.s32 $0xFFFFFEF7, lr;
	s5 =	simm.s32 $0xFFFFFFFF;
	p2 =	slt.u32 s8, $0xFFFFF086  }
0x1c: {  	p1 =	slt.u32 s9, $0xF7A;
	s5 =	simm.s32 @!p2 $0x0  }
0x1d: {  	s5 =	simm.s32 @p1 $0x1;
	p0 =	seq.s32 s7, s2  }
0x1e: {  	s7 =	smul.u32 @!p0 $0xF7A, s2;
	p2 =	seq.s32 @!p0 s5, $0x0  }
0x1f: {  	s9 =	smul.u32 $0xF7A, s1;
	s8 =	simm.s32 @!p0 $0x1BF5;
	p2 =	por !p2, p0  }
0x20: {  	[sflag:s8] =	ssyncset.s32 @!p0 $0xFFFFF086;
	s6 =	sadd.s32 @!p0 s3, s7;
	s7 =	simm.s32 @!p0 $0x108  }
0x21: {  	s3 =	sadd.s32 s3, s9;
	s6 =	sadd.s32 @!p0 $0x88, s6;
	s7 =	simm.s32 @p2 $0x1082  }
0x22: {  	[simem:s7], [sflag:s8] =	dma.local @!p0 [hbm:s6], $0xF7A  }
0x23: {  	s9 =	sor.u32 $0xD0000000, s2;
	s6 =	simm.s32 $0x108;
	_ =	swait.ge @!p0 [sflag:s8], $0x0  }
0x24: {  	s3 =	sadd.s32 $0x88, s3;
	s6 =	simm.s32 @!p1 $0x1082;
	[sflag:s4] =	ssyncset.s32 $0xFFFFF086  }
0x25: {  	[simem:s6], [sflag:s4] =	dma.local [hbm:s3], $0xF7A  }
0x26: {  	[smem:$0x3F97] =	sst s1;
	(tag) =	ssettag s2;
	_ =	strace s9  }
0x27: {  	s1 =	sld [smem:$0x3FA7]  }
0x28: {  	s2 =	sld [smem:$0x3FA8]  }
0x29: {  	s4 =	sld [smem:$0x3FAA]  }
0x2a: {  	p0 =	seq.s32 s5, $0x0;
	s5 =	sld [smem:$0x3FAB]  }
0x2b: {  	s6 =	sld [smem:$0x3FAC]  }
0x2c: {  	s7 =	sld [smem:$0x3FAD]  }
0x2d: {  	s3 =	simm.s32 $0x108;
	s8 =	sld [smem:$0x3FAE]  }
0x2e: {  	s3 =	simm.s32 @!p0 $0x1082;
	s9 =	sld [smem:$0x3FAF]  }
0x2f: {  	lr =	sadd.s32 s0, s3;
	s0 =	sld [smem:$0x3FA6]  }
0x30: {  	s3 =	sld [smem:$0x3FA9]  }
0x31: {  	[smem:$0x3FB2] =	sst s10  }
0x32: {  	s10 =	sld [smem:$0x3FB0];
	_ =	sdelay $0x3  }
0x33: {  	p0 =	seq.s32 s10, $0x1;
	s10 =	sld [smem:$0x3FB2];
	_ =	sdelay $0x3  }
0x34: {  	[smem:$0x3FB2] =	sst s10  }
0x35: {  	s10 =	sld [smem:$0x3FB1];
	_ =	sdelay $0x3  }
0x36: {  	p1 =	seq.s32 s10, $0x1;
	s10 =	sld [smem:$0x3FB2];
	_ =	sdelay $0x3  }
0x37: {  	[smem:$0x3FB2] =	sst s10  }
0x38: {  	s10 =	sld [smem:$0x3FB3]  }
0x39: {  	_ = 	snop;
	(pc) =	sbr.ind lr, $3  }
0x3a: {  	_ = 	snop  }
0x3b: {  	_ = 	snop  }
0x3c: {  	p2 =	seq.s32 s10, $0x1;
	s10 =	sld [smem:$0x3FB2]  }
0x3d: {  	_ =	shalt  }
0x3e: {  	_ =	shalt  }
0x3f: {  	_ =	shalt  }
0x40: {  	_ =	shalt  }
0x41: {  	_ =	shalt  }
0x42: {  	_ =	shalt  }
0x43: {  	_ =	shalt  }
0x44: {  	_ =	shalt  }
0x45: {  	_ =	shalt  }
0x46: {  	_ =	shalt  }
0x47: {  	_ =	shalt  }
0x48: {  	_ =	shalt  }
0x49: {  	_ =	shalt  }
0x4a: {  	_ =	shalt  }
0x4b: {  	_ =	shalt  }
0x4c: {  	_ =	shalt  }
0x4d: {  	_ =	shalt  }
0x4e: {  	_ =	shalt  }
0x4f: {  	_ =	shalt  }
0x50: {  	_ =	shalt  }
0x51: {  	_ =	shalt  }
0x52: {  	_ =	shalt  }
0x53: {  	_ =	shalt  }
0x54: {  	_ =	shalt  }
0x55: {  	_ =	shalt  }
0x56: {  	_ =	shalt  }
0x57: {  	_ =	shalt  }
0x58: {  	_ =	shalt  }
0x59: {  	_ =	shalt  }
0x5a: {  	_ =	shalt  }
0x5b: {  	_ =	shalt  }
0x5c: {  	_ =	shalt  }
0x5d: {  	_ =	shalt  }
0x5e: {  	_ =	shalt  }
0x5f: {  	_ =	shalt  }
0x60: {  	_ =	shalt  }
0x61: {  	_ =	shalt  }
0x62: {  	_ =	shalt  }
0x63: {  	_ =	shalt  }
0x64: {  	_ =	shalt  }
0x65: {  	_ =	shalt  }
0x66: {  	_ =	shalt  }
0x67: {  	_ =	shalt  }
0x68: {  	_ =	shalt  }
0x69: {  	_ =	shalt  }
0x6a: {  	_ =	shalt  }
0x6b: {  	_ =	shalt  }
0x6c: {  	_ =	shalt  }
0x6d: {  	_ =	shalt  }
0x6e: {  	_ =	shalt  }
0x6f: {  	_ =	shalt  }
0x70: {  	_ =	shalt  }
0x71: {  	_ =	shalt  }
0x72: {  	_ =	shalt  }
0x73: {  	_ =	shalt  }
0x74: {  	_ =	shalt  }
0x75: {  	_ =	shalt  }
0x76: {  	_ =	shalt  }
0x77: {  	_ =	shalt  }
0x78: {  	_ =	shalt  }
0x79: {  	_ =	shalt  }
0x7a: {  	_ =	shalt  }
0x7b: {  	_ =	shalt  }
0x7c: {  	_ =	shalt  }
0x7d: {  	_ =	shalt  }
0x7e: {  	_ =	shalt  }
0x7f: {  	_ =	shalt  }
0x80: {  	_ =	shalt  }
0x81: {  	_ =	shalt  }
0x82: {  	_ =	shalt  }
0x83: {  	_ =	shalt  }
0x84: {  	_ =	shalt  }
0x85: {  	_ =	shalt  }
0x86: {  	_ =	shalt  }
0x87: {  	_ =	shalt  }
.Lfunc_end0:
.L_simem_size_0:
called_computation_lowered:
.L_overlay_start_0:
0x88: {  	s2 =	sld [smem:$0x3FD9]  }
0x89: {  	s3 =	sld [smem:$0x3FFE];
	_ =	sdelay $0x1  }
0x8a: {  	s1 =	srdreg.scid  }
0x8b: {  	s0 =	sand.u32 $0x1, s1  }
0x8c: {  	s17 =	sshll.u32 s0, $0xA;
	s2 =	sadd.s32 s3, s2  }
0x8d: {  	s2 =	sadd.s32 s2, s17  }
0x8e: {  	[smem:$0x3FBE] =	sst s2  }
0x8f: {  	_ = 	snop  }
0x90: {  	(tm) =	ssettm $0x1  }
0x91: {  	s18 =	sld [smem:$0x3FFB];
	_ =	sdelay $0x3  }
0x92: {  	_ =	strace s18  }
0x93: {  	s2 =	sld [smem:$0x3FFC];
	_ =	sdelay $0x3  }
0x94: {  	_ =	strace s2  }
0x95: {  	s2 =	sld [smem:$0x3FFD];
	_ =	sdelay $0x3  }
0x96: {  	_ =	strace s2  }
0x97: {  	_ =	strace $0x8FFFFFFF  }
0x98: {  	s19 =	sld [smem:$0x3FDB];
	_ =	sdelay $0x1  }
0x99: {  	s20 =	simm.s32 $_scs_section_size  }
0x9a: {  	s4 =	simm.s32 $_size__tile_overlayer_lowered;
	s5 =	simm.s32 $_tile_overlayer_lowered  }
0x9b: {  	s6 =	simm.s32 $0x1BFF;
	s21 =	sshll.u32 s5, $0x1;
	s3 =	sadd.s32 s20, s19  }
0x9c: {  	s22 =	simm.s32 $0x0;
	s4 =	sshll.u32 s4, $0x1;
	s5 =	sadd.s32 s21, s3  }
0x9d: {  	[timem:s22], [sflag:s6] =	dma.local [hbm:s5], s4  }
0x9e: {  	_ =	swait.ge [sflag:s6], s4  }
0x9f: {  	s4 =	ssub.s32 $0x0, s4;
	[sflag:s6] =	ssyncset.done $0x0  }
0xa0: {  	[sflag:s6] =	ssyncadd.s32 s4;
	_ =	sdelay $0x1  }
0xa1: {  	s23 =	simm.s32 $0x1B8B  }
0xa2: {  	_ =	swait.ge [sflag:s23], $0x1  }
0xa3: {  	[sflag:s23] =	ssyncset.done $0x0  }
0xa4: {  	[sflag:s23] =	ssyncadd.s32 $0xFFFFFFFF  }
0xa5: {  	s4 =	sld [smem:$0x0]  }
0xa6: {  	s5 =	sand.u32 $0xFFFFFFFE, s1  }
0xa7: {  	p0 =	sne.s32 s1, s5  }
0xa8: {  	s5 =	sshll.u32 @p0 s5, $0xE  }
0xa9: {  	s5 =	sadd.s32 @p0 $0x11B8D, s5;
	s6 =	sshll.u32 @p0 s4, $0x11  }
0xaa: {  	s5 =	sor.u32 @p0 s6, s5  }
0xab: {  	[sflag:s5] =	ssyncadd.remote.s32 @p0 $0x1;
	_ =	sdelay $0x1  }
0xac: {  	s5 =	simm.s32 @p0 $0x1B8D  }
0xad: {  	_ =	swait.eq @p0 [sflag:s5], $0x1  }
0xae: {  	[sflag:s5] =	ssyncadd.s32 @p0 $0xFFFFFFFF  }
0xaf: {  	s6 =	sshll.u32 @!p0 s1, $0xE  }
0xb0: {  	s6 =	sor.u32 @!p0 $0x4000, s6;
	s5 =	simm.s32 @!p0 $0x1B8D  }
0xb1: {  	s4 =	sshll.u32 @!p0 s4, $0x11;
	s6 =	sadd.s32 @!p0 $0x11B8D, s6;
	_ =	swait.eq @!p0 [sflag:s5], $0x1  }
0xb2: {  	s4 =	sor.u32 @!p0 s4, s6;
	[sflag:s5] =	ssyncadd.s32 @!p0 $0xFFFFFFFF  }
0xb3: {  	s25 =	simm.s32 $0x1B8E;
	s24 =	sld [smem:$0x3FFE];
	[sflag:s4] =	ssyncadd.remote.s32 @!p0 $0x1  }
0xb4: {  	s26 =	simm.s32 $execute0_lowered;
	[smem:$0x3FD2] =	sst s25  }
0xb5: {  	s5 =	sshll.u32 s26, $0x1;
	_ =	strace $0x80000049;
	[dreg:$0x1] =	wrdreg $0xFFFFFFFF  }
0xb6: {  	s28 =	simm.s32 $_size_execute0_lowered;
	s3 =	sadd.s32 s3, s5;
	[dreg:$0x0] =	wrdreg $0x0  }
0xb7: {  	s5 =	sshll.u32 s28, $0x1;
	[dreg:$0x2] =	wrdreg s3  }
0xb8: {  	[dreg:$0x3] =	wrdreg s5  }
0xb9: {  	[dreg:$0x4] =	wrdreg $0xC0  }
0xba: {  	_ =	task [dreg:s22], $0x5FFFF  }
0xbb: {  	[dreg:$0x1] =	wrdreg $0xFFFFFFFF  }
0xbc: {  	[dreg:$0x0] =	wrdreg $0x60  }
0xbd: {  	[dreg:$0x2] =	wrdreg s24  }
0xbe: {  	[dreg:$0x3] =	wrdreg $0x86000  }
0xbf: {  	[dreg:$0x4] =	wrdreg $0x9  }
0xc0: {  	_ =	task.clear_ibuf [dreg:s22], $0x5FFFF;
	_ =	strace $0x90000049  }
0xc1: {  	s29 =	simm.s32 $0x9;
	_ =	strace $0x8000004B  }
0xc2: {  	_ =	swait.ge [sflag:s29], $0x1  }
0xc3: {  	[sflag:s29] =	ssyncadd.s32 $0xFFFFFFFF  }
0xc4: {  	_ =	strace $0x9000004B  }
0xc5: {  	_ =	sfence  }
0xc6: {  	s30 =	sld [smem:$0x0];
	_ =	sdelay $0x2  }
0xc7: {  	s31 =	sshll.u32 s1, $0xD;
	s1 =	sshrl.u32 s1, $0x2  }
0xc8: {  	s4 =	sand.u32 $0x4000, s31;
	s1 =	sadd.s32 s1, s30  }
0xc9: {  	s0 =	sor.u32 s4, s0;
	s1 =	sshll.u32 s1, $0x11  }
0xca: {  	s0 =	sor.u32 s1, s0  }
0xcb: {  	s0 =	sadd.s32 $0x8F2B, s0  }
0xcc: {  	[sflag:s0] =	ssyncadd.remote.s32 $0x1  }
0xcd: {  	_ =	sfence.sel $0xFFFF  }
0xce: {  	[dreg:$0x0] =	wrdreg $0xFFFFFFFF;
	(pc) =	sbr.abs _section_cstart, $3  }
0xcf: {  	[dreg:$0x1] =	wrdreg $0xFFFFFFFF  }
0xd0: {  	_ =	task.clear_ibuf [dreg:s22], $0x2FFFF;
	_ =	strace $0x9FFFFFFF  }
0xd1: {  	(tm) =	ssettm $0x7FFFFFFF  }
tec
execute0_lowered:
.L_overlay_start_1:
0x0: {  	(tag) =	ssettag $0x1  }
0x1: {  	s0 =	srdreg.scid  }
0x2: {  	s1 =	rddreg [dreg:$0x0];
	s12 =	stileid.u32  }
0x3: {  	s2 =	rddreg [dreg:$0x1];
	s13 =	simm.s32 $0x0;
	s14 =	simm.s32 $0x3  }
0x4: {  	s15 =	simm.s32 $0x200;
	s16 =	simm.s32 $0x80;
	s17 =	simm.s32 $0x600  }
0x5: {  	s18 =	simm.s32 $0x6600;
	s19 =	simm.s32 $0x1E00;
	s28 =	simm.s32 $0x4E00  }
0x6: {  	s29 =	simm.s32 $0x380;
	s30 =	simm.s32 $0x7E00;
	s5 =	smul.u32 $0x620, s12  }
0x7: {  	s31 =	simm.s32 $0x1;
	s0 =	sand.u32 $0x1, s0;
	s10 =	smul.u32 $0x49800, s12  }
0x8: {  	[smem:$0x7FF] =	sst s13;
	s25 =	sshll.u32 s12, $0x6;
	s3 =	smul.u32 $0x61A8, s0  }
0x9: {  	s6 =	smul.u32 $0x6200, s0;
	_ =	strace $0x8000004A;
	s0 =	ssub.s32 $0x2, s0  }
0xa: {  	s23 =	sshrl.u32 s0, $0x1;
	s24 =	sshrl.u32 s10, $0x2;
	s10 =	sor.u32 $0x1C03, s25  }
0xb: {  	s4 =	sadd.s32 s5, s3;
	s6 =	sadd.s32 s5, s6;
	s5 =	sadd.s32 $0x1BB600, s1  }
0xc: {  	s0 =	ssub.s32 s0, s23;
	s11 =	sadd.s32 s24, s2;
	s26 =	sadd.s32 $0x61A8, s3  }
0xd: {  	s23 =	simm.s32 $0x3600;
	[dreg:$0x5] =	wrdreg s10;
	s7 =	smul.u32 $0x6, s4  }
0xe: {  	s4 =	sadd.s32 $0x172200, s1;
	s9 =	smul.u32 $0x6, s6;
	s6 =	sadd.s32 $0xC6C00, s1  }
0xf: {  	s0 =	smax.u32 s0, $0x1;
	s20 =	sshrl.u32 s11, $0x3;
	v2 =	vmov s26;
	s26 =	simm.s32 $0x180  }
0x10: {  	v1 =	vlaneseq.u32;
	s11 =	simm.s32 $0x500;
	[dreg:$0x7] =	wrdreg s0;
	s0 =	simm.s32 $0x400  }
0x11: {  	vm0 =	vmxor vm0, vm0;
	v9 =	vimm.f32 $0.0e+00;
	vm1 =	vcmask $0xF00;
	[dreg:$0x8] =	wrdreg s20;
	s8 =	sadd.s32 s7, s1;
	s7 =	sadd.s32 $0xAE400, s1  }
0x12: {  	v3 =	vand.u32 $0x3, v1;
	v4 =	vshrl.u32 v1, $0x2;
	v6 =	vshrl.u32 v1, $0x3;
	s1 =	sadd.s32 s9, s1;
	s9 =	sshll.u32 s12, $0x9;
	s8 =	sadd.s32 $0x128C00, s8  }
0x13: {  	v8 =	vor.u32 $0x10, v1;
	v9 =	vsel vm1, $0x3F800000, v9;
	v10 =	vor.u32 $0x20, v1;
	s12 =	simm.s32 $0x580;
	s1 =	sadd.s32 $0x1D3E00, s1;
	[dreg:$0x4] =	wrdreg s8  }
0x14: {  	v5 =	vor.u32 $0x20, v3;
	v7 =	vor.u32 $0x2, v6;
	v0 =	vmov s3;
	[dreg:$0x6] =	wrdreg s1;
	s1 =	simm.s32 $0x2;
	s8 =	simm.s32 $0x480  }
.LBB2_1:
0x15: {  	[dreg:$0x3] =	wrdreg s13  }
0x16: {  	s3 =	rddreg [dreg:$0x4]  }
0x17: {  	[spmem:s20], [sflag:s10] =	dma.local [hbm:s3], $0x24C0  }
0x18: {  	_ =	swait.ge [sflag:s14], $0x24C0  }
0x19: {  	[sflag:s14] =	ssyncset.done $0x0  }
0x1a: {  	[sflag:s14] =	ssyncadd.s32 $0xFFFFDB40  }
0x1b: {  	s13 =	simm.s32 $0x0;
	s10 =	smov.u32 s9;
	[bflag:$0x0] =	sbarrier.arrive $0xFFFF  }
.LBB2_2:
0x1c: {  	s3 =	sshll.u32 s13, $0xD  }
0x1d: {  	s3 =	sor.u32 s9, s3  }
0x1e: {  	s20 =	sshrl.u32 s3, $0x3  }
0x1f: {  	s3 =	simm.s32 $0x0;
	s21 =	sadd.s32 s6, s20  }
0x20: {  	[tilespmem:s3], [sflag:$0x3] =	stream.linear.gather [hbm4b:s21+s3], $0x200, $0x38;
	[tilespmem:$0x1AC00] =	vst v63  }
0x21: {  	_ =	swait.ge [sflag:s14], $0x200  }
0x22: {  	[sflag:s14] =	ssyncset.done $0x0  }
0x23: {  	s20 =	sadd.s32 s7, s20;
	[sflag:s14] =	ssyncadd.s32 $0xFFFFFE00  }
0x24: {  	[tilespmem:s15], [sflag:$0x3] =	stream.linear.gather [hbm4b:s20+s3], $0x200, $0x38;
	[tilespmem:$0x1AC00] =	vst v63  }
0x25: {  	_ =	swait.ge [sflag:s14], $0x200  }
0x26: {  	[sflag:s14] =	ssyncset.done $0x0  }
0x27: {  	[sflag:s14] =	ssyncadd.s32 $0xFFFFFE00  }
0x28: {  	[tilespmem:s17], [sflag:$0x1] =	stream.indirect.gather [hbm4b:s4+s16], $0x30, s3, s16, $0xb8;
	[tilespmem:$0x1AC00] =	vst v63  }
0x29: {  	_ = 	snop  }
0x2a: {  	[tilespmem:s18], [sflag:$0x2] =	stream.indirect.gather [hbm4b:s5+s16], $0x10, s15, s16, $0xb8;
	[tilespmem:$0x1AC00] =	vst v63  }
0x2b: {  	_ = 	snop  }
0x2c: {  	[tilespmem:s19], [sflag:$0x1] =	stream.indirect.gather [hbm4b:s4+s16], $0x30, s16, s16, $0xb8;
	[tilespmem:$0x1AC00] =	vst v63  }
0x2d: {  	s22 =	simm.s32 $0x280;
	s24 =	simm.s32 $0x6E00  }
0x2e: {  	[tilespmem:s24], [sflag:$0x2] =	stream.indirect.gather [hbm4b:s5+s16], $0x10, s22, s16, $0xb8;
	[tilespmem:$0x1AC00] =	vst v63  }
0x2f: {  	s25 =	simm.s32 $0x100  }
0x30: {  	[tilespmem:s23], [sflag:$0x1] =	stream.indirect.gather [hbm4b:s4+s16], $0x30, s25, s16, $0xb8;
	[tilespmem:$0x1AC00] =	vst v63  }
0x31: {  	s21 =	simm.s32 $0x300;
	s22 =	simm.s32 $0x7600  }
0x32: {  	[tilespmem:s22], [sflag:$0x2] =	stream.indirect.gather [hbm4b:s5+s16], $0x10, s21, s16, $0xb8;
	[tilespmem:$0x1AC00] =	vst v63  }
0x33: {  	_ = 	snop  }
0x34: {  	[tilespmem:s28], [sflag:$0x1] =	stream.indirect.gather [hbm4b:s4+s16], $0x30, s26, s16, $0xb8;
	[tilespmem:$0x1AC00] =	vst v63  }
0x35: {  	_ = 	snop  }
0x36: {  	[tilespmem:s30], [sflag:$0x2] =	stream.indirect.gather [hbm4b:s5+s16], $0x10, s29, s16, $0xb8;
	[tilespmem:$0x1AC00] =	vst v63  }
0x37: {  	_ =	swait.ge [sflag:s31], $0x1800  }
0x38: {  	[sflag:s31] =	ssyncset.done $0x0  }
0x39: {  	[sflag:s31] =	ssyncadd.s32 $0xFFFFE800  }
0x3a: {  	_ =	swait.ge [sflag:s1], $0x800  }
0x3b: {  	[sflag:s1] =	ssyncset.done $0x0  }
0x3c: {  	[sflag:s1] =	ssyncadd.s32 $0xFFFFF800  }
0x3d: {  	_ =	swait.ge [sflag:s31], $0x1800  }
0x3e: {  	[sflag:s31] =	ssyncset.done $0x0  }
0x3f: {  	[sflag:s31] =	ssyncadd.s32 $0xFFFFE800  }
0x40: {  	_ =	swait.ge [sflag:s1], $0x800  }
0x41: {  	[sflag:s1] =	ssyncset.done $0x0  }
0x42: {  	[sflag:s1] =	ssyncadd.s32 $0xFFFFF800  }
0x43: {  	_ =	swait.ge [sflag:s31], $0x1800  }
0x44: {  	[sflag:s31] =	ssyncset.done $0x0  }
0x45: {  	[sflag:s31] =	ssyncadd.s32 $0xFFFFE800  }
0x46: {  	_ =	swait.ge [sflag:s1], $0x800  }
0x47: {  	[sflag:s1] =	ssyncset.done $0x0  }
0x48: {  	[sflag:s1] =	ssyncadd.s32 $0xFFFFF800  }
0x49: {  	_ =	swait.ge [sflag:s31], $0x1800  }
0x4a: {  	v11 =	vor.u32 s3, v1;
	[sflag:s31] =	ssyncset.done $0x0  }
0x4b: {  	[sflag:s31] =	ssyncadd.s32 $0xFFFFE800  }
0x4c: {  	_ =	swait.ge [sflag:s1], $0x800  }
0x4d: {  	[sflag:s1] =	ssyncset.done $0x0  }
0x4e: {  	[sflag:s1] =	ssyncadd.s32 $0xFFFFF800  }
0x4f: {  	v11 =	vld.idx.msk [tilespmem:v11+s15+$0x0], $0xffff  }
0x50: {  	s24 =	simm.s32 $0x0  }
0x51: {  	s20 =	sand.u32 $0xFFFFFF80, s24;
	s25 =	sand.u32 $0x70, s3  }
0x52: {  	s20 =	sor.u32 s25, s20  }
0x53: {  	s22 =	sadd.s32 $0x0, s10;
	v12 =	vor.u32 s20, v1;
	s20 =	simm.s32 $0x10  }
0x54: {  	s21 =	simm.s32 $0x1;
	v13 =	vor.u32 s20, v1;
	p1 =	slt.u32 s22, $0xC3500;
	s22 =	simm.s32 $0x2;
	vm1 =	vge.s32 v11, v0;
	vm2 =	vlt.s32 v11, v2  }
.LBB2_3:
0x55: {  	vm1 =	vmand vm1, vm2;
	vm2 =	vmmov vm0  }
0x56: {  	p0 =	sne.s32 s22, $0x1F;
	vm2 =	vmneg @p1 vm2  }
0x57: {  	v11 =	vsub.s32 v11, v0;
	vm1 =	vmand vm2, vm1  }
0x58: {  	v11 =	vnsel vm1, $0x61A8, v11  }
0x59: {  	[tilespmem:v12+s0+$0x0] =	vst.idx.msk $0xffff, v11  }
0x5a: {  	v11 =	vld.idx.msk [tilespmem:v13+s15+$0x0], $0xffff;
	_ =	sdelay $0x1  }
.Ltmp0:
0x5b: {  	s24 =	sshll.u32 s21, $0x4;
	s21 =	smov.u32 s22;
	(pc) =	sbr.rel @p0 .LBB2_3-.Ltmp0, $4  }
0x5c: {  	s25 =	sand.u32 $0x70, s20;
	s24 =	sand.u32 $0xFFFFFF80, s24  }
0x5d: {  	s24 =	sor.u32 s25, s24  }
0x5e: {  	s25 =	sadd.s32 s20, s10;
	s20 =	sadd.s32 $0x10, s20;
	v12 =	vor.u32 s24, v1  }
0x5f: {  	s22 =	sadd.s32 $0x1, s22;
	p1 =	slt.u32 s25, $0xC3500;
	v13 =	vor.u32 s20, v1;
	vm1 =	vge.s32 v11, v0;
	vm2 =	vlt.s32 v11, v2  }
0x60: {  	vm3 =	vmmov vm0  }
0x61: {  	vm1 =	vmand vm1, vm2;
	vm3 =	vmneg @p1 vm3  }
0x62: {  	v11 =	vsub.s32 v11, v0;
	vm1 =	vmand vm3, vm1  }
0x63: {  	v11 =	vnsel vm1, $0x61A8, v11  }
0x64: {  	[tilespmem:v12+s0+$0x0] =	vst.idx.msk $0xffff, v11  }
0x65: {  	v12 =	vld.idx.msk [tilespmem:v13+s15+$0x0], $0xffff  }
0x66: {  	s21 =	sshll.u32 s21, $0x4  }
0x67: {  	s22 =	sand.u32 $0x70, s20;
	s21 =	sand.u32 $0xFFFFFF80, s21  }
0x68: {  	s21 =	sor.u32 s22, s21;
	vm3 =	vmmov vm0;
	v11 =	vor.u32 s3, v4  }
0x69: {  	s24 =	sadd.s32 s20, s10;
	v13 =	vor.u32 s21, v1;
	v14 =	vmul.u32 $0x30, v11;
	v11 =	vshll.u32 v11, $0x4  }
0x6a: {  	p0 =	slt.u32 s24, $0xC3500;
	v11 =	vor.u32 v3, v11;
	vm1 =	vge.s32 v12, v0;
	vm2 =	vlt.s32 v12, v2  }
0x6b: {  	vm3 =	vmneg @p0 vm3;
	v14 =	vadd.s32 v5, v14;
	vm1 =	vmand vm1, vm2  }
0x6c: {  	v12 =	vsub.s32 v12, v0;
	vm1 =	vmand vm3, vm1  }
0x6d: {  	v12 =	vnsel vm1, $0x61A8, v12  }
0x6e: {  	[tilespmem:v13+s0+$0x0] =	vst.idx.msk $0xffff, v12  }
0x6f: {  	v12 =	vld.idx.msk [tilespmem:v11+s18+$0x0], $0xffff  }
0x70: {  	v13 =	vld.idx.msk [tilespmem:v14+s17+$0x0], $0xffff;
	_ =	sdelay $0x4  }
0x71: {  	v12 =	vadd.f32 v12, v13;
	_ =	sdelay $0x1  }
0x72: {  	v13 =	vmul.f32 $2.000000030e-01, v12  }
0x73: {  	vm1 =	vgt.f32 v12, $0.0e+00  }
0x74: {  	v12 =	vsel vm1, v12, v13  }
0x75: {  	v12 =	vmul.f32 $1.442695020e+00, v12;
	_ =	sdelay $0x1  }
0x76: {  	(erf) = vpow2.f32 v12;
	_ =	sdelay $0x2  }
0x77: {  	s25 =	simm.s32 $0x4  }
0x78: {  	s3 =	simm.s32 $0x8;
	v12 =	vor.u32 s25, v4  }
.LBB2_5:
0x79: {  	p0 =	sne.s32 s3, $0x1FC;
	v13 =	vmul.u32 $0x30, v12;
	v12 =	vshll.u32 v12, $0x4  }
0x7a: {  	v12 =	vor.u32 v3, v12  }
0x7b: {  	v13 =	vadd.s32 v5, v13;
	_ =	sdelay $0x1  }
0x7c: {  	v14 =	vpop (erf)  }
0x7d: {  	[tilespmem:v11+s18+$0x0] =	vst.idx.msk $0xffff, v14;
	v11 =	vmov v12  }
0x7e: {  	v12 =	vld.idx.msk [tilespmem:v12+s18+$0x0], $0xffff  }
0x7f: {  	v13 =	vld.idx.msk [tilespmem:v13+s17+$0x0], $0xffff;
	_ =	sdelay $0x5  }
0x80: {  	v12 =	vadd.f32 v12, v13;
	_ =	sdelay $0x1  }
0x81: {  	v13 =	vmul.f32 $2.000000030e-01, v12  }
0x82: {  	vm1 =	vgt.f32 v12, $0.0e+00  }
0x83: {  	v12 =	vsel vm1, v12, v13  }
0x84: {  	v12 =	vmul.f32 $1.442695020e+00, v12;
	_ =	sdelay $0x1  }
.Ltmp1:
0x85: {  	(erf) = vpow2.f32 v12;
	(pc) =	sbr.rel @p0 .LBB2_5-.Ltmp1, $2  }
0x86: {  	_ =	sdelay $0x2  }
0x87: {  	v12 =	vor.u32 s3, v4;
	s3 =	sadd.s32 $0x4, s3  }
0x88: {  	v13 =	vmul.u32 $0x30, v12;
	v12 =	vshll.u32 v12, $0x4  }
0x89: {  	v12 =	vor.u32 v3, v12  }
0x8a: {  	v13 =	vadd.s32 v5, v13;
	_ =	sdelay $0x1  }
0x8b: {  	v14 =	vpop (erf)  }
0x8c: {  	[tilespmem:v11+s18+$0x0] =	vst.idx.msk $0xffff, v14  }
0x8d: {  	v11 =	vld.idx.msk [tilespmem:v12+s18+$0x0], $0xffff  }
0x8e: {  	v13 =	vld.idx.msk [tilespmem:v13+s17+$0x0], $0xffff;
	_ =	sdelay $0x4  }
0x8f: {  	v11 =	vadd.f32 v11, v13;
	_ =	sdelay $0x1  }
0x90: {  	v13 =	vmul.f32 $2.000000030e-01, v11  }
0x91: {  	vm1 =	vgt.f32 v11, $0.0e+00  }
0x92: {  	v11 =	vsel vm1, v11, v13  }
0x93: {  	v11 =	vmul.f32 $1.442695020e+00, v11;
	_ =	sdelay $0x1  }
0x94: {  	(erf) = vpow2.f32 v11;
	_ =	sdelay $0x2  }
0x95: {  	s3 =	simm.s32 $0x0  }
0x96: {  	v11 =	vmov s3  }
0x97: {  	v13 =	vshll.u32 v11, $0x4;
	v14 =	vmul.u32 $0x30, v11  }
0x98: {  	v11 =	vor.u32 v6, v13  }
0x99: {  	v15 =	vor.u32 v1, v14;
	_ =	sdelay $0x1  }
0x9a: {  	v16 =	vpop (erf)  }
0x9b: {  	[tilespmem:v12+s18+$0x0] =	vst.idx.msk $0xffff, v16  }
0x9c: {  	v11 =	vld.idx.msk [tilespmem:v11+s18+$0x0], $0xffff  }
0x9d: {  	v12 =	vld.idx.msk [tilespmem:v15+s17+$0x0], $0xffff;
	_ =	sdelay $0x2  }
0x9e: {  	v16 =	vor.u32 v7, v13  }
0x9f: {  	v17 =	vadd.s32 v8, v14  }
0xa0: {  	v11 =	vmul.f32 v12, v11;
	_ =	sdelay $0x1  }
0xa1: {  	[tilespmem:v15+s17+$0x0] =	vst.idx.msk $0xffff, v11  }
0xa2: {  	v11 =	vld.idx.msk [tilespmem:v16+s18+$0x0], $0xffff  }
0xa3: {  	v12 =	vld.idx.msk [tilespmem:v17+s17+$0x0], $0xffff;
	_ =	sdelay $0x2  }
0xa4: {  	v13 =	vor.u32 v3, v13;
	_ =	sdelay $0x1  }
0xa5: {  	v11 =	vmul.f32 v12, v11;
	_ =	sdelay $0x1  }
0xa6: {  	[tilespmem:v17+s17+$0x0] =	vst.idx.msk $0xffff, v11  }
0xa7: {  	s25 =	simm.s32 $0x1;
	v16 =	vld.idx.msk [tilespmem:v13+s18+$0x0], $0xffff  }
0xa8: {  	v12 =	vmov s25  }
0xa9: {  	v14 =	vadd.s32 v10, v14;
	v11 =	vmul.u32 $0x30, v12;
	v12 =	vshll.u32 v12, $0x4  }
0xaa: {  	v15 =	vor.u32 v6, v12  }
0xab: {  	v13 =	vor.u32 v1, v11  }
0xac: {  	s3 =	simm.s32 $0x2;
	v16 =	vmul.f32 v9, v16  }
.LBB2_7:
0xad: {  	p0 =	sne.s32 s3, $0x1FF;
	s20 =	smov.u32 s3;
	s3 =	sadd.s32 $0x1, s3  }
0xae: {  	[tilespmem:v14+s17+$0x0] =	vst.idx.msk $0xffff, v16  }
0xaf: {  	v14 =	vld.idx.msk [tilespmem:v15+s18+$0x0], $0xffff  }
0xb0: {  	v15 =	vld.idx.msk [tilespmem:v13+s17+$0x0], $0xffff;
	_ =	sdelay $0x3  }
0xb1: {  	v17 =	vadd.s32 v8, v11;
	v16 =	vor.u32 v7, v12;
	_ =	sdelay $0x1  }
0xb2: {  	v14 =	vmul.f32 v15, v14;
	_ =	sdelay $0x1  }
0xb3: {  	[tilespmem:v13+s17+$0x0] =	vst.idx.msk $0xffff, v14  }
0xb4: {  	v13 =	vld.idx.msk [tilespmem:v16+s18+$0x0], $0xffff  }
0xb5: {  	v14 =	vld.idx.msk [tilespmem:v17+s17+$0x0], $0xffff;
	_ =	sdelay $0x2  }
0xb6: {  	v12 =	vor.u32 v3, v12;
	_ =	sdelay $0x2  }
0xb7: {  	v13 =	vmul.f32 v14, v13;
	_ =	sdelay $0x1  }
0xb8: {  	[tilespmem:v17+s17+$0x0] =	vst.idx.msk $0xffff, v13  }
0xb9: {  	v16 =	vld.idx.msk [tilespmem:v12+s18+$0x0], $0xffff;
	_ =	sdelay $0x1  }
.Ltmp2:
0xba: {  	v14 =	vadd.s32 v10, v11;
	v13 =	vmov s20;
	(pc) =	sbr.rel @p0 .LBB2_7-.Ltmp2, $4  }
0xbb: {  	v12 =	vshll.u32 v13, $0x4;
	v11 =	vmul.u32 $0x30, v13  }
0xbc: {  	v15 =	vor.u32 v6, v12  }
0xbd: {  	v13 =	vor.u32 v1, v11  }
0xbe: {  	v16 =	vmul.f32 v9, v16  }
0xbf: {  	_ =	sdelay $0x3  }
0xc0: {  	[tilespmem:v14+s17+$0x0] =	vst.idx.msk $0xffff, v16  }
0xc1: {  	v14 =	vld.idx.msk [tilespmem:v15+s18+$0x0], $0xffff  }
0xc2: {  	v61 =	vld.idx.msk [tilespmem:v13+s17+$0x0], $0xffff;
	_ =	sdelay $0x2  }
0xc3: {  	v62 =	vor.u32 v7, v12  }
0xc4: {  	v17 =	vadd.s32 v8, v11  }
0xc5: {  	v14 =	vmul.f32 v61, v14;
	_ =	sdelay $0x1  }
0xc6: {  	[tilespmem:v13+s17+$0x0] =	vst.idx.msk $0xffff, v14  }
0xc7: {  	v13 =	vld.idx.msk [tilespmem:v62+s18+$0x0], $0xffff  }
0xc8: {  	v14 =	vld.idx.msk [tilespmem:v17+s17+$0x0], $0xffff;
	_ =	sdelay $0x2  }
0xc9: {  	v63 =	vor.u32 v3, v12;
	_ =	sdelay $0x1  }
0xca: {  	v13 =	vmul.f32 v14, v13;
	_ =	sdelay $0x1  }
0xcb: {  	[tilespmem:v17+s17+$0x0] =	vst.idx.msk $0xffff, v13  }
0xcc: {  	v12 =	vld.idx.msk [tilespmem:v63+s18+$0x0], $0xffff;
	_ =	sdelay $0x1  }
0xcd: {  	v11 =	vadd.s32 v10, v11;
	_ =	sdelay $0x2  }
0xce: {  	v12 =	vmul.f32 v9, v12;
	_ =	sdelay $0x1  }
0xcf: {  	[tilespmem:v11+s17+$0x0] =	vst.idx.msk $0xffff, v12  }
0xd0: {  	[spmem:s2] =	stream.indirect.scatter.add.f32 [tilespmem:s17], [sflag:$0x3], $0x30, s0, s16, $0xb8;
	[tilespmem:$0x1AC00] =	vst v63  }
0xd1: {  	_ =	swait.ge [sflag:s14], $0x1800  }
0xd2: {  	[sflag:s14] =	ssyncset.done $0x0  }
0xd3: {  	[sflag:s14] =	ssyncadd.s32 $0xFFFFE800  }
0xd4: {  	[spmem:s2] =	stream.indirect.scatter.add.f32 [tilespmem:s19], [sflag:$0x3], $0x30, s8, s16, $0xb8;
	[tilespmem:$0x1AC00] =	vst v63  }
0xd5: {  	_ =	swait.ge [sflag:s14], $0x1800  }
0xd6: {  	[sflag:s14] =	ssyncset.done $0x0  }
0xd7: {  	[sflag:s14] =	ssyncadd.s32 $0xFFFFE800  }
0xd8: {  	[spmem:s2] =	stream.indirect.scatter.add.f32 [tilespmem:s23], [sflag:$0x3], $0x30, s11, s16, $0xb8;
	[tilespmem:$0x1AC00] =	vst v63  }
0xd9: {  	s13 =	sadd.s32 $0x1, s13;
	_ =	swait.ge [sflag:s14], $0x1800  }
0xda: {  	p0 =	sne.s32 s13, $0x62;
	[sflag:s14] =	ssyncset.done $0x0  }
.Ltmp3:
0xdb: {  	[sflag:s14] =	ssyncadd.s32 $0xFFFFE800;
	(pc) =	sbr.rel @p0 .LBB2_2-.Ltmp3, $4  }
0xdc: {  	[spmem:s2] =	stream.indirect.scatter.add.f32 [tilespmem:s28], [sflag:$0x3], $0x30, s12, s16, $0xb8;
	[tilespmem:$0x1AC00] =	vst v63  }
0xdd: {  	_ =	swait.ge [sflag:s14], $0x1800  }
0xde: {  	[sflag:s14] =	ssyncset.done $0x0  }
0xdf: {  	s10 =	sadd.s32 $0x2000, s10;
	[sflag:s14] =	ssyncadd.s32 $0xFFFFE800  }
0xe0: {  	[bflag:$0x0] =	sbarrier.arrive $0xFFFF  }
0xe1: {  	s10 =	rddreg [dreg:$0x5]  }
0xe2: {  	s3 =	rddreg [dreg:$0x6]  }
0xe3: {  	s20 =	rddreg [dreg:$0x8]  }
0xe4: {  	[hbm:s3], [sflag:s10] =	dma.local [spmem:s20], $0x24C0  }
0xe5: {  	_ =	swait.ge [sflag:s14], $0x24C0  }
0xe6: {  	s13 =	rddreg [dreg:$0x3]  }
0xe7: {  	s25 =	rddreg [dreg:$0x7];
	s13 =	sadd.s32 $0x1, s13  }
0xe8: {  	p0 =	sne.s32 s13, s25  }
.Ltmp4:
0xe9: {  	_ = 	snop;
	(pc) =	sbr.rel @p0 .LBB2_1-.Ltmp4, $3  }
0xea: {  	_ =	sdelay $0x1  }
0xeb: {  	[sflag:s14] =	ssyncset.done $0x0  }
0xec: {  	[sflag:s14] =	ssyncadd.s32 $0xFFFFDB40  }
0xed: {  	_ =	sfence.sel $0x180000  }
0xee: {  	[bflag:$0x0] =	sbarrier.arrive $0xFFFF  }
0xef: {  	_ =	strace $0x9000004A  }
0xf0: {  	s0 =	stileid.u32;
	[bflag:$0x2] =	sbarrier.arrive $0xFFFF  }
0xf1: {  	p0 =	sne.s32 s0, $0x0;
	s0 =	rddreg [dreg:$0x2]  }
0xf2: {  	s0 =	sadd.s32 @!p0 $0x100000, s0  }
0xf3: {  	[sflag:s0] =	ssyncadd.tile.s32 @!p0 $0x1;
	_ =	shalt  }
.Lfunc_end2:
_tile_overlayer_lowered:
.L_overlay_start_2:
0xf4: {  	(tag) =	ssettag $0x2  }
0xf5: {  	s0 =	rddreg [dreg:$0x0];
	s2 =	stileid.u32  }
0xf6: {  	s1 =	rddreg [dreg:$0x1];
	p0 =	sne.s32 s2, $0x0  }
0xf7: {  	s3 =	rddreg [dreg:$0x2];
	[bflag:$0x3] =	sbarrier.arrive $0xFFFF;
	s2 =	simm.s32 @!p0 $0x1C03  }
0xf8: {  	[timem:s3], [sflag:s2] =	dma.local @!p0 [hbm:s0], s1  }
0xf9: {  	s0 =	simm.s32 @!p0 $0x3  }
0xfa: {  	_ =	swait.ge @!p0 [sflag:s0], s1  }
0xfb: {  	s1 =	ssub.s32 @!p0 $0x0, s1;
	[sflag:s0] =	ssyncset.done @!p0 $0x0  }
0xfc: {  	[sflag:s0] =	ssyncadd.s32 @!p0 s1  }
0xfd: {  	[bflag:$0x3] =	sbarrier.arrive $0xFFFF  }
0xfe: {  	_ =	shalt  }

</sc_bundles>
